<compile_context>
chip_gen: v7x
topology: tpu7x:2x2x1
jax: 0.10.2.dev20260603
libtpu: 0.0.44.dev20260713+nightly
codegen_flags: <defaults>
</compile_context>

<pallas_src>
import functools

import jax
import jax.numpy as jnp
from jax import lax
from jax.experimental import pallas as pl
from jax.experimental.pallas import tpu as pltpu
from jax.experimental.pallas import tpu_sc as plsc

def _vshuf(x, idx):
    return lax.gather(
        x, idx[:, None],
        dimension_numbers=lax.GatherDimensionNumbers(
            offset_dims=(), collapsed_slice_dims=(0,), start_index_map=(0,)),
        slice_sizes=(1,), mode=lax.GatherScatterMode.PROMISE_IN_BOUNDS)


N_PATH = 16
K_PATH = 4
L_PATH = 8
DEG = 16

NT = 64
HN = NT // 2
W = NT * N_PATH
HW = HN * N_PATH
NWORKERS = 32


def _sampler_body(n_node, ntiles, nper,
                  nodes_h, neigh_h, cent_h, choices_h, mr_h, out_h,
                  neigh_s, cent_v, nodes_v, choices_v, mr_v,
                  idx_a, idx_b, nxt_a, nxt_b,
                  path_v, score_v, out_v, tbl_v, sem_a, sem_b, sem_c,
                  sem_o, sem_p):
    sid = lax.axis_index("s")
    wid = sid * 2 + lax.axis_index("c")

    seg = n_node * DEG // 16

    @pl.loop(0, seg // 2000)
    def _stage(ci):
        toff = sid * seg + ci * 2000
        pltpu.sync_copy(neigh_h.at[pl.ds(toff, 2000)], tbl_v)
        pltpu.sync_copy(tbl_v, neigh_s.at[pl.ds(toff, 2000)])

    pltpu.sync_copy(cent_h, cent_v)
    plsc.subcore_barrier()

    iota = lax.iota(jnp.int32, 16)
    iota8w = (iota & 7) * W
    lane_lo = iota < 8
    kofn_a = jnp.where(lane_lo, 0, 8 * NT) + (iota & 7) * NT
    kofn_b = kofn_a + 16 * NT
    iota16 = lax.iota(jnp.int32, 16)
    neg_inf = jnp.float32(float("-inf"))
    MRW = 256

    def init_half(lo, idx_ref):
        @pl.loop(lo, lo + HN)
        def _init(v):
            o = v * N_PATH
            ol = o - lo * N_PATH
            start = plsc.load_gather(nodes_v, [jnp.zeros((16,), jnp.int32) + v])
            path_v[pl.ds(o, 16)] = start
            score_v[pl.ds(o, 16)] = plsc.load_gather(cent_v, [start])
            ch = choices_v[0, pl.ds(o, 16)]
            idx_ref[pl.ds(ol, 16)] = ch * n_node + start

    def process_half(lo, nxt_ref, idx_ref, t, off):
        @pl.loop(lo, lo + HN)
        def _step(v):
            o = v * N_PATH
            ol = o - lo * N_PATH
            nxt = nxt_ref[pl.ds(ol, 16)]
            mr = plsc.load_gather(mr_v, [iota16, off + v])
            keep = mr >= t
            path_v[pl.ds(t * W + o, 16)] = jnp.where(keep, nxt, -1)
            c = plsc.load_gather(cent_v, [nxt])
            plsc.addupdate(score_v.at[pl.ds(o, 16)],
                           jnp.where(keep, c, jnp.float32(0.0)))
            if t < L_PATH - 1:
                ch = choices_v[t, pl.ds(o, 16)]
                idx_ref[pl.ds(ol, 16)] = ch * n_node + nxt

    OUTSZ = K_PATH * L_PATH * NT

    def do_tile(tid, parity):
        base = jnp.minimum(tid * NT, n_node - NT)
        wbase = pl.multiple_of(base * N_PATH, 128)
        base0 = pl.multiple_of(base - lax.rem(base, 128), 128)
        off = (base - base0) + jnp.zeros((16,), jnp.int32)
        pltpu.sync_copy(nodes_h.at[pl.ds(base, NT)], nodes_v)
        cp_ch = pltpu.async_copy(choices_h.at[:, pl.ds(wbase, W)],
                                 choices_v, sem_c)
        cp_mr = pltpu.async_copy(mr_h.at[:, pl.ds(base0, MRW)], mr_v, sem_c)
        cp_ch.wait()
        cp_mr.wait()

        init_half(0, idx_a)
        cp_a = pltpu.async_copy(neigh_s.at[idx_a], nxt_a, sem_a)
        init_half(HN, idx_b)
        cp_b = pltpu.async_copy(neigh_s.at[idx_b], nxt_b, sem_b)

        for t in range(1, L_PATH):
            cp_a.wait()
            process_half(0, nxt_a, idx_a, t, off)
            if t < L_PATH - 1:
                cp_a = pltpu.async_copy(neigh_s.at[idx_a], nxt_a, sem_a)
            cp_b.wait()
            process_half(HN, nxt_b, idx_b, t, off)
            if t < L_PATH - 1:
                cp_b = pltpu.async_copy(neigh_s.at[idx_b], nxt_b, sem_b)

        poff = parity * OUTSZ

        @pl.loop(0, NT)
        def _select(v):
            o = v * N_PATH
            s = score_v[pl.ds(o, 16)]
            picks = []
            for _ in range(K_PATH):
                m = s
                for sh in (1, 2, 4, 8):
                    m = jnp.maximum(m, _vshuf(m, iota ^ sh))
                i = plsc.all_reduce_ffs(s == m)
                picks.append(i)
                s = jnp.where(iota == i, neg_inf, s)
            sel_a = jnp.where(lane_lo, picks[0], picks[1])
            pa = plsc.load_gather(path_v, [iota8w + o + sel_a])
            plsc.store_scatter(out_v, [poff + kofn_a + v], pa)
            sel_b = jnp.where(lane_lo, picks[2], picks[3])
            pb = plsc.load_gather(path_v, [iota8w + o + sel_b])
            plsc.store_scatter(out_v, [poff + kofn_b + v], pb)

        @pl.when(parity == 0)
        def _():
            for seg in range(K_PATH * L_PATH):
                pltpu.async_copy(out_v.at[pl.ds(seg * NT, NT)],
                                 out_h.at[pl.ds(seg * n_node + base, NT)],
                                 sem_p)

        @pl.when(parity == 1)
        def _():
            for seg in range(K_PATH * L_PATH):
                pltpu.async_copy(out_v.at[pl.ds(OUTSZ + seg * NT, NT)],
                                 out_h.at[pl.ds(seg * n_node + base, NT)],
                                 sem_o)

    @pl.loop(0, nper)
    def _tiles(j):
        tid = wid + j * NWORKERS
        parity = lax.rem(j, 2)

        @pl.when(tid < ntiles)
        def _():
            @pl.when((j > 1) & (parity == 0))
            def _():
                pltpu.make_async_copy(out_h.at[pl.ds(0, OUTSZ)],
                                      out_v.at[pl.ds(0, OUTSZ)], sem_p).wait()

            @pl.when((j > 1) & (parity == 1))
            def _():
                pltpu.make_async_copy(out_h.at[pl.ds(0, OUTSZ)],
                                      out_v.at[pl.ds(OUTSZ, OUTSZ)],
                                      sem_o).wait()

            do_tile(tid, parity)

    pltpu.make_async_copy(out_h.at[pl.ds(0, OUTSZ)],
                          out_v.at[pl.ds(0, OUTSZ)], sem_p).wait()
    pltpu.make_async_copy(out_h.at[pl.ds(0, OUTSZ)],
                          out_v.at[pl.ds(OUTSZ, OUTSZ)], sem_o).wait()


def kernel(nodes, neighbors, centrality, walk_choices, mask_rand):
    n_node = nodes.shape[0]
    ntiles = -(-n_node // NT)
    nper = -(-ntiles // NWORKERS)
    max_base0 = (n_node - NT) - ((n_node - NT) % 128)
    mr_pad = max_base0 + 256 - n_node

    mesh = plsc.VectorSubcoreMesh(core_axis_name="c", subcore_axis_name="s")
    run = pl.kernel(
        functools.partial(_sampler_body, n_node, ntiles, nper),
        out_type=jax.ShapeDtypeStruct((n_node * K_PATH * L_PATH,), jnp.int32),
        mesh=mesh,
        compiler_params=pltpu.CompilerParams(needs_layout_passes=False),
        scratch_types=[
            pltpu.VMEM_SHARED((n_node * DEG,), jnp.int32),
            pltpu.VMEM((n_node,), jnp.float32),
            pltpu.VMEM((NT,), jnp.int32),
            pltpu.VMEM((L_PATH - 1, W), jnp.int32),
            pltpu.VMEM((N_PATH, 256), jnp.int32),
            pltpu.VMEM((HW,), jnp.int32),
            pltpu.VMEM((HW,), jnp.int32),
            pltpu.VMEM((HW,), jnp.int32),
            pltpu.VMEM((HW,), jnp.int32),
            pltpu.VMEM((L_PATH * W,), jnp.int32),
            pltpu.VMEM((W,), jnp.float32),
            pltpu.VMEM((2 * K_PATH * L_PATH * NT,), jnp.int32),
            pltpu.VMEM((2000,), jnp.int32),
            pltpu.SemaphoreType.DMA,
            pltpu.SemaphoreType.DMA,
            pltpu.SemaphoreType.DMA,
            pltpu.SemaphoreType.DMA,
            pltpu.SemaphoreType.DMA,
        ],
    )
    out = run(nodes,
              jnp.swapaxes(neighbors, 0, 1).reshape(-1),
              centrality,
              jnp.swapaxes(walk_choices, 0, 1),
              jnp.pad(jnp.swapaxes(mask_rand, 0, 1), ((0, 0), (0, mr_pad))))
    return jnp.transpose(out.reshape(K_PATH, L_PATH, n_node), (2, 0, 1))

# --- scband reference (transcript-rebuilt; emitter-appended) ---
"""Pipeline reference for scband-path-sampler-23776938951361 (READ-ONLY COPY).

The authoritative reference and input builder live on the scoring server;
editing this copy changes nothing except your own understanding.
"""

import jax, jax.numpy as jnp
import numpy as np

N_PATH = 16
K_PATH = 4
L_PATH = 8
N_NODES = 50000
DEG = 16


def setup_inputs(seed: int = 0) -> dict:
    key = jax.random.key(seed)
    k1, k2, k3, k4, k5 = jax.random.split(key, 5)
    nodes = jax.random.randint(k1, (N_NODES,), 0, N_NODES)
    neighbors = jax.random.randint(k2, (N_NODES, DEG), 0, N_NODES)
    centrality = jax.random.normal(k3, (N_NODES,), dtype=jnp.float32)
    walk_choices = jax.random.randint(k4, (N_NODES * N_PATH, L_PATH - 1), 0, DEG)
    mask_rand = jax.random.randint(k5, (N_NODES, N_PATH), 0, L_PATH)
    return {"nodes": nodes, "neighbors": neighbors, "centrality": centrality,
            "walk_choices": walk_choices, "mask_rand": mask_rand}


def reference(nodes, neighbors, centrality, walk_choices, mask_rand):
    n_node = nodes.shape[0]
    # random walk: start nodes repeated n_path times, step via padded adjacency gather
    start = jnp.repeat(nodes, N_PATH)
    steps = [start]
    cur = start
    for t in range(L_PATH - 1):
        cur = neighbors[cur, walk_choices[:, t]]
        steps.append(cur)
    paths = jnp.stack(steps, axis=-1).reshape(n_node, N_PATH, L_PATH)
    # meta_mask = ~tril(full True): meta_mask[r] is True at positions > r
    pos = jnp.arange(L_PATH)
    mask = pos[None, None, :] > mask_rand[:, :, None]
    paths = jnp.where(mask, -1, paths)
    # path selection: centrality extended with a zero row so index -1 hits 0
    cent_ext = jnp.concatenate([centrality, jnp.zeros((1,), centrality.dtype)])
    scores = jnp.sum(cent_ext[paths], axis=-1)
    _, topk_idx = jax.lax.top_k(scores, K_PATH)
    idx = jnp.broadcast_to(topk_idx[:, :, None], (n_node, K_PATH, L_PATH))
    paths_sel = jnp.take_along_axis(paths, idx, axis=1)
    return paths_sel

if __name__ == "__main__":
    import jax
    _d = setup_inputs()
    print(jax.jit(kernel)(*tuple(_d.values())))

</pallas_src>

<mosaic_0001>
#map = affine_map<(d0, d1) -> (0)>
#map1 = affine_map<(d0, d1) -> (0, 0)>
module attributes {stable_mosaic.version = 14 : i64} {
  func.func @_sampler_body(%arg0: i32, %arg1: i32, %arg2: memref<50000xi32, #tpu.memory_space<hbm>>, %arg3: memref<800000xi32, #tpu.memory_space<hbm>>, %arg4: memref<50000xf32, #tpu.memory_space<hbm>>, %arg5: memref<7x800000xi32, #tpu.memory_space<hbm>>, %arg6: memref<16x50176xi32, #tpu.memory_space<hbm>>, %arg7: memref<1600000xi32, #tpu.memory_space<hbm>>, %arg8: memref<800000xi32, #tpu.memory_space<vmem_shared>>, %arg9: memref<50000xf32, #tpu.memory_space<vmem>>, %arg10: memref<64xi32, #tpu.memory_space<vmem>>, %arg11: memref<7x1024xi32, #tpu.memory_space<vmem>>, %arg12: memref<16x256xi32, #tpu.memory_space<vmem>>, %arg13: memref<512xi32, #tpu.memory_space<vmem>>, %arg14: memref<512xi32, #tpu.memory_space<vmem>>, %arg15: memref<512xi32, #tpu.memory_space<vmem>>, %arg16: memref<512xi32, #tpu.memory_space<vmem>>, %arg17: memref<8192xi32, #tpu.memory_space<vmem>>, %arg18: memref<1024xf32, #tpu.memory_space<vmem>>, %arg19: memref<4096xi32, #tpu.memory_space<vmem>>, %arg20: memref<2000xi32, #tpu.memory_space<vmem>>, %arg21: memref<!tpu.dma_semaphore, #tpu.memory_space<semaphore_mem>>, %arg22: memref<!tpu.dma_semaphore, #tpu.memory_space<semaphore_mem>>, %arg23: memref<!tpu.dma_semaphore, #tpu.memory_space<semaphore_mem>>, %arg24: memref<!tpu.dma_semaphore, #tpu.memory_space<semaphore_mem>>, %arg25: memref<!tpu.dma_semaphore, #tpu.memory_space<semaphore_mem>>) attributes {dimension_semantics = [#tpu.dimension_semantics<core_parallel>, #tpu.dimension_semantics<subcore_parallel>], iteration_bounds = array<i64: 2, 16>, scalar_prefetch = 0 : i64, scratch_operands = 18 : i64, tpu.core_type = #tpu.core_type<sc_vector_subcore>, window_params = [{transform_indices = #map}, {transform_indices = #map}, {transform_indices = #map}, {transform_indices = #map1}, {transform_indices = #map1}, {transform_indices = #map}]} {
    %mul3A = arith.constant 2 : i32
    %mul3A_0 = arith.muli %arg1, %mul3A : i32
    %add3A = arith.addi %mul3A_0, %arg0 : i32
    %scan3A = arith.constant 0 : i32
    %scan3A_1 = arith.constant 25 : i32
    %scan3A_2 = arith.addi %scan3A, %scan3A_1 : i32
    %scan3A_3 = arith.constant 1 : i32
    scf.for %scan3A_46 = %scan3A to %scan3A_2 step %scan3A_3  : i32 {
      %mul3A_47 = arith.constant 1 : i32
      %mul3A_48 = arith.muli %scan3A_46, %mul3A_47 : i32
      %add3A_49 = arith.constant 0 : i32
      %add3A_50 = arith.addi %add3A_49, %mul3A_48 : i32
      %mul3A_51 = arith.constant 50000 : i32
      %mul3A_52 = arith.muli %arg1, %mul3A_51 : i32
      %mul3A_53 = arith.constant 2000 : i32
      %mul3A_54 = arith.muli %add3A_50, %mul3A_53 : i32
      %add3A_55 = arith.addi %mul3A_52, %mul3A_54 : i32
      "tpu.region"() ({
        %run_scoped3A = tpu.sem_alloc : memref<!tpu.dma_semaphore, #tpu.memory_space<semaphore_mem>>
        %dma_start3A = tpu.memref_slice %arg3[%add3A_55] : memref<800000xi32, #tpu.memory_space<hbm>> -> memref<2000xi32, #tpu.memory_space<hbm>>
        %dma_start3A_56 = tpu.memref_slice %arg3[%add3A_55] : memref<800000xi32, #tpu.memory_space<hbm>> -> memref<2000xi32, #tpu.memory_space<hbm>>
        tpu.enqueue_dma source(%dma_start3A_56 : memref<2000xi32, #tpu.memory_space<hbm>>) target(%arg20 : memref<2000xi32, #tpu.memory_space<vmem>>) target_semaphore(%run_scoped3A : memref<!tpu.dma_semaphore, #tpu.memory_space<semaphore_mem>>)
        %dma_wait3A_57 = tpu.memref_slice %arg3[%add3A_55] : memref<800000xi32, #tpu.memory_space<hbm>> -> memref<2000xi32, #tpu.memory_space<hbm>>
        %dma_wait3A_58 = tpu.memref_slice %arg3[%add3A_55] : memref<800000xi32, #tpu.memory_space<hbm>> -> memref<2000xi32, #tpu.memory_space<hbm>>
        tpu.wait_dma2 semaphore(%run_scoped3A : memref<!tpu.dma_semaphore, #tpu.memory_space<semaphore_mem>>) src(%dma_wait3A_58 : memref<2000xi32, #tpu.memory_space<hbm>>) dst(%arg20 : memref<2000xi32, #tpu.memory_space<vmem>>)
        tpu.yield
      }) : () -> ()
      "tpu.region"() ({
        %run_scoped3A = tpu.sem_alloc : memref<!tpu.dma_semaphore, #tpu.memory_space<semaphore_mem>>
        %dma_start3A = tpu.memref_slice %arg8[%add3A_55] : memref<800000xi32, #tpu.memory_space<vmem_shared>> -> memref<2000xi32, #tpu.memory_space<vmem_shared>>
        %dma_start3A_56 = tpu.memref_slice %arg8[%add3A_55] : memref<800000xi32, #tpu.memory_space<vmem_shared>> -> memref<2000xi32, #tpu.memory_space<vmem_shared>>
        tpu.enqueue_dma source(%arg20 : memref<2000xi32, #tpu.memory_space<vmem>>) target(%dma_start3A_56 : memref<2000xi32, #tpu.memory_space<vmem_shared>>) target_semaphore(%run_scoped3A : memref<!tpu.dma_semaphore, #tpu.memory_space<semaphore_mem>>)
        %dma_wait3A_57 = tpu.memref_slice %arg8[%add3A_55] : memref<800000xi32, #tpu.memory_space<vmem_shared>> -> memref<2000xi32, #tpu.memory_space<vmem_shared>>
        %dma_wait3A_58 = tpu.memref_slice %arg8[%add3A_55] : memref<800000xi32, #tpu.memory_space<vmem_shared>> -> memref<2000xi32, #tpu.memory_space<vmem_shared>>
        tpu.wait_dma2 semaphore(%run_scoped3A : memref<!tpu.dma_semaphore, #tpu.memory_space<semaphore_mem>>) src(%arg20 : memref<2000xi32, #tpu.memory_space<vmem>>) dst(%dma_wait3A_58 : memref<2000xi32, #tpu.memory_space<vmem_shared>>)
        tpu.yield
      }) : () -> ()
    }
    %scan3A_4 = arith.constant 25 : i32
    "tpu.region"() ({
      %run_scoped3A = tpu.sem_alloc : memref<!tpu.dma_semaphore, #tpu.memory_space<semaphore_mem>>
      tpu.enqueue_dma source(%arg4 : memref<50000xf32, #tpu.memory_space<hbm>>) target(%arg9 : memref<50000xf32, #tpu.memory_space<vmem>>) target_semaphore(%run_scoped3A : memref<!tpu.dma_semaphore, #tpu.memory_space<semaphore_mem>>)
      tpu.wait_dma2 semaphore(%run_scoped3A : memref<!tpu.dma_semaphore, #tpu.memory_space<semaphore_mem>>) src(%arg4 : memref<50000xf32, #tpu.memory_space<hbm>>) dst(%arg9 : memref<50000xf32, #tpu.memory_space<vmem>>)
      tpu.yield
    }) : () -> ()
    %barrier3A = arith.constant 0 : index
    tpu.barrier barrier_id(%barrier3A)
    %iota3A = tpu.iota {dimensions = array<i32: 0>} : vector<16xi32>
    %and3A = arith.constant 7 : i32
    %and3A_5 = vector.broadcast %and3A : i32 to vector<16xi32>
    %and3A_6 = arith.andi %iota3A, %and3A_5 : vector<16xi32>
    %mul3A_7 = arith.constant 1024 : i32
    %mul3A_8 = vector.broadcast %mul3A_7 : i32 to vector<16xi32>
    %mul3A_9 = arith.muli %and3A_6, %mul3A_8 : vector<16xi32>
    %lt3A = arith.constant 8 : i32
    %lt3A_10 = vector.broadcast %lt3A : i32 to vector<16xi32>
    %lt3A_11 = arith.cmpi slt, %iota3A, %lt3A_10 : vector<16xi32>
    %jit3A = arith.constant 0 : i32
    %jit3A_12 = arith.constant 512 : i32
    %broadcast_in_dim3A = vector.broadcast %jit3A : i32 to vector<16xi32>
    %broadcast_in_dim3A_13 = vector.broadcast %jit3A_12 : i32 to vector<16xi32>
    %select_n3A = arith.select %lt3A_11, %broadcast_in_dim3A, %broadcast_in_dim3A_13 : vector<16xi1>, vector<16xi32>
    %and3A_14 = arith.constant 7 : i32
    %and3A_15 = vector.broadcast %and3A_14 : i32 to vector<16xi32>
    %and3A_16 = arith.andi %iota3A, %and3A_15 : vector<16xi32>
    %mul3A_17 = arith.constant 64 : i32
    %mul3A_18 = vector.broadcast %mul3A_17 : i32 to vector<16xi32>
    %mul3A_19 = arith.muli %and3A_16, %mul3A_18 : vector<16xi32>
    %add3A_20 = arith.addi %select_n3A, %mul3A_19 : vector<16xi32>
    %add3A_21 = arith.constant 1024 : i32
    %add3A_22 = vector.broadcast %add3A_21 : i32 to vector<16xi32>
    %add3A_23 = arith.addi %add3A_20, %add3A_22 : vector<16xi32>
    %iota3A_24 = tpu.iota {dimensions = array<i32: 0>} : vector<16xi32>
    %scan3A_25 = arith.constant 0xFF800000 : f32
    %scan3A_26 = arith.constant 0 : i32
    %scan3A_27 = arith.constant 25 : i32
    %scan3A_28 = arith.addi %scan3A_26, %scan3A_27 : i32
    %scan3A_29 = arith.constant 1 : i32
    scf.for %scan3A_46 = %scan3A_26 to %scan3A_28 step %scan3A_29  : i32 {
      %mul3A_47 = arith.constant 1 : i32
      %mul3A_48 = arith.muli %scan3A_46, %mul3A_47 : i32
      %add3A_49 = arith.constant 0 : i32
      %add3A_50 = arith.addi %add3A_49, %mul3A_48 : i32
      %mul3A_51 = arith.constant 32 : i32
      %mul3A_52 = arith.muli %add3A_50, %mul3A_51 : i32
      %add3A_53 = arith.addi %add3A, %mul3A_52 : i32
      %rem3A = arith.constant 2 : i32
      %rem3A_54 = arith.remsi %add3A_50, %rem3A : i32
      %lt3A_55 = arith.constant 782 : i32
      %lt3A_56 = arith.cmpi slt, %add3A_53, %lt3A_55 : i32
      %convert_element_type3A = arith.extui %lt3A_56 : i1 to i32
      %cond3A = arith.constant 0 : i32
      %cond3A_57 = arith.cmpi ne, %convert_element_type3A, %cond3A : i32
      scf.if %cond3A_57 {
        %gt3A = arith.constant 1 : i32
        %gt3A_58 = arith.cmpi sgt, %add3A_50, %gt3A : i32
        %eq3A = arith.constant 0 : i32
        %eq3A_59 = arith.cmpi eq, %rem3A_54, %eq3A : i32
        %and3A_60 = arith.andi %gt3A_58, %eq3A_59 : i1
        %convert_element_type3A_61 = arith.extui %and3A_60 : i1 to i32
        %cond3A_62 = arith.constant 0 : i32
        %cond3A_63 = arith.cmpi ne, %convert_element_type3A_61, %cond3A_62 : i32
        scf.if %cond3A_63 {
          %dma_wait3A_253 = arith.constant 0 : i32
          %dma_wait3A_254 = tpu.memref_slice %arg19[%dma_wait3A_253] : memref<4096xi32, #tpu.memory_space<vmem>> -> memref<2048xi32, #tpu.memory_space<vmem>>
          %dma_wait3A_255 = arith.constant 0 : i32
          %dma_wait3A_256 = tpu.memref_slice %arg7[%dma_wait3A_255] : memref<1600000xi32, #tpu.memory_space<hbm>> -> memref<2048xi32, #tpu.memory_space<hbm>>
          %dma_wait3A_257 = arith.constant 0 : i32
          %dma_wait3A_258 = tpu.memref_slice %arg19[%dma_wait3A_257] : memref<4096xi32, #tpu.memory_space<vmem>> -> memref<2048xi32, #tpu.memory_space<vmem>>
          %dma_wait3A_259 = arith.constant 0 : i32
          %dma_wait3A_260 = tpu.memref_slice %arg7[%dma_wait3A_259] : memref<1600000xi32, #tpu.memory_space<hbm>> -> memref<2048xi32, #tpu.memory_space<hbm>>
          tpu.wait_dma2 semaphore(%arg25 : memref<!tpu.dma_semaphore, #tpu.memory_space<semaphore_mem>>) src(%dma_wait3A_260 : memref<2048xi32, #tpu.memory_space<hbm>>) dst(%dma_wait3A_258 : memref<2048xi32, #tpu.memory_space<vmem>>)
        } else {
        }
        %gt3A_64 = arith.constant 1 : i32
        %gt3A_65 = arith.cmpi sgt, %add3A_50, %gt3A_64 : i32
        %eq3A_66 = arith.constant 1 : i32
        %eq3A_67 = arith.cmpi eq, %rem3A_54, %eq3A_66 : i32
        %and3A_68 = arith.andi %gt3A_65, %eq3A_67 : i1
        %convert_element_type3A_69 = arith.extui %and3A_68 : i1 to i32
        %cond3A_70 = arith.constant 0 : i32
        %cond3A_71 = arith.cmpi ne, %convert_element_type3A_69, %cond3A_70 : i32
        scf.if %cond3A_71 {
          %dma_wait3A_253 = arith.constant 2048 : i32
          %dma_wait3A_254 = tpu.memref_slice %arg19[%dma_wait3A_253] : memref<4096xi32, #tpu.memory_space<vmem>> -> memref<2048xi32, #tpu.memory_space<vmem>>
          %dma_wait3A_255 = arith.constant 0 : i32
          %dma_wait3A_256 = tpu.memref_slice %arg7[%dma_wait3A_255] : memref<1600000xi32, #tpu.memory_space<hbm>> -> memref<2048xi32, #tpu.memory_space<hbm>>
          %dma_wait3A_257 = arith.constant 2048 : i32
          %dma_wait3A_258 = tpu.memref_slice %arg19[%dma_wait3A_257] : memref<4096xi32, #tpu.memory_space<vmem>> -> memref<2048xi32, #tpu.memory_space<vmem>>
          %dma_wait3A_259 = arith.constant 0 : i32
          %dma_wait3A_260 = tpu.memref_slice %arg7[%dma_wait3A_259] : memref<1600000xi32, #tpu.memory_space<hbm>> -> memref<2048xi32, #tpu.memory_space<hbm>>
          tpu.wait_dma2 semaphore(%arg24 : memref<!tpu.dma_semaphore, #tpu.memory_space<semaphore_mem>>) src(%dma_wait3A_260 : memref<2048xi32, #tpu.memory_space<hbm>>) dst(%dma_wait3A_258 : memref<2048xi32, #tpu.memory_space<vmem>>)
        } else {
        }
        %mul3A_72 = arith.constant 64 : i32
        %mul3A_73 = arith.muli %add3A_53, %mul3A_72 : i32
        %min3A = arith.constant 49936 : i32
        %min3A_74 = arith.minsi %mul3A_73, %min3A : i32
        %mul3A_75 = arith.constant 16 : i32
        %mul3A_76 = arith.muli %min3A_74, %mul3A_75 : i32
        %multiple_of3A = tpu.assume_multiple %mul3A_76, 128 : i32
        %rem3A_77 = arith.constant 128 : i32
        %rem3A_78 = arith.remsi %min3A_74, %rem3A_77 : i32
        %sub3A = arith.subi %min3A_74, %rem3A_78 : i32
        %multiple_of3A_79 = tpu.assume_multiple %sub3A, 128 : i32
        %sub3A_80 = arith.subi %min3A_74, %multiple_of3A_79 : i32
        %broadcast_in_dim3A_81 = arith.constant 0 : i32
        %broadcast_in_dim3A_82 = vector.broadcast %broadcast_in_dim3A_81 : i32 to vector<16xi32>
        %add3A_83 = vector.broadcast %sub3A_80 : i32 to vector<16xi32>
        %add3A_84 = arith.addi %add3A_83, %broadcast_in_dim3A_82 : vector<16xi32>
        "tpu.region"() ({
          %run_scoped3A = tpu.sem_alloc : memref<!tpu.dma_semaphore, #tpu.memory_space<semaphore_mem>>
          %dma_start3A_253 = tpu.memref_slice %arg2[%min3A_74] : memref<50000xi32, #tpu.memory_space<hbm>> -> memref<64xi32, #tpu.memory_space<hbm>>
          %dma_start3A_254 = tpu.memref_slice %arg2[%min3A_74] : memref<50000xi32, #tpu.memory_space<hbm>> -> memref<64xi32, #tpu.memory_space<hbm>>
          tpu.enqueue_dma source(%dma_start3A_254 : memref<64xi32, #tpu.memory_space<hbm>>) target(%arg10 : memref<64xi32, #tpu.memory_space<vmem>>) target_semaphore(%run_scoped3A : memref<!tpu.dma_semaphore, #tpu.memory_space<semaphore_mem>>)
          %dma_wait3A_255 = tpu.memref_slice %arg2[%min3A_74] : memref<50000xi32, #tpu.memory_space<hbm>> -> memref<64xi32, #tpu.memory_space<hbm>>
          %dma_wait3A_256 = tpu.memref_slice %arg2[%min3A_74] : memref<50000xi32, #tpu.memory_space<hbm>> -> memref<64xi32, #tpu.memory_space<hbm>>
          tpu.wait_dma2 semaphore(%run_scoped3A : memref<!tpu.dma_semaphore, #tpu.memory_space<semaphore_mem>>) src(%dma_wait3A_256 : memref<64xi32, #tpu.memory_space<hbm>>) dst(%arg10 : memref<64xi32, #tpu.memory_space<vmem>>)
          tpu.yield
        }) : () -> ()
        %dma_start3A = arith.constant 0 : i32
        %dma_start3A_85 = tpu.memref_slice %arg5[%dma_start3A, %multiple_of3A] : memref<7x800000xi32, #tpu.memory_space<hbm>> -> memref<7x1024xi32, #tpu.memory_space<hbm>>
        %dma_start3A_86 = arith.constant 0 : i32
        %dma_start3A_87 = tpu.memref_slice %arg5[%dma_start3A_86, %multiple_of3A] : memref<7x800000xi32, #tpu.memory_space<hbm>> -> memref<7x1024xi32, #tpu.memory_space<hbm>>
        tpu.enqueue_dma source(%dma_start3A_87 : memref<7x1024xi32, #tpu.memory_space<hbm>>) target(%arg11 : memref<7x1024xi32, #tpu.memory_space<vmem>>) target_semaphore(%arg23 : memref<!tpu.dma_semaphore, #tpu.memory_space<semaphore_mem>>)
        %dma_start3A_88 = arith.constant 0 : i32
        %dma_start3A_89 = tpu.memref_slice %arg6[%dma_start3A_88, %multiple_of3A_79] : memref<16x50176xi32, #tpu.memory_space<hbm>> -> memref<16x256xi32, #tpu.memory_space<hbm>>
        %dma_start3A_90 = arith.constant 0 : i32
        %dma_start3A_91 = tpu.memref_slice %arg6[%dma_start3A_90, %multiple_of3A_79] : memref<16x50176xi32, #tpu.memory_space<hbm>> -> memref<16x256xi32, #tpu.memory_space<hbm>>
        tpu.enqueue_dma source(%dma_start3A_91 : memref<16x256xi32, #tpu.memory_space<hbm>>) target(%arg12 : memref<16x256xi32, #tpu.memory_space<vmem>>) target_semaphore(%arg23 : memref<!tpu.dma_semaphore, #tpu.memory_space<semaphore_mem>>)
        %dma_wait3A_92 = arith.constant 0 : i32
        %dma_wait3A_93 = tpu.memref_slice %arg5[%dma_wait3A_92, %multiple_of3A] : memref<7x800000xi32, #tpu.memory_space<hbm>> -> memref<7x1024xi32, #tpu.memory_space<hbm>>
        %dma_wait3A_94 = arith.constant 0 : i32
        %dma_wait3A_95 = tpu.memref_slice %arg5[%dma_wait3A_94, %multiple_of3A] : memref<7x800000xi32, #tpu.memory_space<hbm>> -> memref<7x1024xi32, #tpu.memory_space<hbm>>
        tpu.wait_dma2 semaphore(%arg23 : memref<!tpu.dma_semaphore, #tpu.memory_space<semaphore_mem>>) src(%dma_wait3A_95 : memref<7x1024xi32, #tpu.memory_space<hbm>>) dst(%arg11 : memref<7x1024xi32, #tpu.memory_space<vmem>>)
        %dma_wait3A_96 = arith.constant 0 : i32
        %dma_wait3A_97 = tpu.memref_slice %arg6[%dma_wait3A_96, %multiple_of3A_79] : memref<16x50176xi32, #tpu.memory_space<hbm>> -> memref<16x256xi32, #tpu.memory_space<hbm>>
        %dma_wait3A_98 = arith.constant 0 : i32
        %dma_wait3A_99 = tpu.memref_slice %arg6[%dma_wait3A_98, %multiple_of3A_79] : memref<16x50176xi32, #tpu.memory_space<hbm>> -> memref<16x256xi32, #tpu.memory_space<hbm>>
        tpu.wait_dma2 semaphore(%arg23 : memref<!tpu.dma_semaphore, #tpu.memory_space<semaphore_mem>>) src(%dma_wait3A_99 : memref<16x256xi32, #tpu.memory_space<hbm>>) dst(%arg12 : memref<16x256xi32, #tpu.memory_space<vmem>>)
        %scan3A_100 = arith.constant 0 : i32
        %scan3A_101 = arith.constant 32 : i32
        %scan3A_102 = arith.addi %scan3A_100, %scan3A_101 : i32
        %scan3A_103 = arith.constant 1 : i32
        scf.for %scan3A_253 = %scan3A_100 to %scan3A_102 step %scan3A_103  : i32 {
          %mul3A_254 = arith.constant 1 : i32
          %mul3A_255 = arith.muli %scan3A_253, %mul3A_254 : i32
          %add3A_256 = arith.constant 0 : i32
          %add3A_257 = arith.addi %add3A_256, %mul3A_255 : i32
          %mul3A_258 = arith.constant 16 : i32
          %mul3A_259 = arith.muli %add3A_257, %mul3A_258 : i32
          %sub3A_260 = arith.constant 0 : i32
          %sub3A_261 = arith.subi %mul3A_259, %sub3A_260 : i32
          %broadcast_in_dim3A_262 = arith.constant 0 : i32
          %broadcast_in_dim3A_263 = vector.broadcast %broadcast_in_dim3A_262 : i32 to vector<16xi32>
          %add3A_264 = vector.broadcast %add3A_257 : i32 to vector<16xi32>
          %add3A_265 = arith.addi %broadcast_in_dim3A_263, %add3A_264 : vector<16xi32>
          %gather3A = tpu.vector_load_idx %arg10[%add3A_265] : memref<64xi32, #tpu.memory_space<vmem>>[vector<16xi32>], vector<16xi32>,
          %swap3A = arith.index_cast %mul3A_259 : i32 to index
          %swap3A_266 = tpu.vector_load %arg17[%swap3A] {strides = array<i32>} : memref<8192xi32, #tpu.memory_space<vmem>>, vector<16xi32>,
          tpu.vector_store %arg17[%swap3A], %gather3A {strides = array<i32>} : memref<8192xi32, #tpu.memory_space<vmem>>, vector<16xi32>,
          %gather3A_267 = tpu.vector_load_idx %arg9[%gather3A] : memref<50000xf32, #tpu.memory_space<vmem>>[vector<16xi32>], vector<16xf32>,
          %swap3A_268 = arith.index_cast %mul3A_259 : i32 to index
          %swap3A_269 = tpu.vector_load %arg18[%swap3A_268] {strides = array<i32>} : memref<1024xf32, #tpu.memory_space<vmem>>, vector<16xf32>,
          tpu.vector_store %arg18[%swap3A_268], %gather3A_267 {strides = array<i32>} : memref<1024xf32, #tpu.memory_space<vmem>>, vector<16xf32>,
          %get3A = arith.constant 0 : i32
          %get3A_270 = arith.index_cast %get3A : i32 to index
          %get3A_271 = arith.index_cast %mul3A_259 : i32 to index
          %get3A_272 = tpu.vector_load %arg11[%get3A_270, %get3A_271] {strides = array<i32>} : memref<7x1024xi32, #tpu.memory_space<vmem>>, vector<16xi32>,
          %mul3A_273 = arith.constant 50000 : i32
          %mul3A_274 = vector.broadcast %mul3A_273 : i32 to vector<16xi32>
          %mul3A_275 = arith.muli %get3A_272, %mul3A_274 : vector<16xi32>
          %add3A_276 = arith.addi %mul3A_275, %gather3A : vector<16xi32>
          %swap3A_277 = arith.index_cast %sub3A_261 : i32 to index
          %swap3A_278 = tpu.vector_load %arg13[%swap3A_277] {strides = array<i32>} : memref<512xi32, #tpu.memory_space<vmem>>, vector<16xi32>,
          tpu.vector_store %arg13[%swap3A_277], %add3A_276 {strides = array<i32>} : memref<512xi32, #tpu.memory_space<vmem>>, vector<16xi32>,
        }
        %scan3A_104 = arith.constant 32 : i32
        %dma_start3A_105 = arith.constant 0 : i32
        %dma_start3A_106 = tpu.memref_slice %arg8[%dma_start3A_105] : memref<800000xi32, #tpu.memory_space<vmem_shared>> -> memref<800000xi32, #tpu.memory_space<vmem_shared>>
        tpu.enqueue_indirect_dma source(%dma_start3A_106 : memref<800000xi32, #tpu.memory_space<vmem_shared>>) target(%arg15 : memref<512xi32, #tpu.memory_space<vmem>>) offsets(%arg13 : memref<512xi32, #tpu.memory_space<vmem>>) semaphore(%arg21 : memref<!tpu.dma_semaphore, #tpu.memory_space<semaphore_mem>>)
        %scan3A_107 = arith.constant 0 : i32
        %scan3A_108 = arith.constant 32 : i32
        %scan3A_109 = arith.addi %scan3A_107, %scan3A_108 : i32
        %scan3A_110 = arith.constant 1 : i32
        scf.for %scan3A_253 = %scan3A_107 to %scan3A_109 step %scan3A_110  : i32 {
          %mul3A_254 = arith.constant 1 : i32
          %mul3A_255 = arith.muli %scan3A_253, %mul3A_254 : i32
          %add3A_256 = arith.constant 32 : i32
          %add3A_257 = arith.addi %add3A_256, %mul3A_255 : i32
          %mul3A_258 = arith.constant 16 : i32
          %mul3A_259 = arith.muli %add3A_257, %mul3A_258 : i32
          %sub3A_260 = arith.constant 512 : i32
          %sub3A_261 = arith.subi %mul3A_259, %sub3A_260 : i32
          %broadcast_in_dim3A_262 = arith.constant 0 : i32
          %broadcast_in_dim3A_263 = vector.broadcast %broadcast_in_dim3A_262 : i32 to vector<16xi32>
          %add3A_264 = vector.broadcast %add3A_257 : i32 to vector<16xi32>
          %add3A_265 = arith.addi %broadcast_in_dim3A_263, %add3A_264 : vector<16xi32>
          %gather3A = tpu.vector_load_idx %arg10[%add3A_265] : memref<64xi32, #tpu.memory_space<vmem>>[vector<16xi32>], vector<16xi32>,
          %swap3A = arith.index_cast %mul3A_259 : i32 to index
          %swap3A_266 = tpu.vector_load %arg17[%swap3A] {strides = array<i32>} : memref<8192xi32, #tpu.memory_space<vmem>>, vector<16xi32>,
          tpu.vector_store %arg17[%swap3A], %gather3A {strides = array<i32>} : memref<8192xi32, #tpu.memory_space<vmem>>, vector<16xi32>,
          %gather3A_267 = tpu.vector_load_idx %arg9[%gather3A] : memref<50000xf32, #tpu.memory_space<vmem>>[vector<16xi32>], vector<16xf32>,
          %swap3A_268 = arith.index_cast %mul3A_259 : i32 to index
          %swap3A_269 = tpu.vector_load %arg18[%swap3A_268] {strides = array<i32>} : memref<1024xf32, #tpu.memory_space<vmem>>, vector<16xf32>,
          tpu.vector_store %arg18[%swap3A_268], %gather3A_267 {strides = array<i32>} : memref<1024xf32, #tpu.memory_space<vmem>>, vector<16xf32>,
          %get3A = arith.constant 0 : i32
          %get3A_270 = arith.index_cast %get3A : i32 to index
          %get3A_271 = arith.index_cast %mul3A_259 : i32 to index
          %get3A_272 = tpu.vector_load %arg11[%get3A_270, %get3A_271] {strides = array<i32>} : memref<7x1024xi32, #tpu.memory_space<vmem>>, vector<16xi32>,
          %mul3A_273 = arith.constant 50000 : i32
          %mul3A_274 = vector.broadcast %mul3A_273 : i32 to vector<16xi32>
          %mul3A_275 = arith.muli %get3A_272, %mul3A_274 : vector<16xi32>
          %add3A_276 = arith.addi %mul3A_275, %gather3A : vector<16xi32>
          %swap3A_277 = arith.index_cast %sub3A_261 : i32 to index
          %swap3A_278 = tpu.vector_load %arg14[%swap3A_277] {strides = array<i32>} : memref<512xi32, #tpu.memory_space<vmem>>, vector<16xi32>,
          tpu.vector_store %arg14[%swap3A_277], %add3A_276 {strides = array<i32>} : memref<512xi32, #tpu.memory_space<vmem>>, vector<16xi32>,
        }
        %scan3A_111 = arith.constant 32 : i32
        %dma_start3A_112 = arith.constant 0 : i32
        %dma_start3A_113 = tpu.memref_slice %arg8[%dma_start3A_112] : memref<800000xi32, #tpu.memory_space<vmem_shared>> -> memref<800000xi32, #tpu.memory_space<vmem_shared>>
        tpu.enqueue_indirect_dma source(%dma_start3A_113 : memref<800000xi32, #tpu.memory_space<vmem_shared>>) target(%arg16 : memref<512xi32, #tpu.memory_space<vmem>>) offsets(%arg14 : memref<512xi32, #tpu.memory_space<vmem>>) semaphore(%arg22 : memref<!tpu.dma_semaphore, #tpu.memory_space<semaphore_mem>>)
        %dma_wait3A_114 = arith.constant 0 : i32
        %dma_wait3A_115 = tpu.memref_slice %arg8[%dma_wait3A_114] : memref<800000xi32, #tpu.memory_space<vmem_shared>> -> memref<800000xi32, #tpu.memory_space<vmem_shared>>
        tpu.wait_indirect_dma semaphore(%arg21 : memref<!tpu.dma_semaphore, #tpu.memory_space<semaphore_mem>>) src(%dma_wait3A_115 : memref<800000xi32, #tpu.memory_space<vmem_shared>>) dst(%arg15 : memref<512xi32, #tpu.memory_space<vmem>>)
        %scan3A_116 = arith.constant 0 : i32
        %scan3A_117 = arith.constant 32 : i32
        %scan3A_118 = arith.addi %scan3A_116, %scan3A_117 : i32
        %scan3A_119 = arith.constant 1 : i32
        scf.for %scan3A_253 = %scan3A_116 to %scan3A_118 step %scan3A_119  : i32 {
          %mul3A_254 = arith.constant 1 : i32
          %mul3A_255 = arith.muli %scan3A_253, %mul3A_254 : i32
          %add3A_256 = arith.constant 0 : i32
          %add3A_257 = arith.addi %add3A_256, %mul3A_255 : i32
          %mul3A_258 = arith.constant 16 : i32
          %mul3A_259 = arith.muli %add3A_257, %mul3A_258 : i32
          %sub3A_260 = arith.constant 0 : i32
          %sub3A_261 = arith.subi %mul3A_259, %sub3A_260 : i32
          %get3A = arith.index_cast %sub3A_261 : i32 to index
          %get3A_262 = tpu.vector_load %arg15[%get3A] {strides = array<i32>} : memref<512xi32, #tpu.memory_space<vmem>>, vector<16xi32>,
          %add3A_263 = vector.broadcast %add3A_257 : i32 to vector<16xi32>
          %add3A_264 = arith.addi %add3A_84, %add3A_263 : vector<16xi32>
          %gather3A = tpu.vector_load_idx %arg12[%iota3A_24, %add3A_264] : memref<16x256xi32, #tpu.memory_space<vmem>>[vector<16xi32>, vector<16xi32>], vector<16xi32>,
          %ge3A = arith.constant 1 : i32
          %ge3A_265 = vector.broadcast %ge3A : i32 to vector<16xi32>
          %ge3A_266 = arith.cmpi sge, %gather3A, %ge3A_265 : vector<16xi32>
          %jit3A_267 = arith.constant -1 : i32
          %broadcast_in_dim3A_268 = vector.broadcast %jit3A_267 : i32 to vector<16xi32>
          %select_n3A_269 = arith.select %ge3A_266, %get3A_262, %broadcast_in_dim3A_268 : vector<16xi1>, vector<16xi32>
          %add3A_270 = arith.constant 1024 : i32
          %add3A_271 = arith.addi %add3A_270, %mul3A_259 : i32
          %swap3A = arith.index_cast %add3A_271 : i32 to index
          %swap3A_272 = tpu.vector_load %arg17[%swap3A] {strides = array<i32>} : memref<8192xi32, #tpu.memory_space<vmem>>, vector<16xi32>,
          tpu.vector_store %arg17[%swap3A], %select_n3A_269 {strides = array<i32>} : memref<8192xi32, #tpu.memory_space<vmem>>, vector<16xi32>,
          %gather3A_273 = tpu.vector_load_idx %arg9[%get3A_262] : memref<50000xf32, #tpu.memory_space<vmem>>[vector<16xi32>], vector<16xf32>,
          %jit3A_274 = arith.constant 0.000000e+00 : f32
          %broadcast_in_dim3A_275 = vector.broadcast %jit3A_274 : f32 to vector<16xf32>
          %select_n3A_276 = arith.select %ge3A_266, %gather3A_273, %broadcast_in_dim3A_275 : vector<16xi1>, vector<16xf32>
          %swap3A_277 = arith.index_cast %mul3A_259 : i32 to index
          %swap3A_278 = tpu.vector_load %arg18[%swap3A_277] {strides = array<i32>} : memref<1024xf32, #tpu.memory_space<vmem>>, vector<16xf32>,
          tpu.vector_store %arg18[%swap3A_277], %select_n3A_276 {add = true, strides = array<i32>} : memref<1024xf32, #tpu.memory_space<vmem>>, vector<16xf32>,
          %get3A_279 = arith.constant 1 : i32
          %get3A_280 = arith.index_cast %get3A_279 : i32 to index
          %get3A_281 = arith.index_cast %mul3A_259 : i32 to index
          %get3A_282 = tpu.vector_load %arg11[%get3A_280, %get3A_281] {strides = array<i32>} : memref<7x1024xi32, #tpu.memory_space<vmem>>, vector<16xi32>,
          %mul3A_283 = arith.constant 50000 : i32
          %mul3A_284 = vector.broadcast %mul3A_283 : i32 to vector<16xi32>
          %mul3A_285 = arith.muli %get3A_282, %mul3A_284 : vector<16xi32>
          %add3A_286 = arith.addi %mul3A_285, %get3A_262 : vector<16xi32>
          %swap3A_287 = arith.index_cast %sub3A_261 : i32 to index
          %swap3A_288 = tpu.vector_load %arg13[%swap3A_287] {strides = array<i32>} : memref<512xi32, #tpu.memory_space<vmem>>, vector<16xi32>,
          tpu.vector_store %arg13[%swap3A_287], %add3A_286 {strides = array<i32>} : memref<512xi32, #tpu.memory_space<vmem>>, vector<16xi32>,
        }
        %scan3A_120 = arith.constant 32 : i32
        %dma_start3A_121 = arith.constant 0 : i32
        %dma_start3A_122 = tpu.memref_slice %arg8[%dma_start3A_121] : memref<800000xi32, #tpu.memory_space<vmem_shared>> -> memref<800000xi32, #tpu.memory_space<vmem_shared>>
        tpu.enqueue_indirect_dma source(%dma_start3A_122 : memref<800000xi32, #tpu.memory_space<vmem_shared>>) target(%arg15 : memref<512xi32, #tpu.memory_space<vmem>>) offsets(%arg13 : memref<512xi32, #tpu.memory_space<vmem>>) semaphore(%arg21 : memref<!tpu.dma_semaphore, #tpu.memory_space<semaphore_mem>>)
        %dma_wait3A_123 = arith.constant 0 : i32
        %dma_wait3A_124 = tpu.memref_slice %arg8[%dma_wait3A_123] : memref<800000xi32, #tpu.memory_space<vmem_shared>> -> memref<800000xi32, #tpu.memory_space<vmem_shared>>
        tpu.wait_indirect_dma semaphore(%arg22 : memref<!tpu.dma_semaphore, #tpu.memory_space<semaphore_mem>>) src(%dma_wait3A_124 : memref<800000xi32, #tpu.memory_space<vmem_shared>>) dst(%arg16 : memref<512xi32, #tpu.memory_space<vmem>>)
        %scan3A_125 = arith.constant 0 : i32
        %scan3A_126 = arith.constant 32 : i32
        %scan3A_127 = arith.addi %scan3A_125, %scan3A_126 : i32
        %scan3A_128 = arith.constant 1 : i32
        scf.for %scan3A_253 = %scan3A_125 to %scan3A_127 step %scan3A_128  : i32 {
          %mul3A_254 = arith.constant 1 : i32
          %mul3A_255 = arith.muli %scan3A_253, %mul3A_254 : i32
          %add3A_256 = arith.constant 32 : i32
          %add3A_257 = arith.addi %add3A_256, %mul3A_255 : i32
          %mul3A_258 = arith.constant 16 : i32
          %mul3A_259 = arith.muli %add3A_257, %mul3A_258 : i32
          %sub3A_260 = arith.constant 512 : i32
          %sub3A_261 = arith.subi %mul3A_259, %sub3A_260 : i32
          %get3A = arith.index_cast %sub3A_261 : i32 to index
          %get3A_262 = tpu.vector_load %arg16[%get3A] {strides = array<i32>} : memref<512xi32, #tpu.memory_space<vmem>>, vector<16xi32>,
          %add3A_263 = vector.broadcast %add3A_257 : i32 to vector<16xi32>
          %add3A_264 = arith.addi %add3A_84, %add3A_263 : vector<16xi32>
          %gather3A = tpu.vector_load_idx %arg12[%iota3A_24, %add3A_264] : memref<16x256xi32, #tpu.memory_space<vmem>>[vector<16xi32>, vector<16xi32>], vector<16xi32>,
          %ge3A = arith.constant 1 : i32
          %ge3A_265 = vector.broadcast %ge3A : i32 to vector<16xi32>
          %ge3A_266 = arith.cmpi sge, %gather3A, %ge3A_265 : vector<16xi32>
          %jit3A_267 = arith.constant -1 : i32
          %broadcast_in_dim3A_268 = vector.broadcast %jit3A_267 : i32 to vector<16xi32>
          %select_n3A_269 = arith.select %ge3A_266, %get3A_262, %broadcast_in_dim3A_268 : vector<16xi1>, vector<16xi32>
          %add3A_270 = arith.constant 1024 : i32
          %add3A_271 = arith.addi %add3A_270, %mul3A_259 : i32
          %swap3A = arith.index_cast %add3A_271 : i32 to index
          %swap3A_272 = tpu.vector_load %arg17[%swap3A] {strides = array<i32>} : memref<8192xi32, #tpu.memory_space<vmem>>, vector<16xi32>,
          tpu.vector_store %arg17[%swap3A], %select_n3A_269 {strides = array<i32>} : memref<8192xi32, #tpu.memory_space<vmem>>, vector<16xi32>,
          %gather3A_273 = tpu.vector_load_idx %arg9[%get3A_262] : memref<50000xf32, #tpu.memory_space<vmem>>[vector<16xi32>], vector<16xf32>,
          %jit3A_274 = arith.constant 0.000000e+00 : f32
          %broadcast_in_dim3A_275 = vector.broadcast %jit3A_274 : f32 to vector<16xf32>
          %select_n3A_276 = arith.select %ge3A_266, %gather3A_273, %broadcast_in_dim3A_275 : vector<16xi1>, vector<16xf32>
          %swap3A_277 = arith.index_cast %mul3A_259 : i32 to index
          %swap3A_278 = tpu.vector_load %arg18[%swap3A_277] {strides = array<i32>} : memref<1024xf32, #tpu.memory_space<vmem>>, vector<16xf32>,
          tpu.vector_store %arg18[%swap3A_277], %select_n3A_276 {add = true, strides = array<i32>} : memref<1024xf32, #tpu.memory_space<vmem>>, vector<16xf32>,
          %get3A_279 = arith.constant 1 : i32
          %get3A_280 = arith.index_cast %get3A_279 : i32 to index
          %get3A_281 = arith.index_cast %mul3A_259 : i32 to index
          %get3A_282 = tpu.vector_load %arg11[%get3A_280, %get3A_281] {strides = array<i32>} : memref<7x1024xi32, #tpu.memory_space<vmem>>, vector<16xi32>,
          %mul3A_283 = arith.constant 50000 : i32
          %mul3A_284 = vector.broadcast %mul3A_283 : i32 to vector<16xi32>
          %mul3A_285 = arith.muli %get3A_282, %mul3A_284 : vector<16xi32>
          %add3A_286 = arith.addi %mul3A_285, %get3A_262 : vector<16xi32>
          %swap3A_287 = arith.index_cast %sub3A_261 : i32 to index
          %swap3A_288 = tpu.vector_load %arg14[%swap3A_287] {strides = array<i32>} : memref<512xi32, #tpu.memory_space<vmem>>, vector<16xi32>,
          tpu.vector_store %arg14[%swap3A_287], %add3A_286 {strides = array<i32>} : memref<512xi32, #tpu.memory_space<vmem>>, vector<16xi32>,
        }
        %scan3A_129 = arith.constant 32 : i32
        %dma_start3A_130 = arith.constant 0 : i32
        %dma_start3A_131 = tpu.memref_slice %arg8[%dma_start3A_130] : memref<800000xi32, #tpu.memory_space<vmem_shared>> -> memref<800000xi32, #tpu.memory_space<vmem_shared>>
        tpu.enqueue_indirect_dma source(%dma_start3A_131 : memref<800000xi32, #tpu.memory_space<vmem_shared>>) target(%arg16 : memref<512xi32, #tpu.memory_space<vmem>>) offsets(%arg14 : memref<512xi32, #tpu.memory_space<vmem>>) semaphore(%arg22 : memref<!tpu.dma_semaphore, #tpu.memory_space<semaphore_mem>>)
        %dma_wait3A_132 = arith.constant 0 : i32
        %dma_wait3A_133 = tpu.memref_slice %arg8[%dma_wait3A_132] : memref<800000xi32, #tpu.memory_space<vmem_shared>> -> memref<800000xi32, #tpu.memory_space<vmem_shared>>
        tpu.wait_indirect_dma semaphore(%arg21 : memref<!tpu.dma_semaphore, #tpu.memory_space<semaphore_mem>>) src(%dma_wait3A_133 : memref<800000xi32, #tpu.memory_space<vmem_shared>>) dst(%arg15 : memref<512xi32, #tpu.memory_space<vmem>>)
        %scan3A_134 = arith.constant 0 : i32
        %scan3A_135 = arith.constant 32 : i32
        %scan3A_136 = arith.addi %scan3A_134, %scan3A_135 : i32
        %scan3A_137 = arith.constant 1 : i32
        scf.for %scan3A_253 = %scan3A_134 to %scan3A_136 step %scan3A_137  : i32 {
          %mul3A_254 = arith.constant 1 : i32
          %mul3A_255 = arith.muli %scan3A_253, %mul3A_254 : i32
          %add3A_256 = arith.constant 0 : i32
          %add3A_257 = arith.addi %add3A_256, %mul3A_255 : i32
          %mul3A_258 = arith.constant 16 : i32
          %mul3A_259 = arith.muli %add3A_257, %mul3A_258 : i32
          %sub3A_260 = arith.constant 0 : i32
          %sub3A_261 = arith.subi %mul3A_259, %sub3A_260 : i32
          %get3A = arith.index_cast %sub3A_261 : i32 to index
          %get3A_262 = tpu.vector_load %arg15[%get3A] {strides = array<i32>} : memref<512xi32, #tpu.memory_space<vmem>>, vector<16xi32>,
          %add3A_263 = vector.broadcast %add3A_257 : i32 to vector<16xi32>
          %add3A_264 = arith.addi %add3A_84, %add3A_263 : vector<16xi32>
          %gather3A = tpu.vector_load_idx %arg12[%iota3A_24, %add3A_264] : memref<16x256xi32, #tpu.memory_space<vmem>>[vector<16xi32>, vector<16xi32>], vector<16xi32>,
          %ge3A = arith.constant 2 : i32
          %ge3A_265 = vector.broadcast %ge3A : i32 to vector<16xi32>
          %ge3A_266 = arith.cmpi sge, %gather3A, %ge3A_265 : vector<16xi32>
          %jit3A_267 = arith.constant -1 : i32
          %broadcast_in_dim3A_268 = vector.broadcast %jit3A_267 : i32 to vector<16xi32>
          %select_n3A_269 = arith.select %ge3A_266, %get3A_262, %broadcast_in_dim3A_268 : vector<16xi1>, vector<16xi32>
          %add3A_270 = arith.constant 2048 : i32
          %add3A_271 = arith.addi %add3A_270, %mul3A_259 : i32
          %swap3A = arith.index_cast %add3A_271 : i32 to index
          %swap3A_272 = tpu.vector_load %arg17[%swap3A] {strides = array<i32>} : memref<8192xi32, #tpu.memory_space<vmem>>, vector<16xi32>,
          tpu.vector_store %arg17[%swap3A], %select_n3A_269 {strides = array<i32>} : memref<8192xi32, #tpu.memory_space<vmem>>, vector<16xi32>,
          %gather3A_273 = tpu.vector_load_idx %arg9[%get3A_262] : memref<50000xf32, #tpu.memory_space<vmem>>[vector<16xi32>], vector<16xf32>,
          %jit3A_274 = arith.constant 0.000000e+00 : f32
          %broadcast_in_dim3A_275 = vector.broadcast %jit3A_274 : f32 to vector<16xf32>
          %select_n3A_276 = arith.select %ge3A_266, %gather3A_273, %broadcast_in_dim3A_275 : vector<16xi1>, vector<16xf32>
          %swap3A_277 = arith.index_cast %mul3A_259 : i32 to index
          %swap3A_278 = tpu.vector_load %arg18[%swap3A_277] {strides = array<i32>} : memref<1024xf32, #tpu.memory_space<vmem>>, vector<16xf32>,
          tpu.vector_store %arg18[%swap3A_277], %select_n3A_276 {add = true, strides = array<i32>} : memref<1024xf32, #tpu.memory_space<vmem>>, vector<16xf32>,
          %get3A_279 = arith.constant 2 : i32
          %get3A_280 = arith.index_cast %get3A_279 : i32 to index
          %get3A_281 = arith.index_cast %mul3A_259 : i32 to index
          %get3A_282 = tpu.vector_load %arg11[%get3A_280, %get3A_281] {strides = array<i32>} : memref<7x1024xi32, #tpu.memory_space<vmem>>, vector<16xi32>,
          %mul3A_283 = arith.constant 50000 : i32
          %mul3A_284 = vector.broadcast %mul3A_283 : i32 to vector<16xi32>
          %mul3A_285 = arith.muli %get3A_282, %mul3A_284 : vector<16xi32>
          %add3A_286 = arith.addi %mul3A_285, %get3A_262 : vector<16xi32>
          %swap3A_287 = arith.index_cast %sub3A_261 : i32 to index
          %swap3A_288 = tpu.vector_load %arg13[%swap3A_287] {strides = array<i32>} : memref<512xi32, #tpu.memory_space<vmem>>, vector<16xi32>,
          tpu.vector_store %arg13[%swap3A_287], %add3A_286 {strides = array<i32>} : memref<512xi32, #tpu.memory_space<vmem>>, vector<16xi32>,
        }
        %scan3A_138 = arith.constant 32 : i32
        %dma_start3A_139 = arith.constant 0 : i32
        %dma_start3A_140 = tpu.memref_slice %arg8[%dma_start3A_139] : memref<800000xi32, #tpu.memory_space<vmem_shared>> -> memref<800000xi32, #tpu.memory_space<vmem_shared>>
        tpu.enqueue_indirect_dma source(%dma_start3A_140 : memref<800000xi32, #tpu.memory_space<vmem_shared>>) target(%arg15 : memref<512xi32, #tpu.memory_space<vmem>>) offsets(%arg13 : memref<512xi32, #tpu.memory_space<vmem>>) semaphore(%arg21 : memref<!tpu.dma_semaphore, #tpu.memory_space<semaphore_mem>>)
        %dma_wait3A_141 = arith.constant 0 : i32
        %dma_wait3A_142 = tpu.memref_slice %arg8[%dma_wait3A_141] : memref<800000xi32, #tpu.memory_space<vmem_shared>> -> memref<800000xi32, #tpu.memory_space<vmem_shared>>
        tpu.wait_indirect_dma semaphore(%arg22 : memref<!tpu.dma_semaphore, #tpu.memory_space<semaphore_mem>>) src(%dma_wait3A_142 : memref<800000xi32, #tpu.memory_space<vmem_shared>>) dst(%arg16 : memref<512xi32, #tpu.memory_space<vmem>>)
        %scan3A_143 = arith.constant 0 : i32
        %scan3A_144 = arith.constant 32 : i32
        %scan3A_145 = arith.addi %scan3A_143, %scan3A_144 : i32
        %scan3A_146 = arith.constant 1 : i32
        scf.for %scan3A_253 = %scan3A_143 to %scan3A_145 step %scan3A_146  : i32 {
          %mul3A_254 = arith.constant 1 : i32
          %mul3A_255 = arith.muli %scan3A_253, %mul3A_254 : i32
          %add3A_256 = arith.constant 32 : i32
          %add3A_257 = arith.addi %add3A_256, %mul3A_255 : i32
          %mul3A_258 = arith.constant 16 : i32
          %mul3A_259 = arith.muli %add3A_257, %mul3A_258 : i32
          %sub3A_260 = arith.constant 512 : i32
          %sub3A_261 = arith.subi %mul3A_259, %sub3A_260 : i32
          %get3A = arith.index_cast %sub3A_261 : i32 to index
          %get3A_262 = tpu.vector_load %arg16[%get3A] {strides = array<i32>} : memref<512xi32, #tpu.memory_space<vmem>>, vector<16xi32>,
          %add3A_263 = vector.broadcast %add3A_257 : i32 to vector<16xi32>
          %add3A_264 = arith.addi %add3A_84, %add3A_263 : vector<16xi32>
          %gather3A = tpu.vector_load_idx %arg12[%iota3A_24, %add3A_264] : memref<16x256xi32, #tpu.memory_space<vmem>>[vector<16xi32>, vector<16xi32>], vector<16xi32>,
          %ge3A = arith.constant 2 : i32
          %ge3A_265 = vector.broadcast %ge3A : i32 to vector<16xi32>
          %ge3A_266 = arith.cmpi sge, %gather3A, %ge3A_265 : vector<16xi32>
          %jit3A_267 = arith.constant -1 : i32
          %broadcast_in_dim3A_268 = vector.broadcast %jit3A_267 : i32 to vector<16xi32>
          %select_n3A_269 = arith.select %ge3A_266, %get3A_262, %broadcast_in_dim3A_268 : vector<16xi1>, vector<16xi32>
          %add3A_270 = arith.constant 2048 : i32
          %add3A_271 = arith.addi %add3A_270, %mul3A_259 : i32
          %swap3A = arith.index_cast %add3A_271 : i32 to index
          %swap3A_272 = tpu.vector_load %arg17[%swap3A] {strides = array<i32>} : memref<8192xi32, #tpu.memory_space<vmem>>, vector<16xi32>,
          tpu.vector_store %arg17[%swap3A], %select_n3A_269 {strides = array<i32>} : memref<8192xi32, #tpu.memory_space<vmem>>, vector<16xi32>,
          %gather3A_273 = tpu.vector_load_idx %arg9[%get3A_262] : memref<50000xf32, #tpu.memory_space<vmem>>[vector<16xi32>], vector<16xf32>,
          %jit3A_274 = arith.constant 0.000000e+00 : f32
          %broadcast_in_dim3A_275 = vector.broadcast %jit3A_274 : f32 to vector<16xf32>
          %select_n3A_276 = arith.select %ge3A_266, %gather3A_273, %broadcast_in_dim3A_275 : vector<16xi1>, vector<16xf32>
          %swap3A_277 = arith.index_cast %mul3A_259 : i32 to index
          %swap3A_278 = tpu.vector_load %arg18[%swap3A_277] {strides = array<i32>} : memref<1024xf32, #tpu.memory_space<vmem>>, vector<16xf32>,
          tpu.vector_store %arg18[%swap3A_277], %select_n3A_276 {add = true, strides = array<i32>} : memref<1024xf32, #tpu.memory_space<vmem>>, vector<16xf32>,
          %get3A_279 = arith.constant 2 : i32
          %get3A_280 = arith.index_cast %get3A_279 : i32 to index
          %get3A_281 = arith.index_cast %mul3A_259 : i32 to index
          %get3A_282 = tpu.vector_load %arg11[%get3A_280, %get3A_281] {strides = array<i32>} : memref<7x1024xi32, #tpu.memory_space<vmem>>, vector<16xi32>,
          %mul3A_283 = arith.constant 50000 : i32
          %mul3A_284 = vector.broadcast %mul3A_283 : i32 to vector<16xi32>
          %mul3A_285 = arith.muli %get3A_282, %mul3A_284 : vector<16xi32>
          %add3A_286 = arith.addi %mul3A_285, %get3A_262 : vector<16xi32>
          %swap3A_287 = arith.index_cast %sub3A_261 : i32 to index
          %swap3A_288 = tpu.vector_load %arg14[%swap3A_287] {strides = array<i32>} : memref<512xi32, #tpu.memory_space<vmem>>, vector<16xi32>,
          tpu.vector_store %arg14[%swap3A_287], %add3A_286 {strides = array<i32>} : memref<512xi32, #tpu.memory_space<vmem>>, vector<16xi32>,
        }
        %scan3A_147 = arith.constant 32 : i32
        %dma_start3A_148 = arith.constant 0 : i32
        %dma_start3A_149 = tpu.memref_slice %arg8[%dma_start3A_148] : memref<800000xi32, #tpu.memory_space<vmem_shared>> -> memref<800000xi32, #tpu.memory_space<vmem_shared>>
        tpu.enqueue_indirect_dma source(%dma_start3A_149 : memref<800000xi32, #tpu.memory_space<vmem_shared>>) target(%arg16 : memref<512xi32, #tpu.memory_space<vmem>>) offsets(%arg14 : memref<512xi32, #tpu.memory_space<vmem>>) semaphore(%arg22 : memref<!tpu.dma_semaphore, #tpu.memory_space<semaphore_mem>>)
        %dma_wait3A_150 = arith.constant 0 : i32
        %dma_wait3A_151 = tpu.memref_slice %arg8[%dma_wait3A_150] : memref<800000xi32, #tpu.memory_space<vmem_shared>> -> memref<800000xi32, #tpu.memory_space<vmem_shared>>
        tpu.wait_indirect_dma semaphore(%arg21 : memref<!tpu.dma_semaphore, #tpu.memory_space<semaphore_mem>>) src(%dma_wait3A_151 : memref<800000xi32, #tpu.memory_space<vmem_shared>>) dst(%arg15 : memref<512xi32, #tpu.memory_space<vmem>>)
        %scan3A_152 = arith.constant 0 : i32
        %scan3A_153 = arith.constant 32 : i32
        %scan3A_154 = arith.addi %scan3A_152, %scan3A_153 : i32
        %scan3A_155 = arith.constant 1 : i32
        scf.for %scan3A_253 = %scan3A_152 to %scan3A_154 step %scan3A_155  : i32 {
          %mul3A_254 = arith.constant 1 : i32
          %mul3A_255 = arith.muli %scan3A_253, %mul3A_254 : i32
          %add3A_256 = arith.constant 0 : i32
          %add3A_257 = arith.addi %add3A_256, %mul3A_255 : i32
          %mul3A_258 = arith.constant 16 : i32
          %mul3A_259 = arith.muli %add3A_257, %mul3A_258 : i32
          %sub3A_260 = arith.constant 0 : i32
          %sub3A_261 = arith.subi %mul3A_259, %sub3A_260 : i32
          %get3A = arith.index_cast %sub3A_261 : i32 to index
          %get3A_262 = tpu.vector_load %arg15[%get3A] {strides = array<i32>} : memref<512xi32, #tpu.memory_space<vmem>>, vector<16xi32>,
          %add3A_263 = vector.broadcast %add3A_257 : i32 to vector<16xi32>
          %add3A_264 = arith.addi %add3A_84, %add3A_263 : vector<16xi32>
          %gather3A = tpu.vector_load_idx %arg12[%iota3A_24, %add3A_264] : memref<16x256xi32, #tpu.memory_space<vmem>>[vector<16xi32>, vector<16xi32>], vector<16xi32>,
          %ge3A = arith.constant 3 : i32
          %ge3A_265 = vector.broadcast %ge3A : i32 to vector<16xi32>
          %ge3A_266 = arith.cmpi sge, %gather3A, %ge3A_265 : vector<16xi32>
          %jit3A_267 = arith.constant -1 : i32
          %broadcast_in_dim3A_268 = vector.broadcast %jit3A_267 : i32 to vector<16xi32>
          %select_n3A_269 = arith.select %ge3A_266, %get3A_262, %broadcast_in_dim3A_268 : vector<16xi1>, vector<16xi32>
          %add3A_270 = arith.constant 3072 : i32
          %add3A_271 = arith.addi %add3A_270, %mul3A_259 : i32
          %swap3A = arith.index_cast %add3A_271 : i32 to index
          %swap3A_272 = tpu.vector_load %arg17[%swap3A] {strides = array<i32>} : memref<8192xi32, #tpu.memory_space<vmem>>, vector<16xi32>,
          tpu.vector_store %arg17[%swap3A], %select_n3A_269 {strides = array<i32>} : memref<8192xi32, #tpu.memory_space<vmem>>, vector<16xi32>,
          %gather3A_273 = tpu.vector_load_idx %arg9[%get3A_262] : memref<50000xf32, #tpu.memory_space<vmem>>[vector<16xi32>], vector<16xf32>,
          %jit3A_274 = arith.constant 0.000000e+00 : f32
          %broadcast_in_dim3A_275 = vector.broadcast %jit3A_274 : f32 to vector<16xf32>
          %select_n3A_276 = arith.select %ge3A_266, %gather3A_273, %broadcast_in_dim3A_275 : vector<16xi1>, vector<16xf32>
          %swap3A_277 = arith.index_cast %mul3A_259 : i32 to index
          %swap3A_278 = tpu.vector_load %arg18[%swap3A_277] {strides = array<i32>} : memref<1024xf32, #tpu.memory_space<vmem>>, vector<16xf32>,
          tpu.vector_store %arg18[%swap3A_277], %select_n3A_276 {add = true, strides = array<i32>} : memref<1024xf32, #tpu.memory_space<vmem>>, vector<16xf32>,
          %get3A_279 = arith.constant 3 : i32
          %get3A_280 = arith.index_cast %get3A_279 : i32 to index
          %get3A_281 = arith.index_cast %mul3A_259 : i32 to index
          %get3A_282 = tpu.vector_load %arg11[%get3A_280, %get3A_281] {strides = array<i32>} : memref<7x1024xi32, #tpu.memory_space<vmem>>, vector<16xi32>,
          %mul3A_283 = arith.constant 50000 : i32
          %mul3A_284 = vector.broadcast %mul3A_283 : i32 to vector<16xi32>
          %mul3A_285 = arith.muli %get3A_282, %mul3A_284 : vector<16xi32>
          %add3A_286 = arith.addi %mul3A_285, %get3A_262 : vector<16xi32>
          %swap3A_287 = arith.index_cast %sub3A_261 : i32 to index
          %swap3A_288 = tpu.vector_load %arg13[%swap3A_287] {strides = array<i32>} : memref<512xi32, #tpu.memory_space<vmem>>, vector<16xi32>,
          tpu.vector_store %arg13[%swap3A_287], %add3A_286 {strides = array<i32>} : memref<512xi32, #tpu.memory_space<vmem>>, vector<16xi32>,
        }
        %scan3A_156 = arith.constant 32 : i32
        %dma_start3A_157 = arith.constant 0 : i32
        %dma_start3A_158 = tpu.memref_slice %arg8[%dma_start3A_157] : memref<800000xi32, #tpu.memory_space<vmem_shared>> -> memref<800000xi32, #tpu.memory_space<vmem_shared>>
        tpu.enqueue_indirect_dma source(%dma_start3A_158 : memref<800000xi32, #tpu.memory_space<vmem_shared>>) target(%arg15 : memref<512xi32, #tpu.memory_space<vmem>>) offsets(%arg13 : memref<512xi32, #tpu.memory_space<vmem>>) semaphore(%arg21 : memref<!tpu.dma_semaphore, #tpu.memory_space<semaphore_mem>>)
        %dma_wait3A_159 = arith.constant 0 : i32
        %dma_wait3A_160 = tpu.memref_slice %arg8[%dma_wait3A_159] : memref<800000xi32, #tpu.memory_space<vmem_shared>> -> memref<800000xi32, #tpu.memory_space<vmem_shared>>
        tpu.wait_indirect_dma semaphore(%arg22 : memref<!tpu.dma_semaphore, #tpu.memory_space<semaphore_mem>>) src(%dma_wait3A_160 : memref<800000xi32, #tpu.memory_space<vmem_shared>>) dst(%arg16 : memref<512xi32, #tpu.memory_space<vmem>>)
        %scan3A_161 = arith.constant 0 : i32
        %scan3A_162 = arith.constant 32 : i32
        %scan3A_163 = arith.addi %scan3A_161, %scan3A_162 : i32
        %scan3A_164 = arith.constant 1 : i32
        scf.for %scan3A_253 = %scan3A_161 to %scan3A_163 step %scan3A_164  : i32 {
          %mul3A_254 = arith.constant 1 : i32
          %mul3A_255 = arith.muli %scan3A_253, %mul3A_254 : i32
          %add3A_256 = arith.constant 32 : i32
          %add3A_257 = arith.addi %add3A_256, %mul3A_255 : i32
          %mul3A_258 = arith.constant 16 : i32
          %mul3A_259 = arith.muli %add3A_257, %mul3A_258 : i32
          %sub3A_260 = arith.constant 512 : i32
          %sub3A_261 = arith.subi %mul3A_259, %sub3A_260 : i32
          %get3A = arith.index_cast %sub3A_261 : i32 to index
          %get3A_262 = tpu.vector_load %arg16[%get3A] {strides = array<i32>} : memref<512xi32, #tpu.memory_space<vmem>>, vector<16xi32>,
          %add3A_263 = vector.broadcast %add3A_257 : i32 to vector<16xi32>
          %add3A_264 = arith.addi %add3A_84, %add3A_263 : vector<16xi32>
          %gather3A = tpu.vector_load_idx %arg12[%iota3A_24, %add3A_264] : memref<16x256xi32, #tpu.memory_space<vmem>>[vector<16xi32>, vector<16xi32>], vector<16xi32>,
          %ge3A = arith.constant 3 : i32
          %ge3A_265 = vector.broadcast %ge3A : i32 to vector<16xi32>
          %ge3A_266 = arith.cmpi sge, %gather3A, %ge3A_265 : vector<16xi32>
          %jit3A_267 = arith.constant -1 : i32
          %broadcast_in_dim3A_268 = vector.broadcast %jit3A_267 : i32 to vector<16xi32>
          %select_n3A_269 = arith.select %ge3A_266, %get3A_262, %broadcast_in_dim3A_268 : vector<16xi1>, vector<16xi32>
          %add3A_270 = arith.constant 3072 : i32
          %add3A_271 = arith.addi %add3A_270, %mul3A_259 : i32
          %swap3A = arith.index_cast %add3A_271 : i32 to index
          %swap3A_272 = tpu.vector_load %arg17[%swap3A] {strides = array<i32>} : memref<8192xi32, #tpu.memory_space<vmem>>, vector<16xi32>,
          tpu.vector_store %arg17[%swap3A], %select_n3A_269 {strides = array<i32>} : memref<8192xi32, #tpu.memory_space<vmem>>, vector<16xi32>,
          %gather3A_273 = tpu.vector_load_idx %arg9[%get3A_262] : memref<50000xf32, #tpu.memory_space<vmem>>[vector<16xi32>], vector<16xf32>,
          %jit3A_274 = arith.constant 0.000000e+00 : f32
          %broadcast_in_dim3A_275 = vector.broadcast %jit3A_274 : f32 to vector<16xf32>
          %select_n3A_276 = arith.select %ge3A_266, %gather3A_273, %broadcast_in_dim3A_275 : vector<16xi1>, vector<16xf32>
          %swap3A_277 = arith.index_cast %mul3A_259 : i32 to index
          %swap3A_278 = tpu.vector_load %arg18[%swap3A_277] {strides = array<i32>} : memref<1024xf32, #tpu.memory_space<vmem>>, vector<16xf32>,
          tpu.vector_store %arg18[%swap3A_277], %select_n3A_276 {add = true, strides = array<i32>} : memref<1024xf32, #tpu.memory_space<vmem>>, vector<16xf32>,
          %get3A_279 = arith.constant 3 : i32
          %get3A_280 = arith.index_cast %get3A_279 : i32 to index
          %get3A_281 = arith.index_cast %mul3A_259 : i32 to index
          %get3A_282 = tpu.vector_load %arg11[%get3A_280, %get3A_281] {strides = array<i32>} : memref<7x1024xi32, #tpu.memory_space<vmem>>, vector<16xi32>,
          %mul3A_283 = arith.constant 50000 : i32
          %mul3A_284 = vector.broadcast %mul3A_283 : i32 to vector<16xi32>
          %mul3A_285 = arith.muli %get3A_282, %mul3A_284 : vector<16xi32>
          %add3A_286 = arith.addi %mul3A_285, %get3A_262 : vector<16xi32>
          %swap3A_287 = arith.index_cast %sub3A_261 : i32 to index
          %swap3A_288 = tpu.vector_load %arg14[%swap3A_287] {strides = array<i32>} : memref<512xi32, #tpu.memory_space<vmem>>, vector<16xi32>,
          tpu.vector_store %arg14[%swap3A_287], %add3A_286 {strides = array<i32>} : memref<512xi32, #tpu.memory_space<vmem>>, vector<16xi32>,
        }
        %scan3A_165 = arith.constant 32 : i32
        %dma_start3A_166 = arith.constant 0 : i32
        %dma_start3A_167 = tpu.memref_slice %arg8[%dma_start3A_166] : memref<800000xi32, #tpu.memory_space<vmem_shared>> -> memref<800000xi32, #tpu.memory_space<vmem_shared>>
        tpu.enqueue_indirect_dma source(%dma_start3A_167 : memref<800000xi32, #tpu.memory_space<vmem_shared>>) target(%arg16 : memref<512xi32, #tpu.memory_space<vmem>>) offsets(%arg14 : memref<512xi32, #tpu.memory_space<vmem>>) semaphore(%arg22 : memref<!tpu.dma_semaphore, #tpu.memory_space<semaphore_mem>>)
        %dma_wait3A_168 = arith.constant 0 : i32
        %dma_wait3A_169 = tpu.memref_slice %arg8[%dma_wait3A_168] : memref<800000xi32, #tpu.memory_space<vmem_shared>> -> memref<800000xi32, #tpu.memory_space<vmem_shared>>
        tpu.wait_indirect_dma semaphore(%arg21 : memref<!tpu.dma_semaphore, #tpu.memory_space<semaphore_mem>>) src(%dma_wait3A_169 : memref<800000xi32, #tpu.memory_space<vmem_shared>>) dst(%arg15 : memref<512xi32, #tpu.memory_space<vmem>>)
        %scan3A_170 = arith.constant 0 : i32
        %scan3A_171 = arith.constant 32 : i32
        %scan3A_172 = arith.addi %scan3A_170, %scan3A_171 : i32
        %scan3A_173 = arith.constant 1 : i32
        scf.for %scan3A_253 = %scan3A_170 to %scan3A_172 step %scan3A_173  : i32 {
          %mul3A_254 = arith.constant 1 : i32
          %mul3A_255 = arith.muli %scan3A_253, %mul3A_254 : i32
          %add3A_256 = arith.constant 0 : i32
          %add3A_257 = arith.addi %add3A_256, %mul3A_255 : i32
          %mul3A_258 = arith.constant 16 : i32
          %mul3A_259 = arith.muli %add3A_257, %mul3A_258 : i32
          %sub3A_260 = arith.constant 0 : i32
          %sub3A_261 = arith.subi %mul3A_259, %sub3A_260 : i32
          %get3A = arith.index_cast %sub3A_261 : i32 to index
          %get3A_262 = tpu.vector_load %arg15[%get3A] {strides = array<i32>} : memref<512xi32, #tpu.memory_space<vmem>>, vector<16xi32>,
          %add3A_263 = vector.broadcast %add3A_257 : i32 to vector<16xi32>
          %add3A_264 = arith.addi %add3A_84, %add3A_263 : vector<16xi32>
          %gather3A = tpu.vector_load_idx %arg12[%iota3A_24, %add3A_264] : memref<16x256xi32, #tpu.memory_space<vmem>>[vector<16xi32>, vector<16xi32>], vector<16xi32>,
          %ge3A = arith.constant 4 : i32
          %ge3A_265 = vector.broadcast %ge3A : i32 to vector<16xi32>
          %ge3A_266 = arith.cmpi sge, %gather3A, %ge3A_265 : vector<16xi32>
          %jit3A_267 = arith.constant -1 : i32
          %broadcast_in_dim3A_268 = vector.broadcast %jit3A_267 : i32 to vector<16xi32>
          %select_n3A_269 = arith.select %ge3A_266, %get3A_262, %broadcast_in_dim3A_268 : vector<16xi1>, vector<16xi32>
          %add3A_270 = arith.constant 4096 : i32
          %add3A_271 = arith.addi %add3A_270, %mul3A_259 : i32
          %swap3A = arith.index_cast %add3A_271 : i32 to index
          %swap3A_272 = tpu.vector_load %arg17[%swap3A] {strides = array<i32>} : memref<8192xi32, #tpu.memory_space<vmem>>, vector<16xi32>,
          tpu.vector_store %arg17[%swap3A], %select_n3A_269 {strides = array<i32>} : memref<8192xi32, #tpu.memory_space<vmem>>, vector<16xi32>,
          %gather3A_273 = tpu.vector_load_idx %arg9[%get3A_262] : memref<50000xf32, #tpu.memory_space<vmem>>[vector<16xi32>], vector<16xf32>,
          %jit3A_274 = arith.constant 0.000000e+00 : f32
          %broadcast_in_dim3A_275 = vector.broadcast %jit3A_274 : f32 to vector<16xf32>
          %select_n3A_276 = arith.select %ge3A_266, %gather3A_273, %broadcast_in_dim3A_275 : vector<16xi1>, vector<16xf32>
          %swap3A_277 = arith.index_cast %mul3A_259 : i32 to index
          %swap3A_278 = tpu.vector_load %arg18[%swap3A_277] {strides = array<i32>} : memref<1024xf32, #tpu.memory_space<vmem>>, vector<16xf32>,
          tpu.vector_store %arg18[%swap3A_277], %select_n3A_276 {add = true, strides = array<i32>} : memref<1024xf32, #tpu.memory_space<vmem>>, vector<16xf32>,
          %get3A_279 = arith.constant 4 : i32
          %get3A_280 = arith.index_cast %get3A_279 : i32 to index
          %get3A_281 = arith.index_cast %mul3A_259 : i32 to index
          %get3A_282 = tpu.vector_load %arg11[%get3A_280, %get3A_281] {strides = array<i32>} : memref<7x1024xi32, #tpu.memory_space<vmem>>, vector<16xi32>,
          %mul3A_283 = arith.constant 50000 : i32
          %mul3A_284 = vector.broadcast %mul3A_283 : i32 to vector<16xi32>
          %mul3A_285 = arith.muli %get3A_282, %mul3A_284 : vector<16xi32>
          %add3A_286 = arith.addi %mul3A_285, %get3A_262 : vector<16xi32>
          %swap3A_287 = arith.index_cast %sub3A_261 : i32 to index
          %swap3A_288 = tpu.vector_load %arg13[%swap3A_287] {strides = array<i32>} : memref<512xi32, #tpu.memory_space<vmem>>, vector<16xi32>,
          tpu.vector_store %arg13[%swap3A_287], %add3A_286 {strides = array<i32>} : memref<512xi32, #tpu.memory_space<vmem>>, vector<16xi32>,
        }
        %scan3A_174 = arith.constant 32 : i32
        %dma_start3A_175 = arith.constant 0 : i32
        %dma_start3A_176 = tpu.memref_slice %arg8[%dma_start3A_175] : memref<800000xi32, #tpu.memory_space<vmem_shared>> -> memref<800000xi32, #tpu.memory_space<vmem_shared>>
        tpu.enqueue_indirect_dma source(%dma_start3A_176 : memref<800000xi32, #tpu.memory_space<vmem_shared>>) target(%arg15 : memref<512xi32, #tpu.memory_space<vmem>>) offsets(%arg13 : memref<512xi32, #tpu.memory_space<vmem>>) semaphore(%arg21 : memref<!tpu.dma_semaphore, #tpu.memory_space<semaphore_mem>>)
        %dma_wait3A_177 = arith.constant 0 : i32
        %dma_wait3A_178 = tpu.memref_slice %arg8[%dma_wait3A_177] : memref<800000xi32, #tpu.memory_space<vmem_shared>> -> memref<800000xi32, #tpu.memory_space<vmem_shared>>
        tpu.wait_indirect_dma semaphore(%arg22 : memref<!tpu.dma_semaphore, #tpu.memory_space<semaphore_mem>>) src(%dma_wait3A_178 : memref<800000xi32, #tpu.memory_space<vmem_shared>>) dst(%arg16 : memref<512xi32, #tpu.memory_space<vmem>>)
        %scan3A_179 = arith.constant 0 : i32
        %scan3A_180 = arith.constant 32 : i32
        %scan3A_181 = arith.addi %scan3A_179, %scan3A_180 : i32
        %scan3A_182 = arith.constant 1 : i32
        scf.for %scan3A_253 = %scan3A_179 to %scan3A_181 step %scan3A_182  : i32 {
          %mul3A_254 = arith.constant 1 : i32
          %mul3A_255 = arith.muli %scan3A_253, %mul3A_254 : i32
          %add3A_256 = arith.constant 32 : i32
          %add3A_257 = arith.addi %add3A_256, %mul3A_255 : i32
          %mul3A_258 = arith.constant 16 : i32
          %mul3A_259 = arith.muli %add3A_257, %mul3A_258 : i32
          %sub3A_260 = arith.constant 512 : i32
          %sub3A_261 = arith.subi %mul3A_259, %sub3A_260 : i32
          %get3A = arith.index_cast %sub3A_261 : i32 to index
          %get3A_262 = tpu.vector_load %arg16[%get3A] {strides = array<i32>} : memref<512xi32, #tpu.memory_space<vmem>>, vector<16xi32>,
          %add3A_263 = vector.broadcast %add3A_257 : i32 to vector<16xi32>
          %add3A_264 = arith.addi %add3A_84, %add3A_263 : vector<16xi32>
          %gather3A = tpu.vector_load_idx %arg12[%iota3A_24, %add3A_264] : memref<16x256xi32, #tpu.memory_space<vmem>>[vector<16xi32>, vector<16xi32>], vector<16xi32>,
          %ge3A = arith.constant 4 : i32
          %ge3A_265 = vector.broadcast %ge3A : i32 to vector<16xi32>
          %ge3A_266 = arith.cmpi sge, %gather3A, %ge3A_265 : vector<16xi32>
          %jit3A_267 = arith.constant -1 : i32
          %broadcast_in_dim3A_268 = vector.broadcast %jit3A_267 : i32 to vector<16xi32>
          %select_n3A_269 = arith.select %ge3A_266, %get3A_262, %broadcast_in_dim3A_268 : vector<16xi1>, vector<16xi32>
          %add3A_270 = arith.constant 4096 : i32
          %add3A_271 = arith.addi %add3A_270, %mul3A_259 : i32
          %swap3A = arith.index_cast %add3A_271 : i32 to index
          %swap3A_272 = tpu.vector_load %arg17[%swap3A] {strides = array<i32>} : memref<8192xi32, #tpu.memory_space<vmem>>, vector<16xi32>,
          tpu.vector_store %arg17[%swap3A], %select_n3A_269 {strides = array<i32>} : memref<8192xi32, #tpu.memory_space<vmem>>, vector<16xi32>,
          %gather3A_273 = tpu.vector_load_idx %arg9[%get3A_262] : memref<50000xf32, #tpu.memory_space<vmem>>[vector<16xi32>], vector<16xf32>,
          %jit3A_274 = arith.constant 0.000000e+00 : f32
          %broadcast_in_dim3A_275 = vector.broadcast %jit3A_274 : f32 to vector<16xf32>
          %select_n3A_276 = arith.select %ge3A_266, %gather3A_273, %broadcast_in_dim3A_275 : vector<16xi1>, vector<16xf32>
          %swap3A_277 = arith.index_cast %mul3A_259 : i32 to index
          %swap3A_278 = tpu.vector_load %arg18[%swap3A_277] {strides = array<i32>} : memref<1024xf32, #tpu.memory_space<vmem>>, vector<16xf32>,
          tpu.vector_store %arg18[%swap3A_277], %select_n3A_276 {add = true, strides = array<i32>} : memref<1024xf32, #tpu.memory_space<vmem>>, vector<16xf32>,
          %get3A_279 = arith.constant 4 : i32
          %get3A_280 = arith.index_cast %get3A_279 : i32 to index
          %get3A_281 = arith.index_cast %mul3A_259 : i32 to index
          %get3A_282 = tpu.vector_load %arg11[%get3A_280, %get3A_281] {strides = array<i32>} : memref<7x1024xi32, #tpu.memory_space<vmem>>, vector<16xi32>,
          %mul3A_283 = arith.constant 50000 : i32
          %mul3A_284 = vector.broadcast %mul3A_283 : i32 to vector<16xi32>
          %mul3A_285 = arith.muli %get3A_282, %mul3A_284 : vector<16xi32>
          %add3A_286 = arith.addi %mul3A_285, %get3A_262 : vector<16xi32>
          %swap3A_287 = arith.index_cast %sub3A_261 : i32 to index
          %swap3A_288 = tpu.vector_load %arg14[%swap3A_287] {strides = array<i32>} : memref<512xi32, #tpu.memory_space<vmem>>, vector<16xi32>,
          tpu.vector_store %arg14[%swap3A_287], %add3A_286 {strides = array<i32>} : memref<512xi32, #tpu.memory_space<vmem>>, vector<16xi32>,
        }
        %scan3A_183 = arith.constant 32 : i32
        %dma_start3A_184 = arith.constant 0 : i32
        %dma_start3A_185 = tpu.memref_slice %arg8[%dma_start3A_184] : memref<800000xi32, #tpu.memory_space<vmem_shared>> -> memref<800000xi32, #tpu.memory_space<vmem_shared>>
        tpu.enqueue_indirect_dma source(%dma_start3A_185 : memref<800000xi32, #tpu.memory_space<vmem_shared>>) target(%arg16 : memref<512xi32, #tpu.memory_space<vmem>>) offsets(%arg14 : memref<512xi32, #tpu.memory_space<vmem>>) semaphore(%arg22 : memref<!tpu.dma_semaphore, #tpu.memory_space<semaphore_mem>>)
        %dma_wait3A_186 = arith.constant 0 : i32
        %dma_wait3A_187 = tpu.memref_slice %arg8[%dma_wait3A_186] : memref<800000xi32, #tpu.memory_space<vmem_shared>> -> memref<800000xi32, #tpu.memory_space<vmem_shared>>
        tpu.wait_indirect_dma semaphore(%arg21 : memref<!tpu.dma_semaphore, #tpu.memory_space<semaphore_mem>>) src(%dma_wait3A_187 : memref<800000xi32, #tpu.memory_space<vmem_shared>>) dst(%arg15 : memref<512xi32, #tpu.memory_space<vmem>>)
        %scan3A_188 = arith.constant 0 : i32
        %scan3A_189 = arith.constant 32 : i32
        %scan3A_190 = arith.addi %scan3A_188, %scan3A_189 : i32
        %scan3A_191 = arith.constant 1 : i32
        scf.for %scan3A_253 = %scan3A_188 to %scan3A_190 step %scan3A_191  : i32 {
          %mul3A_254 = arith.constant 1 : i32
          %mul3A_255 = arith.muli %scan3A_253, %mul3A_254 : i32
          %add3A_256 = arith.constant 0 : i32
          %add3A_257 = arith.addi %add3A_256, %mul3A_255 : i32
          %mul3A_258 = arith.constant 16 : i32
          %mul3A_259 = arith.muli %add3A_257, %mul3A_258 : i32
          %sub3A_260 = arith.constant 0 : i32
          %sub3A_261 = arith.subi %mul3A_259, %sub3A_260 : i32
          %get3A = arith.index_cast %sub3A_261 : i32 to index
          %get3A_262 = tpu.vector_load %arg15[%get3A] {strides = array<i32>} : memref<512xi32, #tpu.memory_space<vmem>>, vector<16xi32>,
          %add3A_263 = vector.broadcast %add3A_257 : i32 to vector<16xi32>
          %add3A_264 = arith.addi %add3A_84, %add3A_263 : vector<16xi32>
          %gather3A = tpu.vector_load_idx %arg12[%iota3A_24, %add3A_264] : memref<16x256xi32, #tpu.memory_space<vmem>>[vector<16xi32>, vector<16xi32>], vector<16xi32>,
          %ge3A = arith.constant 5 : i32
          %ge3A_265 = vector.broadcast %ge3A : i32 to vector<16xi32>
          %ge3A_266 = arith.cmpi sge, %gather3A, %ge3A_265 : vector<16xi32>
          %jit3A_267 = arith.constant -1 : i32
          %broadcast_in_dim3A_268 = vector.broadcast %jit3A_267 : i32 to vector<16xi32>
          %select_n3A_269 = arith.select %ge3A_266, %get3A_262, %broadcast_in_dim3A_268 : vector<16xi1>, vector<16xi32>
          %add3A_270 = arith.constant 5120 : i32
          %add3A_271 = arith.addi %add3A_270, %mul3A_259 : i32
          %swap3A = arith.index_cast %add3A_271 : i32 to index
          %swap3A_272 = tpu.vector_load %arg17[%swap3A] {strides = array<i32>} : memref<8192xi32, #tpu.memory_space<vmem>>, vector<16xi32>,
          tpu.vector_store %arg17[%swap3A], %select_n3A_269 {strides = array<i32>} : memref<8192xi32, #tpu.memory_space<vmem>>, vector<16xi32>,
          %gather3A_273 = tpu.vector_load_idx %arg9[%get3A_262] : memref<50000xf32, #tpu.memory_space<vmem>>[vector<16xi32>], vector<16xf32>,
          %jit3A_274 = arith.constant 0.000000e+00 : f32
          %broadcast_in_dim3A_275 = vector.broadcast %jit3A_274 : f32 to vector<16xf32>
          %select_n3A_276 = arith.select %ge3A_266, %gather3A_273, %broadcast_in_dim3A_275 : vector<16xi1>, vector<16xf32>
          %swap3A_277 = arith.index_cast %mul3A_259 : i32 to index
          %swap3A_278 = tpu.vector_load %arg18[%swap3A_277] {strides = array<i32>} : memref<1024xf32, #tpu.memory_space<vmem>>, vector<16xf32>,
          tpu.vector_store %arg18[%swap3A_277], %select_n3A_276 {add = true, strides = array<i32>} : memref<1024xf32, #tpu.memory_space<vmem>>, vector<16xf32>,
          %get3A_279 = arith.constant 5 : i32
          %get3A_280 = arith.index_cast %get3A_279 : i32 to index
          %get3A_281 = arith.index_cast %mul3A_259 : i32 to index
          %get3A_282 = tpu.vector_load %arg11[%get3A_280, %get3A_281] {strides = array<i32>} : memref<7x1024xi32, #tpu.memory_space<vmem>>, vector<16xi32>,
          %mul3A_283 = arith.constant 50000 : i32
          %mul3A_284 = vector.broadcast %mul3A_283 : i32 to vector<16xi32>
          %mul3A_285 = arith.muli %get3A_282, %mul3A_284 : vector<16xi32>
          %add3A_286 = arith.addi %mul3A_285, %get3A_262 : vector<16xi32>
          %swap3A_287 = arith.index_cast %sub3A_261 : i32 to index
          %swap3A_288 = tpu.vector_load %arg13[%swap3A_287] {strides = array<i32>} : memref<512xi32, #tpu.memory_space<vmem>>, vector<16xi32>,
          tpu.vector_store %arg13[%swap3A_287], %add3A_286 {strides = array<i32>} : memref<512xi32, #tpu.memory_space<vmem>>, vector<16xi32>,
        }
        %scan3A_192 = arith.constant 32 : i32
        %dma_start3A_193 = arith.constant 0 : i32
        %dma_start3A_194 = tpu.memref_slice %arg8[%dma_start3A_193] : memref<800000xi32, #tpu.memory_space<vmem_shared>> -> memref<800000xi32, #tpu.memory_space<vmem_shared>>
        tpu.enqueue_indirect_dma source(%dma_start3A_194 : memref<800000xi32, #tpu.memory_space<vmem_shared>>) target(%arg15 : memref<512xi32, #tpu.memory_space<vmem>>) offsets(%arg13 : memref<512xi32, #tpu.memory_space<vmem>>) semaphore(%arg21 : memref<!tpu.dma_semaphore, #tpu.memory_space<semaphore_mem>>)
        %dma_wait3A_195 = arith.constant 0 : i32
        %dma_wait3A_196 = tpu.memref_slice %arg8[%dma_wait3A_195] : memref<800000xi32, #tpu.memory_space<vmem_shared>> -> memref<800000xi32, #tpu.memory_space<vmem_shared>>
        tpu.wait_indirect_dma semaphore(%arg22 : memref<!tpu.dma_semaphore, #tpu.memory_space<semaphore_mem>>) src(%dma_wait3A_196 : memref<800000xi32, #tpu.memory_space<vmem_shared>>) dst(%arg16 : memref<512xi32, #tpu.memory_space<vmem>>)
        %scan3A_197 = arith.constant 0 : i32
        %scan3A_198 = arith.constant 32 : i32
        %scan3A_199 = arith.addi %scan3A_197, %scan3A_198 : i32
        %scan3A_200 = arith.constant 1 : i32
        scf.for %scan3A_253 = %scan3A_197 to %scan3A_199 step %scan3A_200  : i32 {
          %mul3A_254 = arith.constant 1 : i32
          %mul3A_255 = arith.muli %scan3A_253, %mul3A_254 : i32
          %add3A_256 = arith.constant 32 : i32
          %add3A_257 = arith.addi %add3A_256, %mul3A_255 : i32
          %mul3A_258 = arith.constant 16 : i32
          %mul3A_259 = arith.muli %add3A_257, %mul3A_258 : i32
          %sub3A_260 = arith.constant 512 : i32
          %sub3A_261 = arith.subi %mul3A_259, %sub3A_260 : i32
          %get3A = arith.index_cast %sub3A_261 : i32 to index
          %get3A_262 = tpu.vector_load %arg16[%get3A] {strides = array<i32>} : memref<512xi32, #tpu.memory_space<vmem>>, vector<16xi32>,
          %add3A_263 = vector.broadcast %add3A_257 : i32 to vector<16xi32>
          %add3A_264 = arith.addi %add3A_84, %add3A_263 : vector<16xi32>
          %gather3A = tpu.vector_load_idx %arg12[%iota3A_24, %add3A_264] : memref<16x256xi32, #tpu.memory_space<vmem>>[vector<16xi32>, vector<16xi32>], vector<16xi32>,
          %ge3A = arith.constant 5 : i32
          %ge3A_265 = vector.broadcast %ge3A : i32 to vector<16xi32>
          %ge3A_266 = arith.cmpi sge, %gather3A, %ge3A_265 : vector<16xi32>
          %jit3A_267 = arith.constant -1 : i32
          %broadcast_in_dim3A_268 = vector.broadcast %jit3A_267 : i32 to vector<16xi32>
          %select_n3A_269 = arith.select %ge3A_266, %get3A_262, %broadcast_in_dim3A_268 : vector<16xi1>, vector<16xi32>
          %add3A_270 = arith.constant 5120 : i32
          %add3A_271 = arith.addi %add3A_270, %mul3A_259 : i32
          %swap3A = arith.index_cast %add3A_271 : i32 to index
          %swap3A_272 = tpu.vector_load %arg17[%swap3A] {strides = array<i32>} : memref<8192xi32, #tpu.memory_space<vmem>>, vector<16xi32>,
          tpu.vector_store %arg17[%swap3A], %select_n3A_269 {strides = array<i32>} : memref<8192xi32, #tpu.memory_space<vmem>>, vector<16xi32>,
          %gather3A_273 = tpu.vector_load_idx %arg9[%get3A_262] : memref<50000xf32, #tpu.memory_space<vmem>>[vector<16xi32>], vector<16xf32>,
          %jit3A_274 = arith.constant 0.000000e+00 : f32
          %broadcast_in_dim3A_275 = vector.broadcast %jit3A_274 : f32 to vector<16xf32>
          %select_n3A_276 = arith.select %ge3A_266, %gather3A_273, %broadcast_in_dim3A_275 : vector<16xi1>, vector<16xf32>
          %swap3A_277 = arith.index_cast %mul3A_259 : i32 to index
          %swap3A_278 = tpu.vector_load %arg18[%swap3A_277] {strides = array<i32>} : memref<1024xf32, #tpu.memory_space<vmem>>, vector<16xf32>,
          tpu.vector_store %arg18[%swap3A_277], %select_n3A_276 {add = true, strides = array<i32>} : memref<1024xf32, #tpu.memory_space<vmem>>, vector<16xf32>,
          %get3A_279 = arith.constant 5 : i32
          %get3A_280 = arith.index_cast %get3A_279 : i32 to index
          %get3A_281 = arith.index_cast %mul3A_259 : i32 to index
          %get3A_282 = tpu.vector_load %arg11[%get3A_280, %get3A_281] {strides = array<i32>} : memref<7x1024xi32, #tpu.memory_space<vmem>>, vector<16xi32>,
          %mul3A_283 = arith.constant 50000 : i32
          %mul3A_284 = vector.broadcast %mul3A_283 : i32 to vector<16xi32>
          %mul3A_285 = arith.muli %get3A_282, %mul3A_284 : vector<16xi32>
          %add3A_286 = arith.addi %mul3A_285, %get3A_262 : vector<16xi32>
          %swap3A_287 = arith.index_cast %sub3A_261 : i32 to index
          %swap3A_288 = tpu.vector_load %arg14[%swap3A_287] {strides = array<i32>} : memref<512xi32, #tpu.memory_space<vmem>>, vector<16xi32>,
          tpu.vector_store %arg14[%swap3A_287], %add3A_286 {strides = array<i32>} : memref<512xi32, #tpu.memory_space<vmem>>, vector<16xi32>,
        }
        %scan3A_201 = arith.constant 32 : i32
        %dma_start3A_202 = arith.constant 0 : i32
        %dma_start3A_203 = tpu.memref_slice %arg8[%dma_start3A_202] : memref<800000xi32, #tpu.memory_space<vmem_shared>> -> memref<800000xi32, #tpu.memory_space<vmem_shared>>
        tpu.enqueue_indirect_dma source(%dma_start3A_203 : memref<800000xi32, #tpu.memory_space<vmem_shared>>) target(%arg16 : memref<512xi32, #tpu.memory_space<vmem>>) offsets(%arg14 : memref<512xi32, #tpu.memory_space<vmem>>) semaphore(%arg22 : memref<!tpu.dma_semaphore, #tpu.memory_space<semaphore_mem>>)
        %dma_wait3A_204 = arith.constant 0 : i32
        %dma_wait3A_205 = tpu.memref_slice %arg8[%dma_wait3A_204] : memref<800000xi32, #tpu.memory_space<vmem_shared>> -> memref<800000xi32, #tpu.memory_space<vmem_shared>>
        tpu.wait_indirect_dma semaphore(%arg21 : memref<!tpu.dma_semaphore, #tpu.memory_space<semaphore_mem>>) src(%dma_wait3A_205 : memref<800000xi32, #tpu.memory_space<vmem_shared>>) dst(%arg15 : memref<512xi32, #tpu.memory_space<vmem>>)
        %scan3A_206 = arith.constant 0 : i32
        %scan3A_207 = arith.constant 32 : i32
        %scan3A_208 = arith.addi %scan3A_206, %scan3A_207 : i32
        %scan3A_209 = arith.constant 1 : i32
        scf.for %scan3A_253 = %scan3A_206 to %scan3A_208 step %scan3A_209  : i32 {
          %mul3A_254 = arith.constant 1 : i32
          %mul3A_255 = arith.muli %scan3A_253, %mul3A_254 : i32
          %add3A_256 = arith.constant 0 : i32
          %add3A_257 = arith.addi %add3A_256, %mul3A_255 : i32
          %mul3A_258 = arith.constant 16 : i32
          %mul3A_259 = arith.muli %add3A_257, %mul3A_258 : i32
          %sub3A_260 = arith.constant 0 : i32
          %sub3A_261 = arith.subi %mul3A_259, %sub3A_260 : i32
          %get3A = arith.index_cast %sub3A_261 : i32 to index
          %get3A_262 = tpu.vector_load %arg15[%get3A] {strides = array<i32>} : memref<512xi32, #tpu.memory_space<vmem>>, vector<16xi32>,
          %add3A_263 = vector.broadcast %add3A_257 : i32 to vector<16xi32>
          %add3A_264 = arith.addi %add3A_84, %add3A_263 : vector<16xi32>
          %gather3A = tpu.vector_load_idx %arg12[%iota3A_24, %add3A_264] : memref<16x256xi32, #tpu.memory_space<vmem>>[vector<16xi32>, vector<16xi32>], vector<16xi32>,
          %ge3A = arith.constant 6 : i32
          %ge3A_265 = vector.broadcast %ge3A : i32 to vector<16xi32>
          %ge3A_266 = arith.cmpi sge, %gather3A, %ge3A_265 : vector<16xi32>
          %jit3A_267 = arith.constant -1 : i32
          %broadcast_in_dim3A_268 = vector.broadcast %jit3A_267 : i32 to vector<16xi32>
          %select_n3A_269 = arith.select %ge3A_266, %get3A_262, %broadcast_in_dim3A_268 : vector<16xi1>, vector<16xi32>
          %add3A_270 = arith.constant 6144 : i32
          %add3A_271 = arith.addi %add3A_270, %mul3A_259 : i32
          %swap3A = arith.index_cast %add3A_271 : i32 to index
          %swap3A_272 = tpu.vector_load %arg17[%swap3A] {strides = array<i32>} : memref<8192xi32, #tpu.memory_space<vmem>>, vector<16xi32>,
          tpu.vector_store %arg17[%swap3A], %select_n3A_269 {strides = array<i32>} : memref<8192xi32, #tpu.memory_space<vmem>>, vector<16xi32>,
          %gather3A_273 = tpu.vector_load_idx %arg9[%get3A_262] : memref<50000xf32, #tpu.memory_space<vmem>>[vector<16xi32>], vector<16xf32>,
          %jit3A_274 = arith.constant 0.000000e+00 : f32
          %broadcast_in_dim3A_275 = vector.broadcast %jit3A_274 : f32 to vector<16xf32>
          %select_n3A_276 = arith.select %ge3A_266, %gather3A_273, %broadcast_in_dim3A_275 : vector<16xi1>, vector<16xf32>
          %swap3A_277 = arith.index_cast %mul3A_259 : i32 to index
          %swap3A_278 = tpu.vector_load %arg18[%swap3A_277] {strides = array<i32>} : memref<1024xf32, #tpu.memory_space<vmem>>, vector<16xf32>,
          tpu.vector_store %arg18[%swap3A_277], %select_n3A_276 {add = true, strides = array<i32>} : memref<1024xf32, #tpu.memory_space<vmem>>, vector<16xf32>,
          %get3A_279 = arith.constant 6 : i32
          %get3A_280 = arith.index_cast %get3A_279 : i32 to index
          %get3A_281 = arith.index_cast %mul3A_259 : i32 to index
          %get3A_282 = tpu.vector_load %arg11[%get3A_280, %get3A_281] {strides = array<i32>} : memref<7x1024xi32, #tpu.memory_space<vmem>>, vector<16xi32>,
          %mul3A_283 = arith.constant 50000 : i32
          %mul3A_284 = vector.broadcast %mul3A_283 : i32 to vector<16xi32>
          %mul3A_285 = arith.muli %get3A_282, %mul3A_284 : vector<16xi32>
          %add3A_286 = arith.addi %mul3A_285, %get3A_262 : vector<16xi32>
          %swap3A_287 = arith.index_cast %sub3A_261 : i32 to index
          %swap3A_288 = tpu.vector_load %arg13[%swap3A_287] {strides = array<i32>} : memref<512xi32, #tpu.memory_space<vmem>>, vector<16xi32>,
          tpu.vector_store %arg13[%swap3A_287], %add3A_286 {strides = array<i32>} : memref<512xi32, #tpu.memory_space<vmem>>, vector<16xi32>,
        }
        %scan3A_210 = arith.constant 32 : i32
        %dma_start3A_211 = arith.constant 0 : i32
        %dma_start3A_212 = tpu.memref_slice %arg8[%dma_start3A_211] : memref<800000xi32, #tpu.memory_space<vmem_shared>> -> memref<800000xi32, #tpu.memory_space<vmem_shared>>
        tpu.enqueue_indirect_dma source(%dma_start3A_212 : memref<800000xi32, #tpu.memory_space<vmem_shared>>) target(%arg15 : memref<512xi32, #tpu.memory_space<vmem>>) offsets(%arg13 : memref<512xi32, #tpu.memory_space<vmem>>) semaphore(%arg21 : memref<!tpu.dma_semaphore, #tpu.memory_space<semaphore_mem>>)
        %dma_wait3A_213 = arith.constant 0 : i32
        %dma_wait3A_214 = tpu.memref_slice %arg8[%dma_wait3A_213] : memref<800000xi32, #tpu.memory_space<vmem_shared>> -> memref<800000xi32, #tpu.memory_space<vmem_shared>>
        tpu.wait_indirect_dma semaphore(%arg22 : memref<!tpu.dma_semaphore, #tpu.memory_space<semaphore_mem>>) src(%dma_wait3A_214 : memref<800000xi32, #tpu.memory_space<vmem_shared>>) dst(%arg16 : memref<512xi32, #tpu.memory_space<vmem>>)
        %scan3A_215 = arith.constant 0 : i32
        %scan3A_216 = arith.constant 32 : i32
        %scan3A_217 = arith.addi %scan3A_215, %scan3A_216 : i32
        %scan3A_218 = arith.constant 1 : i32
        scf.for %scan3A_253 = %scan3A_215 to %scan3A_217 step %scan3A_218  : i32 {
          %mul3A_254 = arith.constant 1 : i32
          %mul3A_255 = arith.muli %scan3A_253, %mul3A_254 : i32
          %add3A_256 = arith.constant 32 : i32
          %add3A_257 = arith.addi %add3A_256, %mul3A_255 : i32
          %mul3A_258 = arith.constant 16 : i32
          %mul3A_259 = arith.muli %add3A_257, %mul3A_258 : i32
          %sub3A_260 = arith.constant 512 : i32
          %sub3A_261 = arith.subi %mul3A_259, %sub3A_260 : i32
          %get3A = arith.index_cast %sub3A_261 : i32 to index
          %get3A_262 = tpu.vector_load %arg16[%get3A] {strides = array<i32>} : memref<512xi32, #tpu.memory_space<vmem>>, vector<16xi32>,
          %add3A_263 = vector.broadcast %add3A_257 : i32 to vector<16xi32>
          %add3A_264 = arith.addi %add3A_84, %add3A_263 : vector<16xi32>
          %gather3A = tpu.vector_load_idx %arg12[%iota3A_24, %add3A_264] : memref<16x256xi32, #tpu.memory_space<vmem>>[vector<16xi32>, vector<16xi32>], vector<16xi32>,
          %ge3A = arith.constant 6 : i32
          %ge3A_265 = vector.broadcast %ge3A : i32 to vector<16xi32>
          %ge3A_266 = arith.cmpi sge, %gather3A, %ge3A_265 : vector<16xi32>
          %jit3A_267 = arith.constant -1 : i32
          %broadcast_in_dim3A_268 = vector.broadcast %jit3A_267 : i32 to vector<16xi32>
          %select_n3A_269 = arith.select %ge3A_266, %get3A_262, %broadcast_in_dim3A_268 : vector<16xi1>, vector<16xi32>
          %add3A_270 = arith.constant 6144 : i32
          %add3A_271 = arith.addi %add3A_270, %mul3A_259 : i32
          %swap3A = arith.index_cast %add3A_271 : i32 to index
          %swap3A_272 = tpu.vector_load %arg17[%swap3A] {strides = array<i32>} : memref<8192xi32, #tpu.memory_space<vmem>>, vector<16xi32>,
          tpu.vector_store %arg17[%swap3A], %select_n3A_269 {strides = array<i32>} : memref<8192xi32, #tpu.memory_space<vmem>>, vector<16xi32>,
          %gather3A_273 = tpu.vector_load_idx %arg9[%get3A_262] : memref<50000xf32, #tpu.memory_space<vmem>>[vector<16xi32>], vector<16xf32>,
          %jit3A_274 = arith.constant 0.000000e+00 : f32
          %broadcast_in_dim3A_275 = vector.broadcast %jit3A_274 : f32 to vector<16xf32>
          %select_n3A_276 = arith.select %ge3A_266, %gather3A_273, %broadcast_in_dim3A_275 : vector<16xi1>, vector<16xf32>
          %swap3A_277 = arith.index_cast %mul3A_259 : i32 to index
          %swap3A_278 = tpu.vector_load %arg18[%swap3A_277] {strides = array<i32>} : memref<1024xf32, #tpu.memory_space<vmem>>, vector<16xf32>,
          tpu.vector_store %arg18[%swap3A_277], %select_n3A_276 {add = true, strides = array<i32>} : memref<1024xf32, #tpu.memory_space<vmem>>, vector<16xf32>,
          %get3A_279 = arith.constant 6 : i32
          %get3A_280 = arith.index_cast %get3A_279 : i32 to index
          %get3A_281 = arith.index_cast %mul3A_259 : i32 to index
          %get3A_282 = tpu.vector_load %arg11[%get3A_280, %get3A_281] {strides = array<i32>} : memref<7x1024xi32, #tpu.memory_space<vmem>>, vector<16xi32>,
          %mul3A_283 = arith.constant 50000 : i32
          %mul3A_284 = vector.broadcast %mul3A_283 : i32 to vector<16xi32>
          %mul3A_285 = arith.muli %get3A_282, %mul3A_284 : vector<16xi32>
          %add3A_286 = arith.addi %mul3A_285, %get3A_262 : vector<16xi32>
          %swap3A_287 = arith.index_cast %sub3A_261 : i32 to index
          %swap3A_288 = tpu.vector_load %arg14[%swap3A_287] {strides = array<i32>} : memref<512xi32, #tpu.memory_space<vmem>>, vector<16xi32>,
          tpu.vector_store %arg14[%swap3A_287], %add3A_286 {strides = array<i32>} : memref<512xi32, #tpu.memory_space<vmem>>, vector<16xi32>,
        }
        %scan3A_219 = arith.constant 32 : i32
        %dma_start3A_220 = arith.constant 0 : i32
        %dma_start3A_221 = tpu.memref_slice %arg8[%dma_start3A_220] : memref<800000xi32, #tpu.memory_space<vmem_shared>> -> memref<800000xi32, #tpu.memory_space<vmem_shared>>
        tpu.enqueue_indirect_dma source(%dma_start3A_221 : memref<800000xi32, #tpu.memory_space<vmem_shared>>) target(%arg16 : memref<512xi32, #tpu.memory_space<vmem>>) offsets(%arg14 : memref<512xi32, #tpu.memory_space<vmem>>) semaphore(%arg22 : memref<!tpu.dma_semaphore, #tpu.memory_space<semaphore_mem>>)
        %dma_wait3A_222 = arith.constant 0 : i32
        %dma_wait3A_223 = tpu.memref_slice %arg8[%dma_wait3A_222] : memref<800000xi32, #tpu.memory_space<vmem_shared>> -> memref<800000xi32, #tpu.memory_space<vmem_shared>>
        tpu.wait_indirect_dma semaphore(%arg21 : memref<!tpu.dma_semaphore, #tpu.memory_space<semaphore_mem>>) src(%dma_wait3A_223 : memref<800000xi32, #tpu.memory_space<vmem_shared>>) dst(%arg15 : memref<512xi32, #tpu.memory_space<vmem>>)
        %scan3A_224 = arith.constant 0 : i32
        %scan3A_225 = arith.constant 32 : i32
        %scan3A_226 = arith.addi %scan3A_224, %scan3A_225 : i32
        %scan3A_227 = arith.constant 1 : i32
        scf.for %scan3A_253 = %scan3A_224 to %scan3A_226 step %scan3A_227  : i32 {
          %mul3A_254 = arith.constant 1 : i32
          %mul3A_255 = arith.muli %scan3A_253, %mul3A_254 : i32
          %add3A_256 = arith.constant 0 : i32
          %add3A_257 = arith.addi %add3A_256, %mul3A_255 : i32
          %mul3A_258 = arith.constant 16 : i32
          %mul3A_259 = arith.muli %add3A_257, %mul3A_258 : i32
          %sub3A_260 = arith.constant 0 : i32
          %sub3A_261 = arith.subi %mul3A_259, %sub3A_260 : i32
          %get3A = arith.index_cast %sub3A_261 : i32 to index
          %get3A_262 = tpu.vector_load %arg15[%get3A] {strides = array<i32>} : memref<512xi32, #tpu.memory_space<vmem>>, vector<16xi32>,
          %add3A_263 = vector.broadcast %add3A_257 : i32 to vector<16xi32>
          %add3A_264 = arith.addi %add3A_84, %add3A_263 : vector<16xi32>
          %gather3A = tpu.vector_load_idx %arg12[%iota3A_24, %add3A_264] : memref<16x256xi32, #tpu.memory_space<vmem>>[vector<16xi32>, vector<16xi32>], vector<16xi32>,
          %ge3A = arith.constant 7 : i32
          %ge3A_265 = vector.broadcast %ge3A : i32 to vector<16xi32>
          %ge3A_266 = arith.cmpi sge, %gather3A, %ge3A_265 : vector<16xi32>
          %jit3A_267 = arith.constant -1 : i32
          %broadcast_in_dim3A_268 = vector.broadcast %jit3A_267 : i32 to vector<16xi32>
          %select_n3A_269 = arith.select %ge3A_266, %get3A_262, %broadcast_in_dim3A_268 : vector<16xi1>, vector<16xi32>
          %add3A_270 = arith.constant 7168 : i32
          %add3A_271 = arith.addi %add3A_270, %mul3A_259 : i32
          %swap3A = arith.index_cast %add3A_271 : i32 to index
          %swap3A_272 = tpu.vector_load %arg17[%swap3A] {strides = array<i32>} : memref<8192xi32, #tpu.memory_space<vmem>>, vector<16xi32>,
          tpu.vector_store %arg17[%swap3A], %select_n3A_269 {strides = array<i32>} : memref<8192xi32, #tpu.memory_space<vmem>>, vector<16xi32>,
          %gather3A_273 = tpu.vector_load_idx %arg9[%get3A_262] : memref<50000xf32, #tpu.memory_space<vmem>>[vector<16xi32>], vector<16xf32>,
          %jit3A_274 = arith.constant 0.000000e+00 : f32
          %broadcast_in_dim3A_275 = vector.broadcast %jit3A_274 : f32 to vector<16xf32>
          %select_n3A_276 = arith.select %ge3A_266, %gather3A_273, %broadcast_in_dim3A_275 : vector<16xi1>, vector<16xf32>
          %swap3A_277 = arith.index_cast %mul3A_259 : i32 to index
          %swap3A_278 = tpu.vector_load %arg18[%swap3A_277] {strides = array<i32>} : memref<1024xf32, #tpu.memory_space<vmem>>, vector<16xf32>,
          tpu.vector_store %arg18[%swap3A_277], %select_n3A_276 {add = true, strides = array<i32>} : memref<1024xf32, #tpu.memory_space<vmem>>, vector<16xf32>,
        }
        %scan3A_228 = arith.constant 32 : i32
        %dma_wait3A_229 = arith.constant 0 : i32
        %dma_wait3A_230 = tpu.memref_slice %arg8[%dma_wait3A_229] : memref<800000xi32, #tpu.memory_space<vmem_shared>> -> memref<800000xi32, #tpu.memory_space<vmem_shared>>
        tpu.wait_indirect_dma semaphore(%arg22 : memref<!tpu.dma_semaphore, #tpu.memory_space<semaphore_mem>>) src(%dma_wait3A_230 : memref<800000xi32, #tpu.memory_space<vmem_shared>>) dst(%arg16 : memref<512xi32, #tpu.memory_space<vmem>>)
        %scan3A_231 = arith.constant 0 : i32
        %scan3A_232 = arith.constant 32 : i32
        %scan3A_233 = arith.addi %scan3A_231, %scan3A_232 : i32
        %scan3A_234 = arith.constant 1 : i32
        scf.for %scan3A_253 = %scan3A_231 to %scan3A_233 step %scan3A_234  : i32 {
          %mul3A_254 = arith.constant 1 : i32
          %mul3A_255 = arith.muli %scan3A_253, %mul3A_254 : i32
          %add3A_256 = arith.constant 32 : i32
          %add3A_257 = arith.addi %add3A_256, %mul3A_255 : i32
          %mul3A_258 = arith.constant 16 : i32
          %mul3A_259 = arith.muli %add3A_257, %mul3A_258 : i32
          %sub3A_260 = arith.constant 512 : i32
          %sub3A_261 = arith.subi %mul3A_259, %sub3A_260 : i32
          %get3A = arith.index_cast %sub3A_261 : i32 to index
          %get3A_262 = tpu.vector_load %arg16[%get3A] {strides = array<i32>} : memref<512xi32, #tpu.memory_space<vmem>>, vector<16xi32>,
          %add3A_263 = vector.broadcast %add3A_257 : i32 to vector<16xi32>
          %add3A_264 = arith.addi %add3A_84, %add3A_263 : vector<16xi32>
          %gather3A = tpu.vector_load_idx %arg12[%iota3A_24, %add3A_264] : memref<16x256xi32, #tpu.memory_space<vmem>>[vector<16xi32>, vector<16xi32>], vector<16xi32>,
          %ge3A = arith.constant 7 : i32
          %ge3A_265 = vector.broadcast %ge3A : i32 to vector<16xi32>
          %ge3A_266 = arith.cmpi sge, %gather3A, %ge3A_265 : vector<16xi32>
          %jit3A_267 = arith.constant -1 : i32
          %broadcast_in_dim3A_268 = vector.broadcast %jit3A_267 : i32 to vector<16xi32>
          %select_n3A_269 = arith.select %ge3A_266, %get3A_262, %broadcast_in_dim3A_268 : vector<16xi1>, vector<16xi32>
          %add3A_270 = arith.constant 7168 : i32
          %add3A_271 = arith.addi %add3A_270, %mul3A_259 : i32
          %swap3A = arith.index_cast %add3A_271 : i32 to index
          %swap3A_272 = tpu.vector_load %arg17[%swap3A] {strides = array<i32>} : memref<8192xi32, #tpu.memory_space<vmem>>, vector<16xi32>,
          tpu.vector_store %arg17[%swap3A], %select_n3A_269 {strides = array<i32>} : memref<8192xi32, #tpu.memory_space<vmem>>, vector<16xi32>,
          %gather3A_273 = tpu.vector_load_idx %arg9[%get3A_262] : memref<50000xf32, #tpu.memory_space<vmem>>[vector<16xi32>], vector<16xf32>,
          %jit3A_274 = arith.constant 0.000000e+00 : f32
          %broadcast_in_dim3A_275 = vector.broadcast %jit3A_274 : f32 to vector<16xf32>
          %select_n3A_276 = arith.select %ge3A_266, %gather3A_273, %broadcast_in_dim3A_275 : vector<16xi1>, vector<16xf32>
          %swap3A_277 = arith.index_cast %mul3A_259 : i32 to index
          %swap3A_278 = tpu.vector_load %arg18[%swap3A_277] {strides = array<i32>} : memref<1024xf32, #tpu.memory_space<vmem>>, vector<16xf32>,
          tpu.vector_store %arg18[%swap3A_277], %select_n3A_276 {add = true, strides = array<i32>} : memref<1024xf32, #tpu.memory_space<vmem>>, vector<16xf32>,
        }
        %scan3A_235 = arith.constant 32 : i32
        %mul3A_236 = arith.constant 2048 : i32
        %mul3A_237 = arith.muli %rem3A_54, %mul3A_236 : i32
        %scan3A_238 = arith.constant 0 : i32
        %scan3A_239 = arith.constant 64 : i32
        %scan3A_240 = arith.addi %scan3A_238, %scan3A_239 : i32
        %scan3A_241 = arith.constant 1 : i32
        scf.for %scan3A_253 = %scan3A_238 to %scan3A_240 step %scan3A_241  : i32 {
          %mul3A_254 = arith.constant 1 : i32
          %mul3A_255 = arith.muli %scan3A_253, %mul3A_254 : i32
          %add3A_256 = arith.constant 0 : i32
          %add3A_257 = arith.addi %add3A_256, %mul3A_255 : i32
          %mul3A_258 = arith.constant 16 : i32
          %mul3A_259 = arith.muli %add3A_257, %mul3A_258 : i32
          %get3A = arith.index_cast %mul3A_259 : i32 to index
          %get3A_260 = tpu.vector_load %arg18[%get3A] {strides = array<i32>} : memref<1024xf32, #tpu.memory_space<vmem>>, vector<16xf32>,
          %xor3A = arith.constant 1 : i32
          %xor3A_261 = vector.broadcast %xor3A : i32 to vector<16xi32>
          %xor3A_262 = arith.xori %iota3A, %xor3A_261 : vector<16xi32>
          %broadcast_in_dim3A_263 = vector.shape_cast %xor3A_262 : vector<16xi32> to vector<16x1xi32>
          %gather3A = vector.shape_cast %broadcast_in_dim3A_263 : vector<16x1xi32> to vector<16xi32>
          %gather3A_264 = tpu.dynamic_gather %get3A_260[%gather3A] in [0] : vector<16xf32>, vector<16xi32> -> vector<16xf32>
          %max3A = arith.maximumf %get3A_260, %gather3A_264 : vector<16xf32>
          %xor3A_265 = arith.constant 2 : i32
          %xor3A_266 = vector.broadcast %xor3A_265 : i32 to vector<16xi32>
          %xor3A_267 = arith.xori %iota3A, %xor3A_266 : vector<16xi32>
          %broadcast_in_dim3A_268 = vector.shape_cast %xor3A_267 : vector<16xi32> to vector<16x1xi32>
          %gather3A_269 = vector.shape_cast %broadcast_in_dim3A_268 : vector<16x1xi32> to vector<16xi32>
          %gather3A_270 = tpu.dynamic_gather %max3A[%gather3A_269] in [0] : vector<16xf32>, vector<16xi32> -> vector<16xf32>
          %max3A_271 = arith.maximumf %max3A, %gather3A_270 : vector<16xf32>
          %xor3A_272 = arith.constant 4 : i32
          %xor3A_273 = vector.broadcast %xor3A_272 : i32 to vector<16xi32>
          %xor3A_274 = arith.xori %iota3A, %xor3A_273 : vector<16xi32>
          %broadcast_in_dim3A_275 = vector.shape_cast %xor3A_274 : vector<16xi32> to vector<16x1xi32>
          %gather3A_276 = vector.shape_cast %broadcast_in_dim3A_275 : vector<16x1xi32> to vector<16xi32>
          %gather3A_277 = tpu.dynamic_gather %max3A_271[%gather3A_276] in [0] : vector<16xf32>, vector<16xi32> -> vector<16xf32>
          %max3A_278 = arith.maximumf %max3A_271, %gather3A_277 : vector<16xf32>
          %xor3A_279 = arith.constant 8 : i32
          %xor3A_280 = vector.broadcast %xor3A_279 : i32 to vector<16xi32>
          %xor3A_281 = arith.xori %iota3A, %xor3A_280 : vector<16xi32>
          %broadcast_in_dim3A_282 = vector.shape_cast %xor3A_281 : vector<16xi32> to vector<16x1xi32>
          %gather3A_283 = vector.shape_cast %broadcast_in_dim3A_282 : vector<16x1xi32> to vector<16xi32>
          %gather3A_284 = tpu.dynamic_gather %max3A_278[%gather3A_283] in [0] : vector<16xf32>, vector<16xi32> -> vector<16xf32>
          %max3A_285 = arith.maximumf %max3A_278, %gather3A_284 : vector<16xf32>
          %eq3A_286 = arith.cmpf oeq, %get3A_260, %max3A_285 : vector<16xf32>
          %all_reduce_ffs3A = tpu.all_reduce %eq3A_286 {dim = 0 : i64, kind = #tpu.reduction_kind<find_first_set>} : vector<16xi1> -> vector<16xi32>
          %eq3A_287 = arith.cmpi eq, %iota3A, %all_reduce_ffs3A : vector<16xi32>
          %broadcast_in_dim3A_288 = vector.broadcast %scan3A_25 : f32 to vector<16xf32>
          %select_n3A_289 = arith.select %eq3A_287, %broadcast_in_dim3A_288, %get3A_260 : vector<16xi1>, vector<16xf32>
          %xor3A_290 = arith.constant 1 : i32
          %xor3A_291 = vector.broadcast %xor3A_290 : i32 to vector<16xi32>
          %xor3A_292 = arith.xori %iota3A, %xor3A_291 : vector<16xi32>
          %broadcast_in_dim3A_293 = vector.shape_cast %xor3A_292 : vector<16xi32> to vector<16x1xi32>
          %gather3A_294 = vector.shape_cast %broadcast_in_dim3A_293 : vector<16x1xi32> to vector<16xi32>
          %gather3A_295 = tpu.dynamic_gather %select_n3A_289[%gather3A_294] in [0] : vector<16xf32>, vector<16xi32> -> vector<16xf32>
          %max3A_296 = arith.maximumf %select_n3A_289, %gather3A_295 : vector<16xf32>
          %xor3A_297 = arith.constant 2 : i32
          %xor3A_298 = vector.broadcast %xor3A_297 : i32 to vector<16xi32>
          %xor3A_299 = arith.xori %iota3A, %xor3A_298 : vector<16xi32>
          %broadcast_in_dim3A_300 = vector.shape_cast %xor3A_299 : vector<16xi32> to vector<16x1xi32>
          %gather3A_301 = vector.shape_cast %broadcast_in_dim3A_300 : vector<16x1xi32> to vector<16xi32>
          %gather3A_302 = tpu.dynamic_gather %max3A_296[%gather3A_301] in [0] : vector<16xf32>, vector<16xi32> -> vector<16xf32>
          %max3A_303 = arith.maximumf %max3A_296, %gather3A_302 : vector<16xf32>
          %xor3A_304 = arith.constant 4 : i32
          %xor3A_305 = vector.broadcast %xor3A_304 : i32 to vector<16xi32>
          %xor3A_306 = arith.xori %iota3A, %xor3A_305 : vector<16xi32>
          %broadcast_in_dim3A_307 = vector.shape_cast %xor3A_306 : vector<16xi32> to vector<16x1xi32>
          %gather3A_308 = vector.shape_cast %broadcast_in_dim3A_307 : vector<16x1xi32> to vector<16xi32>
          %gather3A_309 = tpu.dynamic_gather %max3A_303[%gather3A_308] in [0] : vector<16xf32>, vector<16xi32> -> vector<16xf32>
          %max3A_310 = arith.maximumf %max3A_303, %gather3A_309 : vector<16xf32>
          %xor3A_311 = arith.constant 8 : i32
          %xor3A_312 = vector.broadcast %xor3A_311 : i32 to vector<16xi32>
          %xor3A_313 = arith.xori %iota3A, %xor3A_312 : vector<16xi32>
          %broadcast_in_dim3A_314 = vector.shape_cast %xor3A_313 : vector<16xi32> to vector<16x1xi32>
          %gather3A_315 = vector.shape_cast %broadcast_in_dim3A_314 : vector<16x1xi32> to vector<16xi32>
          %gather3A_316 = tpu.dynamic_gather %max3A_310[%gather3A_315] in [0] : vector<16xf32>, vector<16xi32> -> vector<16xf32>
          %max3A_317 = arith.maximumf %max3A_310, %gather3A_316 : vector<16xf32>
          %eq3A_318 = arith.cmpf oeq, %select_n3A_289, %max3A_317 : vector<16xf32>
          %all_reduce_ffs3A_319 = tpu.all_reduce %eq3A_318 {dim = 0 : i64, kind = #tpu.reduction_kind<find_first_set>} : vector<16xi1> -> vector<16xi32>
          %eq3A_320 = arith.cmpi eq, %iota3A, %all_reduce_ffs3A_319 : vector<16xi32>
          %broadcast_in_dim3A_321 = vector.broadcast %scan3A_25 : f32 to vector<16xf32>
          %select_n3A_322 = arith.select %eq3A_320, %broadcast_in_dim3A_321, %select_n3A_289 : vector<16xi1>, vector<16xf32>
          %xor3A_323 = arith.constant 1 : i32
          %xor3A_324 = vector.broadcast %xor3A_323 : i32 to vector<16xi32>
          %xor3A_325 = arith.xori %iota3A, %xor3A_324 : vector<16xi32>
          %broadcast_in_dim3A_326 = vector.shape_cast %xor3A_325 : vector<16xi32> to vector<16x1xi32>
          %gather3A_327 = vector.shape_cast %broadcast_in_dim3A_326 : vector<16x1xi32> to vector<16xi32>
          %gather3A_328 = tpu.dynamic_gather %select_n3A_322[%gather3A_327] in [0] : vector<16xf32>, vector<16xi32> -> vector<16xf32>
          %max3A_329 = arith.maximumf %select_n3A_322, %gather3A_328 : vector<16xf32>
          %xor3A_330 = arith.constant 2 : i32
          %xor3A_331 = vector.broadcast %xor3A_330 : i32 to vector<16xi32>
          %xor3A_332 = arith.xori %iota3A, %xor3A_331 : vector<16xi32>
          %broadcast_in_dim3A_333 = vector.shape_cast %xor3A_332 : vector<16xi32> to vector<16x1xi32>
          %gather3A_334 = vector.shape_cast %broadcast_in_dim3A_333 : vector<16x1xi32> to vector<16xi32>
          %gather3A_335 = tpu.dynamic_gather %max3A_329[%gather3A_334] in [0] : vector<16xf32>, vector<16xi32> -> vector<16xf32>
          %max3A_336 = arith.maximumf %max3A_329, %gather3A_335 : vector<16xf32>
          %xor3A_337 = arith.constant 4 : i32
          %xor3A_338 = vector.broadcast %xor3A_337 : i32 to vector<16xi32>
          %xor3A_339 = arith.xori %iota3A, %xor3A_338 : vector<16xi32>
          %broadcast_in_dim3A_340 = vector.shape_cast %xor3A_339 : vector<16xi32> to vector<16x1xi32>
          %gather3A_341 = vector.shape_cast %broadcast_in_dim3A_340 : vector<16x1xi32> to vector<16xi32>
          %gather3A_342 = tpu.dynamic_gather %max3A_336[%gather3A_341] in [0] : vector<16xf32>, vector<16xi32> -> vector<16xf32>
          %max3A_343 = arith.maximumf %max3A_336, %gather3A_342 : vector<16xf32>
          %xor3A_344 = arith.constant 8 : i32
          %xor3A_345 = vector.broadcast %xor3A_344 : i32 to vector<16xi32>
          %xor3A_346 = arith.xori %iota3A, %xor3A_345 : vector<16xi32>
          %broadcast_in_dim3A_347 = vector.shape_cast %xor3A_346 : vector<16xi32> to vector<16x1xi32>
          %gather3A_348 = vector.shape_cast %broadcast_in_dim3A_347 : vector<16x1xi32> to vector<16xi32>
          %gather3A_349 = tpu.dynamic_gather %max3A_343[%gather3A_348] in [0] : vector<16xf32>, vector<16xi32> -> vector<16xf32>
          %max3A_350 = arith.maximumf %max3A_343, %gather3A_349 : vector<16xf32>
          %eq3A_351 = arith.cmpf oeq, %select_n3A_322, %max3A_350 : vector<16xf32>
          %all_reduce_ffs3A_352 = tpu.all_reduce %eq3A_351 {dim = 0 : i64, kind = #tpu.reduction_kind<find_first_set>} : vector<16xi1> -> vector<16xi32>
          %eq3A_353 = arith.cmpi eq, %iota3A, %all_reduce_ffs3A_352 : vector<16xi32>
          %broadcast_in_dim3A_354 = vector.broadcast %scan3A_25 : f32 to vector<16xf32>
          %select_n3A_355 = arith.select %eq3A_353, %broadcast_in_dim3A_354, %select_n3A_322 : vector<16xi1>, vector<16xf32>
          %xor3A_356 = arith.constant 1 : i32
          %xor3A_357 = vector.broadcast %xor3A_356 : i32 to vector<16xi32>
          %xor3A_358 = arith.xori %iota3A, %xor3A_357 : vector<16xi32>
          %broadcast_in_dim3A_359 = vector.shape_cast %xor3A_358 : vector<16xi32> to vector<16x1xi32>
          %gather3A_360 = vector.shape_cast %broadcast_in_dim3A_359 : vector<16x1xi32> to vector<16xi32>
          %gather3A_361 = tpu.dynamic_gather %select_n3A_355[%gather3A_360] in [0] : vector<16xf32>, vector<16xi32> -> vector<16xf32>
          %max3A_362 = arith.maximumf %select_n3A_355, %gather3A_361 : vector<16xf32>
          %xor3A_363 = arith.constant 2 : i32
          %xor3A_364 = vector.broadcast %xor3A_363 : i32 to vector<16xi32>
          %xor3A_365 = arith.xori %iota3A, %xor3A_364 : vector<16xi32>
          %broadcast_in_dim3A_366 = vector.shape_cast %xor3A_365 : vector<16xi32> to vector<16x1xi32>
          %gather3A_367 = vector.shape_cast %broadcast_in_dim3A_366 : vector<16x1xi32> to vector<16xi32>
          %gather3A_368 = tpu.dynamic_gather %max3A_362[%gather3A_367] in [0] : vector<16xf32>, vector<16xi32> -> vector<16xf32>
          %max3A_369 = arith.maximumf %max3A_362, %gather3A_368 : vector<16xf32>
          %xor3A_370 = arith.constant 4 : i32
          %xor3A_371 = vector.broadcast %xor3A_370 : i32 to vector<16xi32>
          %xor3A_372 = arith.xori %iota3A, %xor3A_371 : vector<16xi32>
          %broadcast_in_dim3A_373 = vector.shape_cast %xor3A_372 : vector<16xi32> to vector<16x1xi32>
          %gather3A_374 = vector.shape_cast %broadcast_in_dim3A_373 : vector<16x1xi32> to vector<16xi32>
          %gather3A_375 = tpu.dynamic_gather %max3A_369[%gather3A_374] in [0] : vector<16xf32>, vector<16xi32> -> vector<16xf32>
          %max3A_376 = arith.maximumf %max3A_369, %gather3A_375 : vector<16xf32>
          %xor3A_377 = arith.constant 8 : i32
          %xor3A_378 = vector.broadcast %xor3A_377 : i32 to vector<16xi32>
          %xor3A_379 = arith.xori %iota3A, %xor3A_378 : vector<16xi32>
          %broadcast_in_dim3A_380 = vector.shape_cast %xor3A_379 : vector<16xi32> to vector<16x1xi32>
          %gather3A_381 = vector.shape_cast %broadcast_in_dim3A_380 : vector<16x1xi32> to vector<16xi32>
          %gather3A_382 = tpu.dynamic_gather %max3A_376[%gather3A_381] in [0] : vector<16xf32>, vector<16xi32> -> vector<16xf32>
          %max3A_383 = arith.maximumf %max3A_376, %gather3A_382 : vector<16xf32>
          %eq3A_384 = arith.cmpf oeq, %select_n3A_355, %max3A_383 : vector<16xf32>
          %all_reduce_ffs3A_385 = tpu.all_reduce %eq3A_384 {dim = 0 : i64, kind = #tpu.reduction_kind<find_first_set>} : vector<16xi1> -> vector<16xi32>
          %eq3A_386 = arith.cmpi eq, %iota3A, %all_reduce_ffs3A_385 : vector<16xi32>
          %broadcast_in_dim3A_387 = vector.broadcast %scan3A_25 : f32 to vector<16xf32>
          %select_n3A_388 = arith.select %eq3A_386, %broadcast_in_dim3A_387, %select_n3A_355 : vector<16xi1>, vector<16xf32>
          %select_n3A_389 = arith.select %lt3A_11, %all_reduce_ffs3A, %all_reduce_ffs3A_319 : vector<16xi1>, vector<16xi32>
          %add3A_390 = vector.broadcast %mul3A_259 : i32 to vector<16xi32>
          %add3A_391 = arith.addi %mul3A_9, %add3A_390 : vector<16xi32>
          %add3A_392 = arith.addi %add3A_391, %select_n3A_389 : vector<16xi32>
          %gather3A_393 = tpu.vector_load_idx %arg17[%add3A_392] : memref<8192xi32, #tpu.memory_space<vmem>>[vector<16xi32>], vector<16xi32>,
          %add3A_394 = vector.broadcast %mul3A_237 : i32 to vector<16xi32>
          %add3A_395 = arith.addi %add3A_394, %add3A_20 : vector<16xi32>
          %add3A_396 = vector.broadcast %add3A_257 : i32 to vector<16xi32>
          %add3A_397 = arith.addi %add3A_395, %add3A_396 : vector<16xi32>
          tpu.vector_store_idx %arg19[%add3A_397], %gather3A_393 : memref<4096xi32, #tpu.memory_space<vmem>>[vector<16xi32>], vector<16xi32>,
          %select_n3A_398 = arith.select %lt3A_11, %all_reduce_ffs3A_352, %all_reduce_ffs3A_385 : vector<16xi1>, vector<16xi32>
          %add3A_399 = vector.broadcast %mul3A_259 : i32 to vector<16xi32>
          %add3A_400 = arith.addi %mul3A_9, %add3A_399 : vector<16xi32>
          %add3A_401 = arith.addi %add3A_400, %select_n3A_398 : vector<16xi32>
          %gather3A_402 = tpu.vector_load_idx %arg17[%add3A_401] : memref<8192xi32, #tpu.memory_space<vmem>>[vector<16xi32>], vector<16xi32>,
          %add3A_403 = vector.broadcast %mul3A_237 : i32 to vector<16xi32>
          %add3A_404 = arith.addi %add3A_403, %add3A_23 : vector<16xi32>
          %add3A_405 = vector.broadcast %add3A_257 : i32 to vector<16xi32>
          %add3A_406 = arith.addi %add3A_404, %add3A_405 : vector<16xi32>
          tpu.vector_store_idx %arg19[%add3A_406], %gather3A_402 : memref<4096xi32, #tpu.memory_space<vmem>>[vector<16xi32>], vector<16xi32>,
        }
        %scan3A_242 = arith.constant 64 : i32
        %eq3A_243 = arith.constant 0 : i32
        %eq3A_244 = arith.cmpi eq, %rem3A_54, %eq3A_243 : i32
        %convert_element_type3A_245 = arith.extui %eq3A_244 : i1 to i32
        %cond3A_246 = arith.constant 0 : i32
        %cond3A_247 = arith.cmpi ne, %convert_element_type3A_245, %cond3A_246 : i32
        scf.if %cond3A_247 {
          %add3A_253 = arith.constant 0 : i32
          %add3A_254 = arith.addi %add3A_253, %min3A_74 : i32
          %dma_start3A_255 = arith.constant 0 : i32
          %dma_start3A_256 = tpu.memref_slice %arg19[%dma_start3A_255] : memref<4096xi32, #tpu.memory_space<vmem>> -> memref<64xi32, #tpu.memory_space<vmem>>
          %dma_start3A_257 = tpu.memref_slice %arg7[%add3A_254] : memref<1600000xi32, #tpu.memory_space<hbm>> -> memref<64xi32, #tpu.memory_space<hbm>>
          %dma_start3A_258 = tpu.memref_slice %arg7[%add3A_254] : memref<1600000xi32, #tpu.memory_space<hbm>> -> memref<64xi32, #tpu.memory_space<hbm>>
          %dma_start3A_259 = arith.constant 0 : i32
          %dma_start3A_260 = tpu.memref_slice %arg19[%dma_start3A_259] : memref<4096xi32, #tpu.memory_space<vmem>> -> memref<64xi32, #tpu.memory_space<vmem>>
          tpu.enqueue_dma source(%dma_start3A_260 : memref<64xi32, #tpu.memory_space<vmem>>) target(%dma_start3A_258 : memref<64xi32, #tpu.memory_space<hbm>>) target_semaphore(%arg25 : memref<!tpu.dma_semaphore, #tpu.memory_space<semaphore_mem>>)
          %add3A_261 = arith.constant 50000 : i32
          %add3A_262 = arith.addi %add3A_261, %min3A_74 : i32
          %dma_start3A_263 = arith.constant 64 : i32
          %dma_start3A_264 = tpu.memref_slice %arg19[%dma_start3A_263] : memref<4096xi32, #tpu.memory_space<vmem>> -> memref<64xi32, #tpu.memory_space<vmem>>
          %dma_start3A_265 = tpu.memref_slice %arg7[%add3A_262] : memref<1600000xi32, #tpu.memory_space<hbm>> -> memref<64xi32, #tpu.memory_space<hbm>>
          %dma_start3A_266 = tpu.memref_slice %arg7[%add3A_262] : memref<1600000xi32, #tpu.memory_space<hbm>> -> memref<64xi32, #tpu.memory_space<hbm>>
          %dma_start3A_267 = arith.constant 64 : i32
          %dma_start3A_268 = tpu.memref_slice %arg19[%dma_start3A_267] : memref<4096xi32, #tpu.memory_space<vmem>> -> memref<64xi32, #tpu.memory_space<vmem>>
          tpu.enqueue_dma source(%dma_start3A_268 : memref<64xi32, #tpu.memory_space<vmem>>) target(%dma_start3A_266 : memref<64xi32, #tpu.memory_space<hbm>>) target_semaphore(%arg25 : memref<!tpu.dma_semaphore, #tpu.memory_space<semaphore_mem>>)
          %add3A_269 = arith.constant 100000 : i32
          %add3A_270 = arith.addi %add3A_269, %min3A_74 : i32
          %dma_start3A_271 = arith.constant 128 : i32
          %dma_start3A_272 = tpu.memref_slice %arg19[%dma_start3A_271] : memref<4096xi32, #tpu.memory_space<vmem>> -> memref<64xi32, #tpu.memory_space<vmem>>
          %dma_start3A_273 = tpu.memref_slice %arg7[%add3A_270] : memref<1600000xi32, #tpu.memory_space<hbm>> -> memref<64xi32, #tpu.memory_space<hbm>>
          %dma_start3A_274 = tpu.memref_slice %arg7[%add3A_270] : memref<1600000xi32, #tpu.memory_space<hbm>> -> memref<64xi32, #tpu.memory_space<hbm>>
          %dma_start3A_275 = arith.constant 128 : i32
          %dma_start3A_276 = tpu.memref_slice %arg19[%dma_start3A_275] : memref<4096xi32, #tpu.memory_space<vmem>> -> memref<64xi32, #tpu.memory_space<vmem>>
          tpu.enqueue_dma source(%dma_start3A_276 : memref<64xi32, #tpu.memory_space<vmem>>) target(%dma_start3A_274 : memref<64xi32, #tpu.memory_space<hbm>>) target_semaphore(%arg25 : memref<!tpu.dma_semaphore, #tpu.memory_space<semaphore_mem>>)
          %add3A_277 = arith.constant 150000 : i32
          %add3A_278 = arith.addi %add3A_277, %min3A_74 : i32
          %dma_start3A_279 = arith.constant 192 : i32
          %dma_start3A_280 = tpu.memref_slice %arg19[%dma_start3A_279] : memref<4096xi32, #tpu.memory_space<vmem>> -> memref<64xi32, #tpu.memory_space<vmem>>
          %dma_start3A_281 = tpu.memref_slice %arg7[%add3A_278] : memref<1600000xi32, #tpu.memory_space<hbm>> -> memref<64xi32, #tpu.memory_space<hbm>>
          %dma_start3A_282 = tpu.memref_slice %arg7[%add3A_278] : memref<1600000xi32, #tpu.memory_space<hbm>> -> memref<64xi32, #tpu.memory_space<hbm>>
          %dma_start3A_283 = arith.constant 192 : i32
          %dma_start3A_284 = tpu.memref_slice %arg19[%dma_start3A_283] : memref<4096xi32, #tpu.memory_space<vmem>> -> memref<64xi32, #tpu.memory_space<vmem>>
          tpu.enqueue_dma source(%dma_start3A_284 : memref<64xi32, #tpu.memory_space<vmem>>) target(%dma_start3A_282 : memref<64xi32, #tpu.memory_space<hbm>>) target_semaphore(%arg25 : memref<!tpu.dma_semaphore, #tpu.memory_space<semaphore_mem>>)
          %add3A_285 = arith.constant 200000 : i32
          %add3A_286 = arith.addi %add3A_285, %min3A_74 : i32
          %dma_start3A_287 = arith.constant 256 : i32
          %dma_start3A_288 = tpu.memref_slice %arg19[%dma_start3A_287] : memref<4096xi32, #tpu.memory_space<vmem>> -> memref<64xi32, #tpu.memory_space<vmem>>
          %dma_start3A_289 = tpu.memref_slice %arg7[%add3A_286] : memref<1600000xi32, #tpu.memory_space<hbm>> -> memref<64xi32, #tpu.memory_space<hbm>>
          %dma_start3A_290 = tpu.memref_slice %arg7[%add3A_286] : memref<1600000xi32, #tpu.memory_space<hbm>> -> memref<64xi32, #tpu.memory_space<hbm>>
          %dma_start3A_291 = arith.constant 256 : i32
          %dma_start3A_292 = tpu.memref_slice %arg19[%dma_start3A_291] : memref<4096xi32, #tpu.memory_space<vmem>> -> memref<64xi32, #tpu.memory_space<vmem>>
          tpu.enqueue_dma source(%dma_start3A_292 : memref<64xi32, #tpu.memory_space<vmem>>) target(%dma_start3A_290 : memref<64xi32, #tpu.memory_space<hbm>>) target_semaphore(%arg25 : memref<!tpu.dma_semaphore, #tpu.memory_space<semaphore_mem>>)
          %add3A_293 = arith.constant 250000 : i32
          %add3A_294 = arith.addi %add3A_293, %min3A_74 : i32
          %dma_start3A_295 = arith.constant 320 : i32
          %dma_start3A_296 = tpu.memref_slice %arg19[%dma_start3A_295] : memref<4096xi32, #tpu.memory_space<vmem>> -> memref<64xi32, #tpu.memory_space<vmem>>
          %dma_start3A_297 = tpu.memref_slice %arg7[%add3A_294] : memref<1600000xi32, #tpu.memory_space<hbm>> -> memref<64xi32, #tpu.memory_space<hbm>>
          %dma_start3A_298 = tpu.memref_slice %arg7[%add3A_294] : memref<1600000xi32, #tpu.memory_space<hbm>> -> memref<64xi32, #tpu.memory_space<hbm>>
          %dma_start3A_299 = arith.constant 320 : i32
          %dma_start3A_300 = tpu.memref_slice %arg19[%dma_start3A_299] : memref<4096xi32, #tpu.memory_space<vmem>> -> memref<64xi32, #tpu.memory_space<vmem>>
          tpu.enqueue_dma source(%dma_start3A_300 : memref<64xi32, #tpu.memory_space<vmem>>) target(%dma_start3A_298 : memref<64xi32, #tpu.memory_space<hbm>>) target_semaphore(%arg25 : memref<!tpu.dma_semaphore, #tpu.memory_space<semaphore_mem>>)
          %add3A_301 = arith.constant 300000 : i32
          %add3A_302 = arith.addi %add3A_301, %min3A_74 : i32
          %dma_start3A_303 = arith.constant 384 : i32
          %dma_start3A_304 = tpu.memref_slice %arg19[%dma_start3A_303] : memref<4096xi32, #tpu.memory_space<vmem>> -> memref<64xi32, #tpu.memory_space<vmem>>
          %dma_start3A_305 = tpu.memref_slice %arg7[%add3A_302] : memref<1600000xi32, #tpu.memory_space<hbm>> -> memref<64xi32, #tpu.memory_space<hbm>>
          %dma_start3A_306 = tpu.memref_slice %arg7[%add3A_302] : memref<1600000xi32, #tpu.memory_space<hbm>> -> memref<64xi32, #tpu.memory_space<hbm>>
          %dma_start3A_307 = arith.constant 384 : i32
          %dma_start3A_308 = tpu.memref_slice %arg19[%dma_start3A_307] : memref<4096xi32, #tpu.memory_space<vmem>> -> memref<64xi32, #tpu.memory_space<vmem>>
          tpu.enqueue_dma source(%dma_start3A_308 : memref<64xi32, #tpu.memory_space<vmem>>) target(%dma_start3A_306 : memref<64xi32, #tpu.memory_space<hbm>>) target_semaphore(%arg25 : memref<!tpu.dma_semaphore, #tpu.memory_space<semaphore_mem>>)
          %add3A_309 = arith.constant 350000 : i32
          %add3A_310 = arith.addi %add3A_309, %min3A_74 : i32
          %dma_start3A_311 = arith.constant 448 : i32
          %dma_start3A_312 = tpu.memref_slice %arg19[%dma_start3A_311] : memref<4096xi32, #tpu.memory_space<vmem>> -> memref<64xi32, #tpu.memory_space<vmem>>
          %dma_start3A_313 = tpu.memref_slice %arg7[%add3A_310] : memref<1600000xi32, #tpu.memory_space<hbm>> -> memref<64xi32, #tpu.memory_space<hbm>>
          %dma_start3A_314 = tpu.memref_slice %arg7[%add3A_310] : memref<1600000xi32, #tpu.memory_space<hbm>> -> memref<64xi32, #tpu.memory_space<hbm>>
          %dma_start3A_315 = arith.constant 448 : i32
          %dma_start3A_316 = tpu.memref_slice %arg19[%dma_start3A_315] : memref<4096xi32, #tpu.memory_space<vmem>> -> memref<64xi32, #tpu.memory_space<vmem>>
          tpu.enqueue_dma source(%dma_start3A_316 : memref<64xi32, #tpu.memory_space<vmem>>) target(%dma_start3A_314 : memref<64xi32, #tpu.memory_space<hbm>>) target_semaphore(%arg25 : memref<!tpu.dma_semaphore, #tpu.memory_space<semaphore_mem>>)
          %add3A_317 = arith.constant 400000 : i32
          %add3A_318 = arith.addi %add3A_317, %min3A_74 : i32
          %dma_start3A_319 = arith.constant 512 : i32
          %dma_start3A_320 = tpu.memref_slice %arg19[%dma_start3A_319] : memref<4096xi32, #tpu.memory_space<vmem>> -> memref<64xi32, #tpu.memory_space<vmem>>
          %dma_start3A_321 = tpu.memref_slice %arg7[%add3A_318] : memref<1600000xi32, #tpu.memory_space<hbm>> -> memref<64xi32, #tpu.memory_space<hbm>>
          %dma_start3A_322 = tpu.memref_slice %arg7[%add3A_318] : memref<1600000xi32, #tpu.memory_space<hbm>> -> memref<64xi32, #tpu.memory_space<hbm>>
          %dma_start3A_323 = arith.constant 512 : i32
          %dma_start3A_324 = tpu.memref_slice %arg19[%dma_start3A_323] : memref<4096xi32, #tpu.memory_space<vmem>> -> memref<64xi32, #tpu.memory_space<vmem>>
          tpu.enqueue_dma source(%dma_start3A_324 : memref<64xi32, #tpu.memory_space<vmem>>) target(%dma_start3A_322 : memref<64xi32, #tpu.memory_space<hbm>>) target_semaphore(%arg25 : memref<!tpu.dma_semaphore, #tpu.memory_space<semaphore_mem>>)
          %add3A_325 = arith.constant 450000 : i32
          %add3A_326 = arith.addi %add3A_325, %min3A_74 : i32
          %dma_start3A_327 = arith.constant 576 : i32
          %dma_start3A_328 = tpu.memref_slice %arg19[%dma_start3A_327] : memref<4096xi32, #tpu.memory_space<vmem>> -> memref<64xi32, #tpu.memory_space<vmem>>
          %dma_start3A_329 = tpu.memref_slice %arg7[%add3A_326] : memref<1600000xi32, #tpu.memory_space<hbm>> -> memref<64xi32, #tpu.memory_space<hbm>>
          %dma_start3A_330 = tpu.memref_slice %arg7[%add3A_326] : memref<1600000xi32, #tpu.memory_space<hbm>> -> memref<64xi32, #tpu.memory_space<hbm>>
          %dma_start3A_331 = arith.constant 576 : i32
          %dma_start3A_332 = tpu.memref_slice %arg19[%dma_start3A_331] : memref<4096xi32, #tpu.memory_space<vmem>> -> memref<64xi32, #tpu.memory_space<vmem>>
          tpu.enqueue_dma source(%dma_start3A_332 : memref<64xi32, #tpu.memory_space<vmem>>) target(%dma_start3A_330 : memref<64xi32, #tpu.memory_space<hbm>>) target_semaphore(%arg25 : memref<!tpu.dma_semaphore, #tpu.memory_space<semaphore_mem>>)
          %add3A_333 = arith.constant 500000 : i32
          %add3A_334 = arith.addi %add3A_333, %min3A_74 : i32
          %dma_start3A_335 = arith.constant 640 : i32
          %dma_start3A_336 = tpu.memref_slice %arg19[%dma_start3A_335] : memref<4096xi32, #tpu.memory_space<vmem>> -> memref<64xi32, #tpu.memory_space<vmem>>
          %dma_start3A_337 = tpu.memref_slice %arg7[%add3A_334] : memref<1600000xi32, #tpu.memory_space<hbm>> -> memref<64xi32, #tpu.memory_space<hbm>>
          %dma_start3A_338 = tpu.memref_slice %arg7[%add3A_334] : memref<1600000xi32, #tpu.memory_space<hbm>> -> memref<64xi32, #tpu.memory_space<hbm>>
          %dma_start3A_339 = arith.constant 640 : i32
          %dma_start3A_340 = tpu.memref_slice %arg19[%dma_start3A_339] : memref<4096xi32, #tpu.memory_space<vmem>> -> memref<64xi32, #tpu.memory_space<vmem>>
          tpu.enqueue_dma source(%dma_start3A_340 : memref<64xi32, #tpu.memory_space<vmem>>) target(%dma_start3A_338 : memref<64xi32, #tpu.memory_space<hbm>>) target_semaphore(%arg25 : memref<!tpu.dma_semaphore, #tpu.memory_space<semaphore_mem>>)
          %add3A_341 = arith.constant 550000 : i32
          %add3A_342 = arith.addi %add3A_341, %min3A_74 : i32
          %dma_start3A_343 = arith.constant 704 : i32
          %dma_start3A_344 = tpu.memref_slice %arg19[%dma_start3A_343] : memref<4096xi32, #tpu.memory_space<vmem>> -> memref<64xi32, #tpu.memory_space<vmem>>
          %dma_start3A_345 = tpu.memref_slice %arg7[%add3A_342] : memref<1600000xi32, #tpu.memory_space<hbm>> -> memref<64xi32, #tpu.memory_space<hbm>>
          %dma_start3A_346 = tpu.memref_slice %arg7[%add3A_342] : memref<1600000xi32, #tpu.memory_space<hbm>> -> memref<64xi32, #tpu.memory_space<hbm>>
          %dma_start3A_347 = arith.constant 704 : i32
          %dma_start3A_348 = tpu.memref_slice %arg19[%dma_start3A_347] : memref<4096xi32, #tpu.memory_space<vmem>> -> memref<64xi32, #tpu.memory_space<vmem>>
          tpu.enqueue_dma source(%dma_start3A_348 : memref<64xi32, #tpu.memory_space<vmem>>) target(%dma_start3A_346 : memref<64xi32, #tpu.memory_space<hbm>>) target_semaphore(%arg25 : memref<!tpu.dma_semaphore, #tpu.memory_space<semaphore_mem>>)
          %add3A_349 = arith.constant 600000 : i32
          %add3A_350 = arith.addi %add3A_349, %min3A_74 : i32
          %dma_start3A_351 = arith.constant 768 : i32
          %dma_start3A_352 = tpu.memref_slice %arg19[%dma_start3A_351] : memref<4096xi32, #tpu.memory_space<vmem>> -> memref<64xi32, #tpu.memory_space<vmem>>
          %dma_start3A_353 = tpu.memref_slice %arg7[%add3A_350] : memref<1600000xi32, #tpu.memory_space<hbm>> -> memref<64xi32, #tpu.memory_space<hbm>>
          %dma_start3A_354 = tpu.memref_slice %arg7[%add3A_350] : memref<1600000xi32, #tpu.memory_space<hbm>> -> memref<64xi32, #tpu.memory_space<hbm>>
          %dma_start3A_355 = arith.constant 768 : i32
          %dma_start3A_356 = tpu.memref_slice %arg19[%dma_start3A_355] : memref<4096xi32, #tpu.memory_space<vmem>> -> memref<64xi32, #tpu.memory_space<vmem>>
          tpu.enqueue_dma source(%dma_start3A_356 : memref<64xi32, #tpu.memory_space<vmem>>) target(%dma_start3A_354 : memref<64xi32, #tpu.memory_space<hbm>>) target_semaphore(%arg25 : memref<!tpu.dma_semaphore, #tpu.memory_space<semaphore_mem>>)
          %add3A_357 = arith.constant 650000 : i32
          %add3A_358 = arith.addi %add3A_357, %min3A_74 : i32
          %dma_start3A_359 = arith.constant 832 : i32
          %dma_start3A_360 = tpu.memref_slice %arg19[%dma_start3A_359] : memref<4096xi32, #tpu.memory_space<vmem>> -> memref<64xi32, #tpu.memory_space<vmem>>
          %dma_start3A_361 = tpu.memref_slice %arg7[%add3A_358] : memref<1600000xi32, #tpu.memory_space<hbm>> -> memref<64xi32, #tpu.memory_space<hbm>>
          %dma_start3A_362 = tpu.memref_slice %arg7[%add3A_358] : memref<1600000xi32, #tpu.memory_space<hbm>> -> memref<64xi32, #tpu.memory_space<hbm>>
          %dma_start3A_363 = arith.constant 832 : i32
          %dma_start3A_364 = tpu.memref_slice %arg19[%dma_start3A_363] : memref<4096xi32, #tpu.memory_space<vmem>> -> memref<64xi32, #tpu.memory_space<vmem>>
          tpu.enqueue_dma source(%dma_start3A_364 : memref<64xi32, #tpu.memory_space<vmem>>) target(%dma_start3A_362 : memref<64xi32, #tpu.memory_space<hbm>>) target_semaphore(%arg25 : memref<!tpu.dma_semaphore, #tpu.memory_space<semaphore_mem>>)
          %add3A_365 = arith.constant 700000 : i32
          %add3A_366 = arith.addi %add3A_365, %min3A_74 : i32
          %dma_start3A_367 = arith.constant 896 : i32
          %dma_start3A_368 = tpu.memref_slice %arg19[%dma_start3A_367] : memref<4096xi32, #tpu.memory_space<vmem>> -> memref<64xi32, #tpu.memory_space<vmem>>
          %dma_start3A_369 = tpu.memref_slice %arg7[%add3A_366] : memref<1600000xi32, #tpu.memory_space<hbm>> -> memref<64xi32, #tpu.memory_space<hbm>>
          %dma_start3A_370 = tpu.memref_slice %arg7[%add3A_366] : memref<1600000xi32, #tpu.memory_space<hbm>> -> memref<64xi32, #tpu.memory_space<hbm>>
          %dma_start3A_371 = arith.constant 896 : i32
          %dma_start3A_372 = tpu.memref_slice %arg19[%dma_start3A_371] : memref<4096xi32, #tpu.memory_space<vmem>> -> memref<64xi32, #tpu.memory_space<vmem>>
          tpu.enqueue_dma source(%dma_start3A_372 : memref<64xi32, #tpu.memory_space<vmem>>) target(%dma_start3A_370 : memref<64xi32, #tpu.memory_space<hbm>>) target_semaphore(%arg25 : memref<!tpu.dma_semaphore, #tpu.memory_space<semaphore_mem>>)
          %add3A_373 = arith.constant 750000 : i32
          %add3A_374 = arith.addi %add3A_373, %min3A_74 : i32
          %dma_start3A_375 = arith.constant 960 : i32
          %dma_start3A_376 = tpu.memref_slice %arg19[%dma_start3A_375] : memref<4096xi32, #tpu.memory_space<vmem>> -> memref<64xi32, #tpu.memory_space<vmem>>
          %dma_start3A_377 = tpu.memref_slice %arg7[%add3A_374] : memref<1600000xi32, #tpu.memory_space<hbm>> -> memref<64xi32, #tpu.memory_space<hbm>>
          %dma_start3A_378 = tpu.memref_slice %arg7[%add3A_374] : memref<1600000xi32, #tpu.memory_space<hbm>> -> memref<64xi32, #tpu.memory_space<hbm>>
          %dma_start3A_379 = arith.constant 960 : i32
          %dma_start3A_380 = tpu.memref_slice %arg19[%dma_start3A_379] : memref<4096xi32, #tpu.memory_space<vmem>> -> memref<64xi32, #tpu.memory_space<vmem>>
          tpu.enqueue_dma source(%dma_start3A_380 : memref<64xi32, #tpu.memory_space<vmem>>) target(%dma_start3A_378 : memref<64xi32, #tpu.memory_space<hbm>>) target_semaphore(%arg25 : memref<!tpu.dma_semaphore, #tpu.memory_space<semaphore_mem>>)
          %add3A_381 = arith.constant 800000 : i32
          %add3A_382 = arith.addi %add3A_381, %min3A_74 : i32
          %dma_start3A_383 = arith.constant 1024 : i32
          %dma_start3A_384 = tpu.memref_slice %arg19[%dma_start3A_383] : memref<4096xi32, #tpu.memory_space<vmem>> -> memref<64xi32, #tpu.memory_space<vmem>>
          %dma_start3A_385 = tpu.memref_slice %arg7[%add3A_382] : memref<1600000xi32, #tpu.memory_space<hbm>> -> memref<64xi32, #tpu.memory_space<hbm>>
          %dma_start3A_386 = tpu.memref_slice %arg7[%add3A_382] : memref<1600000xi32, #tpu.memory_space<hbm>> -> memref<64xi32, #tpu.memory_space<hbm>>
          %dma_start3A_387 = arith.constant 1024 : i32
          %dma_start3A_388 = tpu.memref_slice %arg19[%dma_start3A_387] : memref<4096xi32, #tpu.memory_space<vmem>> -> memref<64xi32, #tpu.memory_space<vmem>>
          tpu.enqueue_dma source(%dma_start3A_388 : memref<64xi32, #tpu.memory_space<vmem>>) target(%dma_start3A_386 : memref<64xi32, #tpu.memory_space<hbm>>) target_semaphore(%arg25 : memref<!tpu.dma_semaphore, #tpu.memory_space<semaphore_mem>>)
          %add3A_389 = arith.constant 850000 : i32
          %add3A_390 = arith.addi %add3A_389, %min3A_74 : i32
          %dma_start3A_391 = arith.constant 1088 : i32
          %dma_start3A_392 = tpu.memref_slice %arg19[%dma_start3A_391] : memref<4096xi32, #tpu.memory_space<vmem>> -> memref<64xi32, #tpu.memory_space<vmem>>
          %dma_start3A_393 = tpu.memref_slice %arg7[%add3A_390] : memref<1600000xi32, #tpu.memory_space<hbm>> -> memref<64xi32, #tpu.memory_space<hbm>>
          %dma_start3A_394 = tpu.memref_slice %arg7[%add3A_390] : memref<1600000xi32, #tpu.memory_space<hbm>> -> memref<64xi32, #tpu.memory_space<hbm>>
          %dma_start3A_395 = arith.constant 1088 : i32
          %dma_start3A_396 = tpu.memref_slice %arg19[%dma_start3A_395] : memref<4096xi32, #tpu.memory_space<vmem>> -> memref<64xi32, #tpu.memory_space<vmem>>
          tpu.enqueue_dma source(%dma_start3A_396 : memref<64xi32, #tpu.memory_space<vmem>>) target(%dma_start3A_394 : memref<64xi32, #tpu.memory_space<hbm>>) target_semaphore(%arg25 : memref<!tpu.dma_semaphore, #tpu.memory_space<semaphore_mem>>)
          %add3A_397 = arith.constant 900000 : i32
          %add3A_398 = arith.addi %add3A_397, %min3A_74 : i32
          %dma_start3A_399 = arith.constant 1152 : i32
          %dma_start3A_400 = tpu.memref_slice %arg19[%dma_start3A_399] : memref<4096xi32, #tpu.memory_space<vmem>> -> memref<64xi32, #tpu.memory_space<vmem>>
          %dma_start3A_401 = tpu.memref_slice %arg7[%add3A_398] : memref<1600000xi32, #tpu.memory_space<hbm>> -> memref<64xi32, #tpu.memory_space<hbm>>
          %dma_start3A_402 = tpu.memref_slice %arg7[%add3A_398] : memref<1600000xi32, #tpu.memory_space<hbm>> -> memref<64xi32, #tpu.memory_space<hbm>>
          %dma_start3A_403 = arith.constant 1152 : i32
          %dma_start3A_404 = tpu.memref_slice %arg19[%dma_start3A_403] : memref<4096xi32, #tpu.memory_space<vmem>> -> memref<64xi32, #tpu.memory_space<vmem>>
          tpu.enqueue_dma source(%dma_start3A_404 : memref<64xi32, #tpu.memory_space<vmem>>) target(%dma_start3A_402 : memref<64xi32, #tpu.memory_space<hbm>>) target_semaphore(%arg25 : memref<!tpu.dma_semaphore, #tpu.memory_space<semaphore_mem>>)
          %add3A_405 = arith.constant 950000 : i32
          %add3A_406 = arith.addi %add3A_405, %min3A_74 : i32
          %dma_start3A_407 = arith.constant 1216 : i32
          %dma_start3A_408 = tpu.memref_slice %arg19[%dma_start3A_407] : memref<4096xi32, #tpu.memory_space<vmem>> -> memref<64xi32, #tpu.memory_space<vmem>>
          %dma_start3A_409 = tpu.memref_slice %arg7[%add3A_406] : memref<1600000xi32, #tpu.memory_space<hbm>> -> memref<64xi32, #tpu.memory_space<hbm>>
          %dma_start3A_410 = tpu.memref_slice %arg7[%add3A_406] : memref<1600000xi32, #tpu.memory_space<hbm>> -> memref<64xi32, #tpu.memory_space<hbm>>
          %dma_start3A_411 = arith.constant 1216 : i32
          %dma_start3A_412 = tpu.memref_slice %arg19[%dma_start3A_411] : memref<4096xi32, #tpu.memory_space<vmem>> -> memref<64xi32, #tpu.memory_space<vmem>>
          tpu.enqueue_dma source(%dma_start3A_412 : memref<64xi32, #tpu.memory_space<vmem>>) target(%dma_start3A_410 : memref<64xi32, #tpu.memory_space<hbm>>) target_semaphore(%arg25 : memref<!tpu.dma_semaphore, #tpu.memory_space<semaphore_mem>>)
          %add3A_413 = arith.constant 1000000 : i32
          %add3A_414 = arith.addi %add3A_413, %min3A_74 : i32
          %dma_start3A_415 = arith.constant 1280 : i32
          %dma_start3A_416 = tpu.memref_slice %arg19[%dma_start3A_415] : memref<4096xi32, #tpu.memory_space<vmem>> -> memref<64xi32, #tpu.memory_space<vmem>>
          %dma_start3A_417 = tpu.memref_slice %arg7[%add3A_414] : memref<1600000xi32, #tpu.memory_space<hbm>> -> memref<64xi32, #tpu.memory_space<hbm>>
          %dma_start3A_418 = tpu.memref_slice %arg7[%add3A_414] : memref<1600000xi32, #tpu.memory_space<hbm>> -> memref<64xi32, #tpu.memory_space<hbm>>
          %dma_start3A_419 = arith.constant 1280 : i32
          %dma_start3A_420 = tpu.memref_slice %arg19[%dma_start3A_419] : memref<4096xi32, #tpu.memory_space<vmem>> -> memref<64xi32, #tpu.memory_space<vmem>>
          tpu.enqueue_dma source(%dma_start3A_420 : memref<64xi32, #tpu.memory_space<vmem>>) target(%dma_start3A_418 : memref<64xi32, #tpu.memory_space<hbm>>) target_semaphore(%arg25 : memref<!tpu.dma_semaphore, #tpu.memory_space<semaphore_mem>>)
          %add3A_421 = arith.constant 1050000 : i32
          %add3A_422 = arith.addi %add3A_421, %min3A_74 : i32
          %dma_start3A_423 = arith.constant 1344 : i32
          %dma_start3A_424 = tpu.memref_slice %arg19[%dma_start3A_423] : memref<4096xi32, #tpu.memory_space<vmem>> -> memref<64xi32, #tpu.memory_space<vmem>>
          %dma_start3A_425 = tpu.memref_slice %arg7[%add3A_422] : memref<1600000xi32, #tpu.memory_space<hbm>> -> memref<64xi32, #tpu.memory_space<hbm>>
          %dma_start3A_426 = tpu.memref_slice %arg7[%add3A_422] : memref<1600000xi32, #tpu.memory_space<hbm>> -> memref<64xi32, #tpu.memory_space<hbm>>
          %dma_start3A_427 = arith.constant 1344 : i32
          %dma_start3A_428 = tpu.memref_slice %arg19[%dma_start3A_427] : memref<4096xi32, #tpu.memory_space<vmem>> -> memref<64xi32, #tpu.memory_space<vmem>>
          tpu.enqueue_dma source(%dma_start3A_428 : memref<64xi32, #tpu.memory_space<vmem>>) target(%dma_start3A_426 : memref<64xi32, #tpu.memory_space<hbm>>) target_semaphore(%arg25 : memref<!tpu.dma_semaphore, #tpu.memory_space<semaphore_mem>>)
          %add3A_429 = arith.constant 1100000 : i32
          %add3A_430 = arith.addi %add3A_429, %min3A_74 : i32
          %dma_start3A_431 = arith.constant 1408 : i32
          %dma_start3A_432 = tpu.memref_slice %arg19[%dma_start3A_431] : memref<4096xi32, #tpu.memory_space<vmem>> -> memref<64xi32, #tpu.memory_space<vmem>>
          %dma_start3A_433 = tpu.memref_slice %arg7[%add3A_430] : memref<1600000xi32, #tpu.memory_space<hbm>> -> memref<64xi32, #tpu.memory_space<hbm>>
          %dma_start3A_434 = tpu.memref_slice %arg7[%add3A_430] : memref<1600000xi32, #tpu.memory_space<hbm>> -> memref<64xi32, #tpu.memory_space<hbm>>
          %dma_start3A_435 = arith.constant 1408 : i32
          %dma_start3A_436 = tpu.memref_slice %arg19[%dma_start3A_435] : memref<4096xi32, #tpu.memory_space<vmem>> -> memref<64xi32, #tpu.memory_space<vmem>>
          tpu.enqueue_dma source(%dma_start3A_436 : memref<64xi32, #tpu.memory_space<vmem>>) target(%dma_start3A_434 : memref<64xi32, #tpu.memory_space<hbm>>) target_semaphore(%arg25 : memref<!tpu.dma_semaphore, #tpu.memory_space<semaphore_mem>>)
          %add3A_437 = arith.constant 1150000 : i32
          %add3A_438 = arith.addi %add3A_437, %min3A_74 : i32
          %dma_start3A_439 = arith.constant 1472 : i32
          %dma_start3A_440 = tpu.memref_slice %arg19[%dma_start3A_439] : memref<4096xi32, #tpu.memory_space<vmem>> -> memref<64xi32, #tpu.memory_space<vmem>>
          %dma_start3A_441 = tpu.memref_slice %arg7[%add3A_438] : memref<1600000xi32, #tpu.memory_space<hbm>> -> memref<64xi32, #tpu.memory_space<hbm>>
          %dma_start3A_442 = tpu.memref_slice %arg7[%add3A_438] : memref<1600000xi32, #tpu.memory_space<hbm>> -> memref<64xi32, #tpu.memory_space<hbm>>
          %dma_start3A_443 = arith.constant 1472 : i32
          %dma_start3A_444 = tpu.memref_slice %arg19[%dma_start3A_443] : memref<4096xi32, #tpu.memory_space<vmem>> -> memref<64xi32, #tpu.memory_space<vmem>>
          tpu.enqueue_dma source(%dma_start3A_444 : memref<64xi32, #tpu.memory_space<vmem>>) target(%dma_start3A_442 : memref<64xi32, #tpu.memory_space<hbm>>) target_semaphore(%arg25 : memref<!tpu.dma_semaphore, #tpu.memory_space<semaphore_mem>>)
          %add3A_445 = arith.constant 1200000 : i32
          %add3A_446 = arith.addi %add3A_445, %min3A_74 : i32
          %dma_start3A_447 = arith.constant 1536 : i32
          %dma_start3A_448 = tpu.memref_slice %arg19[%dma_start3A_447] : memref<4096xi32, #tpu.memory_space<vmem>> -> memref<64xi32, #tpu.memory_space<vmem>>
          %dma_start3A_449 = tpu.memref_slice %arg7[%add3A_446] : memref<1600000xi32, #tpu.memory_space<hbm>> -> memref<64xi32, #tpu.memory_space<hbm>>
          %dma_start3A_450 = tpu.memref_slice %arg7[%add3A_446] : memref<1600000xi32, #tpu.memory_space<hbm>> -> memref<64xi32, #tpu.memory_space<hbm>>
          %dma_start3A_451 = arith.constant 1536 : i32
          %dma_start3A_452 = tpu.memref_slice %arg19[%dma_start3A_451] : memref<4096xi32, #tpu.memory_space<vmem>> -> memref<64xi32, #tpu.memory_space<vmem>>
          tpu.enqueue_dma source(%dma_start3A_452 : memref<64xi32, #tpu.memory_space<vmem>>) target(%dma_start3A_450 : memref<64xi32, #tpu.memory_space<hbm>>) target_semaphore(%arg25 : memref<!tpu.dma_semaphore, #tpu.memory_space<semaphore_mem>>)
          %add3A_453 = arith.constant 1250000 : i32
          %add3A_454 = arith.addi %add3A_453, %min3A_74 : i32
          %dma_start3A_455 = arith.constant 1600 : i32
          %dma_start3A_456 = tpu.memref_slice %arg19[%dma_start3A_455] : memref<4096xi32, #tpu.memory_space<vmem>> -> memref<64xi32, #tpu.memory_space<vmem>>
          %dma_start3A_457 = tpu.memref_slice %arg7[%add3A_454] : memref<1600000xi32, #tpu.memory_space<hbm>> -> memref<64xi32, #tpu.memory_space<hbm>>
          %dma_start3A_458 = tpu.memref_slice %arg7[%add3A_454] : memref<1600000xi32, #tpu.memory_space<hbm>> -> memref<64xi32, #tpu.memory_space<hbm>>
          %dma_start3A_459 = arith.constant 1600 : i32
          %dma_start3A_460 = tpu.memref_slice %arg19[%dma_start3A_459] : memref<4096xi32, #tpu.memory_space<vmem>> -> memref<64xi32, #tpu.memory_space<vmem>>
          tpu.enqueue_dma source(%dma_start3A_460 : memref<64xi32, #tpu.memory_space<vmem>>) target(%dma_start3A_458 : memref<64xi32, #tpu.memory_space<hbm>>) target_semaphore(%arg25 : memref<!tpu.dma_semaphore, #tpu.memory_space<semaphore_mem>>)
          %add3A_461 = arith.constant 1300000 : i32
          %add3A_462 = arith.addi %add3A_461, %min3A_74 : i32
          %dma_start3A_463 = arith.constant 1664 : i32
          %dma_start3A_464 = tpu.memref_slice %arg19[%dma_start3A_463] : memref<4096xi32, #tpu.memory_space<vmem>> -> memref<64xi32, #tpu.memory_space<vmem>>
          %dma_start3A_465 = tpu.memref_slice %arg7[%add3A_462] : memref<1600000xi32, #tpu.memory_space<hbm>> -> memref<64xi32, #tpu.memory_space<hbm>>
          %dma_start3A_466 = tpu.memref_slice %arg7[%add3A_462] : memref<1600000xi32, #tpu.memory_space<hbm>> -> memref<64xi32, #tpu.memory_space<hbm>>
          %dma_start3A_467 = arith.constant 1664 : i32
          %dma_start3A_468 = tpu.memref_slice %arg19[%dma_start3A_467] : memref<4096xi32, #tpu.memory_space<vmem>> -> memref<64xi32, #tpu.memory_space<vmem>>
          tpu.enqueue_dma source(%dma_start3A_468 : memref<64xi32, #tpu.memory_space<vmem>>) target(%dma_start3A_466 : memref<64xi32, #tpu.memory_space<hbm>>) target_semaphore(%arg25 : memref<!tpu.dma_semaphore, #tpu.memory_space<semaphore_mem>>)
          %add3A_469 = arith.constant 1350000 : i32
          %add3A_470 = arith.addi %add3A_469, %min3A_74 : i32
          %dma_start3A_471 = arith.constant 1728 : i32
          %dma_start3A_472 = tpu.memref_slice %arg19[%dma_start3A_471] : memref<4096xi32, #tpu.memory_space<vmem>> -> memref<64xi32, #tpu.memory_space<vmem>>
          %dma_start3A_473 = tpu.memref_slice %arg7[%add3A_470] : memref<1600000xi32, #tpu.memory_space<hbm>> -> memref<64xi32, #tpu.memory_space<hbm>>
          %dma_start3A_474 = tpu.memref_slice %arg7[%add3A_470] : memref<1600000xi32, #tpu.memory_space<hbm>> -> memref<64xi32, #tpu.memory_space<hbm>>
          %dma_start3A_475 = arith.constant 1728 : i32
          %dma_start3A_476 = tpu.memref_slice %arg19[%dma_start3A_475] : memref<4096xi32, #tpu.memory_space<vmem>> -> memref<64xi32, #tpu.memory_space<vmem>>
          tpu.enqueue_dma source(%dma_start3A_476 : memref<64xi32, #tpu.memory_space<vmem>>) target(%dma_start3A_474 : memref<64xi32, #tpu.memory_space<hbm>>) target_semaphore(%arg25 : memref<!tpu.dma_semaphore, #tpu.memory_space<semaphore_mem>>)
          %add3A_477 = arith.constant 1400000 : i32
          %add3A_478 = arith.addi %add3A_477, %min3A_74 : i32
          %dma_start3A_479 = arith.constant 1792 : i32
          %dma_start3A_480 = tpu.memref_slice %arg19[%dma_start3A_479] : memref<4096xi32, #tpu.memory_space<vmem>> -> memref<64xi32, #tpu.memory_space<vmem>>
          %dma_start3A_481 = tpu.memref_slice %arg7[%add3A_478] : memref<1600000xi32, #tpu.memory_space<hbm>> -> memref<64xi32, #tpu.memory_space<hbm>>
          %dma_start3A_482 = tpu.memref_slice %arg7[%add3A_478] : memref<1600000xi32, #tpu.memory_space<hbm>> -> memref<64xi32, #tpu.memory_space<hbm>>
          %dma_start3A_483 = arith.constant 1792 : i32
          %dma_start3A_484 = tpu.memref_slice %arg19[%dma_start3A_483] : memref<4096xi32, #tpu.memory_space<vmem>> -> memref<64xi32, #tpu.memory_space<vmem>>
          tpu.enqueue_dma source(%dma_start3A_484 : memref<64xi32, #tpu.memory_space<vmem>>) target(%dma_start3A_482 : memref<64xi32, #tpu.memory_space<hbm>>) target_semaphore(%arg25 : memref<!tpu.dma_semaphore, #tpu.memory_space<semaphore_mem>>)
          %add3A_485 = arith.constant 1450000 : i32
          %add3A_486 = arith.addi %add3A_485, %min3A_74 : i32
          %dma_start3A_487 = arith.constant 1856 : i32
          %dma_start3A_488 = tpu.memref_slice %arg19[%dma_start3A_487] : memref<4096xi32, #tpu.memory_space<vmem>> -> memref<64xi32, #tpu.memory_space<vmem>>
          %dma_start3A_489 = tpu.memref_slice %arg7[%add3A_486] : memref<1600000xi32, #tpu.memory_space<hbm>> -> memref<64xi32, #tpu.memory_space<hbm>>
          %dma_start3A_490 = tpu.memref_slice %arg7[%add3A_486] : memref<1600000xi32, #tpu.memory_space<hbm>> -> memref<64xi32, #tpu.memory_space<hbm>>
          %dma_start3A_491 = arith.constant 1856 : i32
          %dma_start3A_492 = tpu.memref_slice %arg19[%dma_start3A_491] : memref<4096xi32, #tpu.memory_space<vmem>> -> memref<64xi32, #tpu.memory_space<vmem>>
          tpu.enqueue_dma source(%dma_start3A_492 : memref<64xi32, #tpu.memory_space<vmem>>) target(%dma_start3A_490 : memref<64xi32, #tpu.memory_space<hbm>>) target_semaphore(%arg25 : memref<!tpu.dma_semaphore, #tpu.memory_space<semaphore_mem>>)
          %add3A_493 = arith.constant 1500000 : i32
          %add3A_494 = arith.addi %add3A_493, %min3A_74 : i32
          %dma_start3A_495 = arith.constant 1920 : i32
          %dma_start3A_496 = tpu.memref_slice %arg19[%dma_start3A_495] : memref<4096xi32, #tpu.memory_space<vmem>> -> memref<64xi32, #tpu.memory_space<vmem>>
          %dma_start3A_497 = tpu.memref_slice %arg7[%add3A_494] : memref<1600000xi32, #tpu.memory_space<hbm>> -> memref<64xi32, #tpu.memory_space<hbm>>
          %dma_start3A_498 = tpu.memref_slice %arg7[%add3A_494] : memref<1600000xi32, #tpu.memory_space<hbm>> -> memref<64xi32, #tpu.memory_space<hbm>>
          %dma_start3A_499 = arith.constant 1920 : i32
          %dma_start3A_500 = tpu.memref_slice %arg19[%dma_start3A_499] : memref<4096xi32, #tpu.memory_space<vmem>> -> memref<64xi32, #tpu.memory_space<vmem>>
          tpu.enqueue_dma source(%dma_start3A_500 : memref<64xi32, #tpu.memory_space<vmem>>) target(%dma_start3A_498 : memref<64xi32, #tpu.memory_space<hbm>>) target_semaphore(%arg25 : memref<!tpu.dma_semaphore, #tpu.memory_space<semaphore_mem>>)
          %add3A_501 = arith.constant 1550000 : i32
          %add3A_502 = arith.addi %add3A_501, %min3A_74 : i32
          %dma_start3A_503 = arith.constant 1984 : i32
          %dma_start3A_504 = tpu.memref_slice %arg19[%dma_start3A_503] : memref<4096xi32, #tpu.memory_space<vmem>> -> memref<64xi32, #tpu.memory_space<vmem>>
          %dma_start3A_505 = tpu.memref_slice %arg7[%add3A_502] : memref<1600000xi32, #tpu.memory_space<hbm>> -> memref<64xi32, #tpu.memory_space<hbm>>
          %dma_start3A_506 = tpu.memref_slice %arg7[%add3A_502] : memref<1600000xi32, #tpu.memory_space<hbm>> -> memref<64xi32, #tpu.memory_space<hbm>>
          %dma_start3A_507 = arith.constant 1984 : i32
          %dma_start3A_508 = tpu.memref_slice %arg19[%dma_start3A_507] : memref<4096xi32, #tpu.memory_space<vmem>> -> memref<64xi32, #tpu.memory_space<vmem>>
          tpu.enqueue_dma source(%dma_start3A_508 : memref<64xi32, #tpu.memory_space<vmem>>) target(%dma_start3A_506 : memref<64xi32, #tpu.memory_space<hbm>>) target_semaphore(%arg25 : memref<!tpu.dma_semaphore, #tpu.memory_space<semaphore_mem>>)
        } else {
        }
        %eq3A_248 = arith.constant 1 : i32
        %eq3A_249 = arith.cmpi eq, %rem3A_54, %eq3A_248 : i32
        %convert_element_type3A_250 = arith.extui %eq3A_249 : i1 to i32
        %cond3A_251 = arith.constant 0 : i32
        %cond3A_252 = arith.cmpi ne, %convert_element_type3A_250, %cond3A_251 : i32
        scf.if %cond3A_252 {
          %add3A_253 = arith.constant 0 : i32
          %add3A_254 = arith.addi %add3A_253, %min3A_74 : i32
          %dma_start3A_255 = arith.constant 2048 : i32
          %dma_start3A_256 = tpu.memref_slice %arg19[%dma_start3A_255] : memref<4096xi32, #tpu.memory_space<vmem>> -> memref<64xi32, #tpu.memory_space<vmem>>
          %dma_start3A_257 = tpu.memref_slice %arg7[%add3A_254] : memref<1600000xi32, #tpu.memory_space<hbm>> -> memref<64xi32, #tpu.memory_space<hbm>>
          %dma_start3A_258 = tpu.memref_slice %arg7[%add3A_254] : memref<1600000xi32, #tpu.memory_space<hbm>> -> memref<64xi32, #tpu.memory_space<hbm>>
          %dma_start3A_259 = arith.constant 2048 : i32
          %dma_start3A_260 = tpu.memref_slice %arg19[%dma_start3A_259] : memref<4096xi32, #tpu.memory_space<vmem>> -> memref<64xi32, #tpu.memory_space<vmem>>
          tpu.enqueue_dma source(%dma_start3A_260 : memref<64xi32, #tpu.memory_space<vmem>>) target(%dma_start3A_258 : memref<64xi32, #tpu.memory_space<hbm>>) target_semaphore(%arg24 : memref<!tpu.dma_semaphore, #tpu.memory_space<semaphore_mem>>)
          %add3A_261 = arith.constant 50000 : i32
          %add3A_262 = arith.addi %add3A_261, %min3A_74 : i32
          %dma_start3A_263 = arith.constant 2112 : i32
          %dma_start3A_264 = tpu.memref_slice %arg19[%dma_start3A_263] : memref<4096xi32, #tpu.memory_space<vmem>> -> memref<64xi32, #tpu.memory_space<vmem>>
          %dma_start3A_265 = tpu.memref_slice %arg7[%add3A_262] : memref<1600000xi32, #tpu.memory_space<hbm>> -> memref<64xi32, #tpu.memory_space<hbm>>
          %dma_start3A_266 = tpu.memref_slice %arg7[%add3A_262] : memref<1600000xi32, #tpu.memory_space<hbm>> -> memref<64xi32, #tpu.memory_space<hbm>>
          %dma_start3A_267 = arith.constant 2112 : i32
          %dma_start3A_268 = tpu.memref_slice %arg19[%dma_start3A_267] : memref<4096xi32, #tpu.memory_space<vmem>> -> memref<64xi32, #tpu.memory_space<vmem>>
          tpu.enqueue_dma source(%dma_start3A_268 : memref<64xi32, #tpu.memory_space<vmem>>) target(%dma_start3A_266 : memref<64xi32, #tpu.memory_space<hbm>>) target_semaphore(%arg24 : memref<!tpu.dma_semaphore, #tpu.memory_space<semaphore_mem>>)
          %add3A_269 = arith.constant 100000 : i32
          %add3A_270 = arith.addi %add3A_269, %min3A_74 : i32
          %dma_start3A_271 = arith.constant 2176 : i32
          %dma_start3A_272 = tpu.memref_slice %arg19[%dma_start3A_271] : memref<4096xi32, #tpu.memory_space<vmem>> -> memref<64xi32, #tpu.memory_space<vmem>>
          %dma_start3A_273 = tpu.memref_slice %arg7[%add3A_270] : memref<1600000xi32, #tpu.memory_space<hbm>> -> memref<64xi32, #tpu.memory_space<hbm>>
          %dma_start3A_274 = tpu.memref_slice %arg7[%add3A_270] : memref<1600000xi32, #tpu.memory_space<hbm>> -> memref<64xi32, #tpu.memory_space<hbm>>
          %dma_start3A_275 = arith.constant 2176 : i32
          %dma_start3A_276 = tpu.memref_slice %arg19[%dma_start3A_275] : memref<4096xi32, #tpu.memory_space<vmem>> -> memref<64xi32, #tpu.memory_space<vmem>>
          tpu.enqueue_dma source(%dma_start3A_276 : memref<64xi32, #tpu.memory_space<vmem>>) target(%dma_start3A_274 : memref<64xi32, #tpu.memory_space<hbm>>) target_semaphore(%arg24 : memref<!tpu.dma_semaphore, #tpu.memory_space<semaphore_mem>>)
          %add3A_277 = arith.constant 150000 : i32
          %add3A_278 = arith.addi %add3A_277, %min3A_74 : i32
          %dma_start3A_279 = arith.constant 2240 : i32
          %dma_start3A_280 = tpu.memref_slice %arg19[%dma_start3A_279] : memref<4096xi32, #tpu.memory_space<vmem>> -> memref<64xi32, #tpu.memory_space<vmem>>
          %dma_start3A_281 = tpu.memref_slice %arg7[%add3A_278] : memref<1600000xi32, #tpu.memory_space<hbm>> -> memref<64xi32, #tpu.memory_space<hbm>>
          %dma_start3A_282 = tpu.memref_slice %arg7[%add3A_278] : memref<1600000xi32, #tpu.memory_space<hbm>> -> memref<64xi32, #tpu.memory_space<hbm>>
          %dma_start3A_283 = arith.constant 2240 : i32
          %dma_start3A_284 = tpu.memref_slice %arg19[%dma_start3A_283] : memref<4096xi32, #tpu.memory_space<vmem>> -> memref<64xi32, #tpu.memory_space<vmem>>
          tpu.enqueue_dma source(%dma_start3A_284 : memref<64xi32, #tpu.memory_space<vmem>>) target(%dma_start3A_282 : memref<64xi32, #tpu.memory_space<hbm>>) target_semaphore(%arg24 : memref<!tpu.dma_semaphore, #tpu.memory_space<semaphore_mem>>)
          %add3A_285 = arith.constant 200000 : i32
          %add3A_286 = arith.addi %add3A_285, %min3A_74 : i32
          %dma_start3A_287 = arith.constant 2304 : i32
          %dma_start3A_288 = tpu.memref_slice %arg19[%dma_start3A_287] : memref<4096xi32, #tpu.memory_space<vmem>> -> memref<64xi32, #tpu.memory_space<vmem>>
          %dma_start3A_289 = tpu.memref_slice %arg7[%add3A_286] : memref<1600000xi32, #tpu.memory_space<hbm>> -> memref<64xi32, #tpu.memory_space<hbm>>
          %dma_start3A_290 = tpu.memref_slice %arg7[%add3A_286] : memref<1600000xi32, #tpu.memory_space<hbm>> -> memref<64xi32, #tpu.memory_space<hbm>>
          %dma_start3A_291 = arith.constant 2304 : i32
          %dma_start3A_292 = tpu.memref_slice %arg19[%dma_start3A_291] : memref<4096xi32, #tpu.memory_space<vmem>> -> memref<64xi32, #tpu.memory_space<vmem>>
          tpu.enqueue_dma source(%dma_start3A_292 : memref<64xi32, #tpu.memory_space<vmem>>) target(%dma_start3A_290 : memref<64xi32, #tpu.memory_space<hbm>>) target_semaphore(%arg24 : memref<!tpu.dma_semaphore, #tpu.memory_space<semaphore_mem>>)
          %add3A_293 = arith.constant 250000 : i32
          %add3A_294 = arith.addi %add3A_293, %min3A_74 : i32
          %dma_start3A_295 = arith.constant 2368 : i32
          %dma_start3A_296 = tpu.memref_slice %arg19[%dma_start3A_295] : memref<4096xi32, #tpu.memory_space<vmem>> -> memref<64xi32, #tpu.memory_space<vmem>>
          %dma_start3A_297 = tpu.memref_slice %arg7[%add3A_294] : memref<1600000xi32, #tpu.memory_space<hbm>> -> memref<64xi32, #tpu.memory_space<hbm>>
          %dma_start3A_298 = tpu.memref_slice %arg7[%add3A_294] : memref<1600000xi32, #tpu.memory_space<hbm>> -> memref<64xi32, #tpu.memory_space<hbm>>
          %dma_start3A_299 = arith.constant 2368 : i32
          %dma_start3A_300 = tpu.memref_slice %arg19[%dma_start3A_299] : memref<4096xi32, #tpu.memory_space<vmem>> -> memref<64xi32, #tpu.memory_space<vmem>>
          tpu.enqueue_dma source(%dma_start3A_300 : memref<64xi32, #tpu.memory_space<vmem>>) target(%dma_start3A_298 : memref<64xi32, #tpu.memory_space<hbm>>) target_semaphore(%arg24 : memref<!tpu.dma_semaphore, #tpu.memory_space<semaphore_mem>>)
          %add3A_301 = arith.constant 300000 : i32
          %add3A_302 = arith.addi %add3A_301, %min3A_74 : i32
          %dma_start3A_303 = arith.constant 2432 : i32
          %dma_start3A_304 = tpu.memref_slice %arg19[%dma_start3A_303] : memref<4096xi32, #tpu.memory_space<vmem>> -> memref<64xi32, #tpu.memory_space<vmem>>
          %dma_start3A_305 = tpu.memref_slice %arg7[%add3A_302] : memref<1600000xi32, #tpu.memory_space<hbm>> -> memref<64xi32, #tpu.memory_space<hbm>>
          %dma_start3A_306 = tpu.memref_slice %arg7[%add3A_302] : memref<1600000xi32, #tpu.memory_space<hbm>> -> memref<64xi32, #tpu.memory_space<hbm>>
          %dma_start3A_307 = arith.constant 2432 : i32
          %dma_start3A_308 = tpu.memref_slice %arg19[%dma_start3A_307] : memref<4096xi32, #tpu.memory_space<vmem>> -> memref<64xi32, #tpu.memory_space<vmem>>
          tpu.enqueue_dma source(%dma_start3A_308 : memref<64xi32, #tpu.memory_space<vmem>>) target(%dma_start3A_306 : memref<64xi32, #tpu.memory_space<hbm>>) target_semaphore(%arg24 : memref<!tpu.dma_semaphore, #tpu.memory_space<semaphore_mem>>)
          %add3A_309 = arith.constant 350000 : i32
          %add3A_310 = arith.addi %add3A_309, %min3A_74 : i32
          %dma_start3A_311 = arith.constant 2496 : i32
          %dma_start3A_312 = tpu.memref_slice %arg19[%dma_start3A_311] : memref<4096xi32, #tpu.memory_space<vmem>> -> memref<64xi32, #tpu.memory_space<vmem>>
          %dma_start3A_313 = tpu.memref_slice %arg7[%add3A_310] : memref<1600000xi32, #tpu.memory_space<hbm>> -> memref<64xi32, #tpu.memory_space<hbm>>
          %dma_start3A_314 = tpu.memref_slice %arg7[%add3A_310] : memref<1600000xi32, #tpu.memory_space<hbm>> -> memref<64xi32, #tpu.memory_space<hbm>>
          %dma_start3A_315 = arith.constant 2496 : i32
          %dma_start3A_316 = tpu.memref_slice %arg19[%dma_start3A_315] : memref<4096xi32, #tpu.memory_space<vmem>> -> memref<64xi32, #tpu.memory_space<vmem>>
          tpu.enqueue_dma source(%dma_start3A_316 : memref<64xi32, #tpu.memory_space<vmem>>) target(%dma_start3A_314 : memref<64xi32, #tpu.memory_space<hbm>>) target_semaphore(%arg24 : memref<!tpu.dma_semaphore, #tpu.memory_space<semaphore_mem>>)
          %add3A_317 = arith.constant 400000 : i32
          %add3A_318 = arith.addi %add3A_317, %min3A_74 : i32
          %dma_start3A_319 = arith.constant 2560 : i32
          %dma_start3A_320 = tpu.memref_slice %arg19[%dma_start3A_319] : memref<4096xi32, #tpu.memory_space<vmem>> -> memref<64xi32, #tpu.memory_space<vmem>>
          %dma_start3A_321 = tpu.memref_slice %arg7[%add3A_318] : memref<1600000xi32, #tpu.memory_space<hbm>> -> memref<64xi32, #tpu.memory_space<hbm>>
          %dma_start3A_322 = tpu.memref_slice %arg7[%add3A_318] : memref<1600000xi32, #tpu.memory_space<hbm>> -> memref<64xi32, #tpu.memory_space<hbm>>
          %dma_start3A_323 = arith.constant 2560 : i32
          %dma_start3A_324 = tpu.memref_slice %arg19[%dma_start3A_323] : memref<4096xi32, #tpu.memory_space<vmem>> -> memref<64xi32, #tpu.memory_space<vmem>>
          tpu.enqueue_dma source(%dma_start3A_324 : memref<64xi32, #tpu.memory_space<vmem>>) target(%dma_start3A_322 : memref<64xi32, #tpu.memory_space<hbm>>) target_semaphore(%arg24 : memref<!tpu.dma_semaphore, #tpu.memory_space<semaphore_mem>>)
          %add3A_325 = arith.constant 450000 : i32
          %add3A_326 = arith.addi %add3A_325, %min3A_74 : i32
          %dma_start3A_327 = arith.constant 2624 : i32
          %dma_start3A_328 = tpu.memref_slice %arg19[%dma_start3A_327] : memref<4096xi32, #tpu.memory_space<vmem>> -> memref<64xi32, #tpu.memory_space<vmem>>
          %dma_start3A_329 = tpu.memref_slice %arg7[%add3A_326] : memref<1600000xi32, #tpu.memory_space<hbm>> -> memref<64xi32, #tpu.memory_space<hbm>>
          %dma_start3A_330 = tpu.memref_slice %arg7[%add3A_326] : memref<1600000xi32, #tpu.memory_space<hbm>> -> memref<64xi32, #tpu.memory_space<hbm>>
          %dma_start3A_331 = arith.constant 2624 : i32
          %dma_start3A_332 = tpu.memref_slice %arg19[%dma_start3A_331] : memref<4096xi32, #tpu.memory_space<vmem>> -> memref<64xi32, #tpu.memory_space<vmem>>
          tpu.enqueue_dma source(%dma_start3A_332 : memref<64xi32, #tpu.memory_space<vmem>>) target(%dma_start3A_330 : memref<64xi32, #tpu.memory_space<hbm>>) target_semaphore(%arg24 : memref<!tpu.dma_semaphore, #tpu.memory_space<semaphore_mem>>)
          %add3A_333 = arith.constant 500000 : i32
          %add3A_334 = arith.addi %add3A_333, %min3A_74 : i32
          %dma_start3A_335 = arith.constant 2688 : i32
          %dma_start3A_336 = tpu.memref_slice %arg19[%dma_start3A_335] : memref<4096xi32, #tpu.memory_space<vmem>> -> memref<64xi32, #tpu.memory_space<vmem>>
          %dma_start3A_337 = tpu.memref_slice %arg7[%add3A_334] : memref<1600000xi32, #tpu.memory_space<hbm>> -> memref<64xi32, #tpu.memory_space<hbm>>
          %dma_start3A_338 = tpu.memref_slice %arg7[%add3A_334] : memref<1600000xi32, #tpu.memory_space<hbm>> -> memref<64xi32, #tpu.memory_space<hbm>>
          %dma_start3A_339 = arith.constant 2688 : i32
          %dma_start3A_340 = tpu.memref_slice %arg19[%dma_start3A_339] : memref<4096xi32, #tpu.memory_space<vmem>> -> memref<64xi32, #tpu.memory_space<vmem>>
          tpu.enqueue_dma source(%dma_start3A_340 : memref<64xi32, #tpu.memory_space<vmem>>) target(%dma_start3A_338 : memref<64xi32, #tpu.memory_space<hbm>>) target_semaphore(%arg24 : memref<!tpu.dma_semaphore, #tpu.memory_space<semaphore_mem>>)
          %add3A_341 = arith.constant 550000 : i32
          %add3A_342 = arith.addi %add3A_341, %min3A_74 : i32
          %dma_start3A_343 = arith.constant 2752 : i32
          %dma_start3A_344 = tpu.memref_slice %arg19[%dma_start3A_343] : memref<4096xi32, #tpu.memory_space<vmem>> -> memref<64xi32, #tpu.memory_space<vmem>>
          %dma_start3A_345 = tpu.memref_slice %arg7[%add3A_342] : memref<1600000xi32, #tpu.memory_space<hbm>> -> memref<64xi32, #tpu.memory_space<hbm>>
          %dma_start3A_346 = tpu.memref_slice %arg7[%add3A_342] : memref<1600000xi32, #tpu.memory_space<hbm>> -> memref<64xi32, #tpu.memory_space<hbm>>
          %dma_start3A_347 = arith.constant 2752 : i32
          %dma_start3A_348 = tpu.memref_slice %arg19[%dma_start3A_347] : memref<4096xi32, #tpu.memory_space<vmem>> -> memref<64xi32, #tpu.memory_space<vmem>>
          tpu.enqueue_dma source(%dma_start3A_348 : memref<64xi32, #tpu.memory_space<vmem>>) target(%dma_start3A_346 : memref<64xi32, #tpu.memory_space<hbm>>) target_semaphore(%arg24 : memref<!tpu.dma_semaphore, #tpu.memory_space<semaphore_mem>>)
          %add3A_349 = arith.constant 600000 : i32
          %add3A_350 = arith.addi %add3A_349, %min3A_74 : i32
          %dma_start3A_351 = arith.constant 2816 : i32
          %dma_start3A_352 = tpu.memref_slice %arg19[%dma_start3A_351] : memref<4096xi32, #tpu.memory_space<vmem>> -> memref<64xi32, #tpu.memory_space<vmem>>
          %dma_start3A_353 = tpu.memref_slice %arg7[%add3A_350] : memref<1600000xi32, #tpu.memory_space<hbm>> -> memref<64xi32, #tpu.memory_space<hbm>>
          %dma_start3A_354 = tpu.memref_slice %arg7[%add3A_350] : memref<1600000xi32, #tpu.memory_space<hbm>> -> memref<64xi32, #tpu.memory_space<hbm>>
          %dma_start3A_355 = arith.constant 2816 : i32
          %dma_start3A_356 = tpu.memref_slice %arg19[%dma_start3A_355] : memref<4096xi32, #tpu.memory_space<vmem>> -> memref<64xi32, #tpu.memory_space<vmem>>
          tpu.enqueue_dma source(%dma_start3A_356 : memref<64xi32, #tpu.memory_space<vmem>>) target(%dma_start3A_354 : memref<64xi32, #tpu.memory_space<hbm>>) target_semaphore(%arg24 : memref<!tpu.dma_semaphore, #tpu.memory_space<semaphore_mem>>)
          %add3A_357 = arith.constant 650000 : i32
          %add3A_358 = arith.addi %add3A_357, %min3A_74 : i32
          %dma_start3A_359 = arith.constant 2880 : i32
          %dma_start3A_360 = tpu.memref_slice %arg19[%dma_start3A_359] : memref<4096xi32, #tpu.memory_space<vmem>> -> memref<64xi32, #tpu.memory_space<vmem>>
          %dma_start3A_361 = tpu.memref_slice %arg7[%add3A_358] : memref<1600000xi32, #tpu.memory_space<hbm>> -> memref<64xi32, #tpu.memory_space<hbm>>
          %dma_start3A_362 = tpu.memref_slice %arg7[%add3A_358] : memref<1600000xi32, #tpu.memory_space<hbm>> -> memref<64xi32, #tpu.memory_space<hbm>>
          %dma_start3A_363 = arith.constant 2880 : i32
          %dma_start3A_364 = tpu.memref_slice %arg19[%dma_start3A_363] : memref<4096xi32, #tpu.memory_space<vmem>> -> memref<64xi32, #tpu.memory_space<vmem>>
          tpu.enqueue_dma source(%dma_start3A_364 : memref<64xi32, #tpu.memory_space<vmem>>) target(%dma_start3A_362 : memref<64xi32, #tpu.memory_space<hbm>>) target_semaphore(%arg24 : memref<!tpu.dma_semaphore, #tpu.memory_space<semaphore_mem>>)
          %add3A_365 = arith.constant 700000 : i32
          %add3A_366 = arith.addi %add3A_365, %min3A_74 : i32
          %dma_start3A_367 = arith.constant 2944 : i32
          %dma_start3A_368 = tpu.memref_slice %arg19[%dma_start3A_367] : memref<4096xi32, #tpu.memory_space<vmem>> -> memref<64xi32, #tpu.memory_space<vmem>>
          %dma_start3A_369 = tpu.memref_slice %arg7[%add3A_366] : memref<1600000xi32, #tpu.memory_space<hbm>> -> memref<64xi32, #tpu.memory_space<hbm>>
          %dma_start3A_370 = tpu.memref_slice %arg7[%add3A_366] : memref<1600000xi32, #tpu.memory_space<hbm>> -> memref<64xi32, #tpu.memory_space<hbm>>
          %dma_start3A_371 = arith.constant 2944 : i32
          %dma_start3A_372 = tpu.memref_slice %arg19[%dma_start3A_371] : memref<4096xi32, #tpu.memory_space<vmem>> -> memref<64xi32, #tpu.memory_space<vmem>>
          tpu.enqueue_dma source(%dma_start3A_372 : memref<64xi32, #tpu.memory_space<vmem>>) target(%dma_start3A_370 : memref<64xi32, #tpu.memory_space<hbm>>) target_semaphore(%arg24 : memref<!tpu.dma_semaphore, #tpu.memory_space<semaphore_mem>>)
          %add3A_373 = arith.constant 750000 : i32
          %add3A_374 = arith.addi %add3A_373, %min3A_74 : i32
          %dma_start3A_375 = arith.constant 3008 : i32
          %dma_start3A_376 = tpu.memref_slice %arg19[%dma_start3A_375] : memref<4096xi32, #tpu.memory_space<vmem>> -> memref<64xi32, #tpu.memory_space<vmem>>
          %dma_start3A_377 = tpu.memref_slice %arg7[%add3A_374] : memref<1600000xi32, #tpu.memory_space<hbm>> -> memref<64xi32, #tpu.memory_space<hbm>>
          %dma_start3A_378 = tpu.memref_slice %arg7[%add3A_374] : memref<1600000xi32, #tpu.memory_space<hbm>> -> memref<64xi32, #tpu.memory_space<hbm>>
          %dma_start3A_379 = arith.constant 3008 : i32
          %dma_start3A_380 = tpu.memref_slice %arg19[%dma_start3A_379] : memref<4096xi32, #tpu.memory_space<vmem>> -> memref<64xi32, #tpu.memory_space<vmem>>
          tpu.enqueue_dma source(%dma_start3A_380 : memref<64xi32, #tpu.memory_space<vmem>>) target(%dma_start3A_378 : memref<64xi32, #tpu.memory_space<hbm>>) target_semaphore(%arg24 : memref<!tpu.dma_semaphore, #tpu.memory_space<semaphore_mem>>)
          %add3A_381 = arith.constant 800000 : i32
          %add3A_382 = arith.addi %add3A_381, %min3A_74 : i32
          %dma_start3A_383 = arith.constant 3072 : i32
          %dma_start3A_384 = tpu.memref_slice %arg19[%dma_start3A_383] : memref<4096xi32, #tpu.memory_space<vmem>> -> memref<64xi32, #tpu.memory_space<vmem>>
          %dma_start3A_385 = tpu.memref_slice %arg7[%add3A_382] : memref<1600000xi32, #tpu.memory_space<hbm>> -> memref<64xi32, #tpu.memory_space<hbm>>
          %dma_start3A_386 = tpu.memref_slice %arg7[%add3A_382] : memref<1600000xi32, #tpu.memory_space<hbm>> -> memref<64xi32, #tpu.memory_space<hbm>>
          %dma_start3A_387 = arith.constant 3072 : i32
          %dma_start3A_388 = tpu.memref_slice %arg19[%dma_start3A_387] : memref<4096xi32, #tpu.memory_space<vmem>> -> memref<64xi32, #tpu.memory_space<vmem>>
          tpu.enqueue_dma source(%dma_start3A_388 : memref<64xi32, #tpu.memory_space<vmem>>) target(%dma_start3A_386 : memref<64xi32, #tpu.memory_space<hbm>>) target_semaphore(%arg24 : memref<!tpu.dma_semaphore, #tpu.memory_space<semaphore_mem>>)
          %add3A_389 = arith.constant 850000 : i32
          %add3A_390 = arith.addi %add3A_389, %min3A_74 : i32
          %dma_start3A_391 = arith.constant 3136 : i32
          %dma_start3A_392 = tpu.memref_slice %arg19[%dma_start3A_391] : memref<4096xi32, #tpu.memory_space<vmem>> -> memref<64xi32, #tpu.memory_space<vmem>>
          %dma_start3A_393 = tpu.memref_slice %arg7[%add3A_390] : memref<1600000xi32, #tpu.memory_space<hbm>> -> memref<64xi32, #tpu.memory_space<hbm>>
          %dma_start3A_394 = tpu.memref_slice %arg7[%add3A_390] : memref<1600000xi32, #tpu.memory_space<hbm>> -> memref<64xi32, #tpu.memory_space<hbm>>
          %dma_start3A_395 = arith.constant 3136 : i32
          %dma_start3A_396 = tpu.memref_slice %arg19[%dma_start3A_395] : memref<4096xi32, #tpu.memory_space<vmem>> -> memref<64xi32, #tpu.memory_space<vmem>>
          tpu.enqueue_dma source(%dma_start3A_396 : memref<64xi32, #tpu.memory_space<vmem>>) target(%dma_start3A_394 : memref<64xi32, #tpu.memory_space<hbm>>) target_semaphore(%arg24 : memref<!tpu.dma_semaphore, #tpu.memory_space<semaphore_mem>>)
          %add3A_397 = arith.constant 900000 : i32
          %add3A_398 = arith.addi %add3A_397, %min3A_74 : i32
          %dma_start3A_399 = arith.constant 3200 : i32
          %dma_start3A_400 = tpu.memref_slice %arg19[%dma_start3A_399] : memref<4096xi32, #tpu.memory_space<vmem>> -> memref<64xi32, #tpu.memory_space<vmem>>
          %dma_start3A_401 = tpu.memref_slice %arg7[%add3A_398] : memref<1600000xi32, #tpu.memory_space<hbm>> -> memref<64xi32, #tpu.memory_space<hbm>>
          %dma_start3A_402 = tpu.memref_slice %arg7[%add3A_398] : memref<1600000xi32, #tpu.memory_space<hbm>> -> memref<64xi32, #tpu.memory_space<hbm>>
          %dma_start3A_403 = arith.constant 3200 : i32
          %dma_start3A_404 = tpu.memref_slice %arg19[%dma_start3A_403] : memref<4096xi32, #tpu.memory_space<vmem>> -> memref<64xi32, #tpu.memory_space<vmem>>
          tpu.enqueue_dma source(%dma_start3A_404 : memref<64xi32, #tpu.memory_space<vmem>>) target(%dma_start3A_402 : memref<64xi32, #tpu.memory_space<hbm>>) target_semaphore(%arg24 : memref<!tpu.dma_semaphore, #tpu.memory_space<semaphore_mem>>)
          %add3A_405 = arith.constant 950000 : i32
          %add3A_406 = arith.addi %add3A_405, %min3A_74 : i32
          %dma_start3A_407 = arith.constant 3264 : i32
          %dma_start3A_408 = tpu.memref_slice %arg19[%dma_start3A_407] : memref<4096xi32, #tpu.memory_space<vmem>> -> memref<64xi32, #tpu.memory_space<vmem>>
          %dma_start3A_409 = tpu.memref_slice %arg7[%add3A_406] : memref<1600000xi32, #tpu.memory_space<hbm>> -> memref<64xi32, #tpu.memory_space<hbm>>
          %dma_start3A_410 = tpu.memref_slice %arg7[%add3A_406] : memref<1600000xi32, #tpu.memory_space<hbm>> -> memref<64xi32, #tpu.memory_space<hbm>>
          %dma_start3A_411 = arith.constant 3264 : i32
          %dma_start3A_412 = tpu.memref_slice %arg19[%dma_start3A_411] : memref<4096xi32, #tpu.memory_space<vmem>> -> memref<64xi32, #tpu.memory_space<vmem>>
          tpu.enqueue_dma source(%dma_start3A_412 : memref<64xi32, #tpu.memory_space<vmem>>) target(%dma_start3A_410 : memref<64xi32, #tpu.memory_space<hbm>>) target_semaphore(%arg24 : memref<!tpu.dma_semaphore, #tpu.memory_space<semaphore_mem>>)
          %add3A_413 = arith.constant 1000000 : i32
          %add3A_414 = arith.addi %add3A_413, %min3A_74 : i32
          %dma_start3A_415 = arith.constant 3328 : i32
          %dma_start3A_416 = tpu.memref_slice %arg19[%dma_start3A_415] : memref<4096xi32, #tpu.memory_space<vmem>> -> memref<64xi32, #tpu.memory_space<vmem>>
          %dma_start3A_417 = tpu.memref_slice %arg7[%add3A_414] : memref<1600000xi32, #tpu.memory_space<hbm>> -> memref<64xi32, #tpu.memory_space<hbm>>
          %dma_start3A_418 = tpu.memref_slice %arg7[%add3A_414] : memref<1600000xi32, #tpu.memory_space<hbm>> -> memref<64xi32, #tpu.memory_space<hbm>>
          %dma_start3A_419 = arith.constant 3328 : i32
          %dma_start3A_420 = tpu.memref_slice %arg19[%dma_start3A_419] : memref<4096xi32, #tpu.memory_space<vmem>> -> memref<64xi32, #tpu.memory_space<vmem>>
          tpu.enqueue_dma source(%dma_start3A_420 : memref<64xi32, #tpu.memory_space<vmem>>) target(%dma_start3A_418 : memref<64xi32, #tpu.memory_space<hbm>>) target_semaphore(%arg24 : memref<!tpu.dma_semaphore, #tpu.memory_space<semaphore_mem>>)
          %add3A_421 = arith.constant 1050000 : i32
          %add3A_422 = arith.addi %add3A_421, %min3A_74 : i32
          %dma_start3A_423 = arith.constant 3392 : i32
          %dma_start3A_424 = tpu.memref_slice %arg19[%dma_start3A_423] : memref<4096xi32, #tpu.memory_space<vmem>> -> memref<64xi32, #tpu.memory_space<vmem>>
          %dma_start3A_425 = tpu.memref_slice %arg7[%add3A_422] : memref<1600000xi32, #tpu.memory_space<hbm>> -> memref<64xi32, #tpu.memory_space<hbm>>
          %dma_start3A_426 = tpu.memref_slice %arg7[%add3A_422] : memref<1600000xi32, #tpu.memory_space<hbm>> -> memref<64xi32, #tpu.memory_space<hbm>>
          %dma_start3A_427 = arith.constant 3392 : i32
          %dma_start3A_428 = tpu.memref_slice %arg19[%dma_start3A_427] : memref<4096xi32, #tpu.memory_space<vmem>> -> memref<64xi32, #tpu.memory_space<vmem>>
          tpu.enqueue_dma source(%dma_start3A_428 : memref<64xi32, #tpu.memory_space<vmem>>) target(%dma_start3A_426 : memref<64xi32, #tpu.memory_space<hbm>>) target_semaphore(%arg24 : memref<!tpu.dma_semaphore, #tpu.memory_space<semaphore_mem>>)
          %add3A_429 = arith.constant 1100000 : i32
          %add3A_430 = arith.addi %add3A_429, %min3A_74 : i32
          %dma_start3A_431 = arith.constant 3456 : i32
          %dma_start3A_432 = tpu.memref_slice %arg19[%dma_start3A_431] : memref<4096xi32, #tpu.memory_space<vmem>> -> memref<64xi32, #tpu.memory_space<vmem>>
          %dma_start3A_433 = tpu.memref_slice %arg7[%add3A_430] : memref<1600000xi32, #tpu.memory_space<hbm>> -> memref<64xi32, #tpu.memory_space<hbm>>
          %dma_start3A_434 = tpu.memref_slice %arg7[%add3A_430] : memref<1600000xi32, #tpu.memory_space<hbm>> -> memref<64xi32, #tpu.memory_space<hbm>>
          %dma_start3A_435 = arith.constant 3456 : i32
          %dma_start3A_436 = tpu.memref_slice %arg19[%dma_start3A_435] : memref<4096xi32, #tpu.memory_space<vmem>> -> memref<64xi32, #tpu.memory_space<vmem>>
          tpu.enqueue_dma source(%dma_start3A_436 : memref<64xi32, #tpu.memory_space<vmem>>) target(%dma_start3A_434 : memref<64xi32, #tpu.memory_space<hbm>>) target_semaphore(%arg24 : memref<!tpu.dma_semaphore, #tpu.memory_space<semaphore_mem>>)
          %add3A_437 = arith.constant 1150000 : i32
          %add3A_438 = arith.addi %add3A_437, %min3A_74 : i32
          %dma_start3A_439 = arith.constant 3520 : i32
          %dma_start3A_440 = tpu.memref_slice %arg19[%dma_start3A_439] : memref<4096xi32, #tpu.memory_space<vmem>> -> memref<64xi32, #tpu.memory_space<vmem>>
          %dma_start3A_441 = tpu.memref_slice %arg7[%add3A_438] : memref<1600000xi32, #tpu.memory_space<hbm>> -> memref<64xi32, #tpu.memory_space<hbm>>
          %dma_start3A_442 = tpu.memref_slice %arg7[%add3A_438] : memref<1600000xi32, #tpu.memory_space<hbm>> -> memref<64xi32, #tpu.memory_space<hbm>>
          %dma_start3A_443 = arith.constant 3520 : i32
          %dma_start3A_444 = tpu.memref_slice %arg19[%dma_start3A_443] : memref<4096xi32, #tpu.memory_space<vmem>> -> memref<64xi32, #tpu.memory_space<vmem>>
          tpu.enqueue_dma source(%dma_start3A_444 : memref<64xi32, #tpu.memory_space<vmem>>) target(%dma_start3A_442 : memref<64xi32, #tpu.memory_space<hbm>>) target_semaphore(%arg24 : memref<!tpu.dma_semaphore, #tpu.memory_space<semaphore_mem>>)
          %add3A_445 = arith.constant 1200000 : i32
          %add3A_446 = arith.addi %add3A_445, %min3A_74 : i32
          %dma_start3A_447 = arith.constant 3584 : i32
          %dma_start3A_448 = tpu.memref_slice %arg19[%dma_start3A_447] : memref<4096xi32, #tpu.memory_space<vmem>> -> memref<64xi32, #tpu.memory_space<vmem>>
          %dma_start3A_449 = tpu.memref_slice %arg7[%add3A_446] : memref<1600000xi32, #tpu.memory_space<hbm>> -> memref<64xi32, #tpu.memory_space<hbm>>
          %dma_start3A_450 = tpu.memref_slice %arg7[%add3A_446] : memref<1600000xi32, #tpu.memory_space<hbm>> -> memref<64xi32, #tpu.memory_space<hbm>>
          %dma_start3A_451 = arith.constant 3584 : i32
          %dma_start3A_452 = tpu.memref_slice %arg19[%dma_start3A_451] : memref<4096xi32, #tpu.memory_space<vmem>> -> memref<64xi32, #tpu.memory_space<vmem>>
          tpu.enqueue_dma source(%dma_start3A_452 : memref<64xi32, #tpu.memory_space<vmem>>) target(%dma_start3A_450 : memref<64xi32, #tpu.memory_space<hbm>>) target_semaphore(%arg24 : memref<!tpu.dma_semaphore, #tpu.memory_space<semaphore_mem>>)
          %add3A_453 = arith.constant 1250000 : i32
          %add3A_454 = arith.addi %add3A_453, %min3A_74 : i32
          %dma_start3A_455 = arith.constant 3648 : i32
          %dma_start3A_456 = tpu.memref_slice %arg19[%dma_start3A_455] : memref<4096xi32, #tpu.memory_space<vmem>> -> memref<64xi32, #tpu.memory_space<vmem>>
          %dma_start3A_457 = tpu.memref_slice %arg7[%add3A_454] : memref<1600000xi32, #tpu.memory_space<hbm>> -> memref<64xi32, #tpu.memory_space<hbm>>
          %dma_start3A_458 = tpu.memref_slice %arg7[%add3A_454] : memref<1600000xi32, #tpu.memory_space<hbm>> -> memref<64xi32, #tpu.memory_space<hbm>>
          %dma_start3A_459 = arith.constant 3648 : i32
          %dma_start3A_460 = tpu.memref_slice %arg19[%dma_start3A_459] : memref<4096xi32, #tpu.memory_space<vmem>> -> memref<64xi32, #tpu.memory_space<vmem>>
          tpu.enqueue_dma source(%dma_start3A_460 : memref<64xi32, #tpu.memory_space<vmem>>) target(%dma_start3A_458 : memref<64xi32, #tpu.memory_space<hbm>>) target_semaphore(%arg24 : memref<!tpu.dma_semaphore, #tpu.memory_space<semaphore_mem>>)
          %add3A_461 = arith.constant 1300000 : i32
          %add3A_462 = arith.addi %add3A_461, %min3A_74 : i32
          %dma_start3A_463 = arith.constant 3712 : i32
          %dma_start3A_464 = tpu.memref_slice %arg19[%dma_start3A_463] : memref<4096xi32, #tpu.memory_space<vmem>> -> memref<64xi32, #tpu.memory_space<vmem>>
          %dma_start3A_465 = tpu.memref_slice %arg7[%add3A_462] : memref<1600000xi32, #tpu.memory_space<hbm>> -> memref<64xi32, #tpu.memory_space<hbm>>
          %dma_start3A_466 = tpu.memref_slice %arg7[%add3A_462] : memref<1600000xi32, #tpu.memory_space<hbm>> -> memref<64xi32, #tpu.memory_space<hbm>>
          %dma_start3A_467 = arith.constant 3712 : i32
          %dma_start3A_468 = tpu.memref_slice %arg19[%dma_start3A_467] : memref<4096xi32, #tpu.memory_space<vmem>> -> memref<64xi32, #tpu.memory_space<vmem>>
          tpu.enqueue_dma source(%dma_start3A_468 : memref<64xi32, #tpu.memory_space<vmem>>) target(%dma_start3A_466 : memref<64xi32, #tpu.memory_space<hbm>>) target_semaphore(%arg24 : memref<!tpu.dma_semaphore, #tpu.memory_space<semaphore_mem>>)
          %add3A_469 = arith.constant 1350000 : i32
          %add3A_470 = arith.addi %add3A_469, %min3A_74 : i32
          %dma_start3A_471 = arith.constant 3776 : i32
          %dma_start3A_472 = tpu.memref_slice %arg19[%dma_start3A_471] : memref<4096xi32, #tpu.memory_space<vmem>> -> memref<64xi32, #tpu.memory_space<vmem>>
          %dma_start3A_473 = tpu.memref_slice %arg7[%add3A_470] : memref<1600000xi32, #tpu.memory_space<hbm>> -> memref<64xi32, #tpu.memory_space<hbm>>
          %dma_start3A_474 = tpu.memref_slice %arg7[%add3A_470] : memref<1600000xi32, #tpu.memory_space<hbm>> -> memref<64xi32, #tpu.memory_space<hbm>>
          %dma_start3A_475 = arith.constant 3776 : i32
          %dma_start3A_476 = tpu.memref_slice %arg19[%dma_start3A_475] : memref<4096xi32, #tpu.memory_space<vmem>> -> memref<64xi32, #tpu.memory_space<vmem>>
          tpu.enqueue_dma source(%dma_start3A_476 : memref<64xi32, #tpu.memory_space<vmem>>) target(%dma_start3A_474 : memref<64xi32, #tpu.memory_space<hbm>>) target_semaphore(%arg24 : memref<!tpu.dma_semaphore, #tpu.memory_space<semaphore_mem>>)
          %add3A_477 = arith.constant 1400000 : i32
          %add3A_478 = arith.addi %add3A_477, %min3A_74 : i32
          %dma_start3A_479 = arith.constant 3840 : i32
          %dma_start3A_480 = tpu.memref_slice %arg19[%dma_start3A_479] : memref<4096xi32, #tpu.memory_space<vmem>> -> memref<64xi32, #tpu.memory_space<vmem>>
          %dma_start3A_481 = tpu.memref_slice %arg7[%add3A_478] : memref<1600000xi32, #tpu.memory_space<hbm>> -> memref<64xi32, #tpu.memory_space<hbm>>
          %dma_start3A_482 = tpu.memref_slice %arg7[%add3A_478] : memref<1600000xi32, #tpu.memory_space<hbm>> -> memref<64xi32, #tpu.memory_space<hbm>>
          %dma_start3A_483 = arith.constant 3840 : i32
          %dma_start3A_484 = tpu.memref_slice %arg19[%dma_start3A_483] : memref<4096xi32, #tpu.memory_space<vmem>> -> memref<64xi32, #tpu.memory_space<vmem>>
          tpu.enqueue_dma source(%dma_start3A_484 : memref<64xi32, #tpu.memory_space<vmem>>) target(%dma_start3A_482 : memref<64xi32, #tpu.memory_space<hbm>>) target_semaphore(%arg24 : memref<!tpu.dma_semaphore, #tpu.memory_space<semaphore_mem>>)
          %add3A_485 = arith.constant 1450000 : i32
          %add3A_486 = arith.addi %add3A_485, %min3A_74 : i32
          %dma_start3A_487 = arith.constant 3904 : i32
          %dma_start3A_488 = tpu.memref_slice %arg19[%dma_start3A_487] : memref<4096xi32, #tpu.memory_space<vmem>> -> memref<64xi32, #tpu.memory_space<vmem>>
          %dma_start3A_489 = tpu.memref_slice %arg7[%add3A_486] : memref<1600000xi32, #tpu.memory_space<hbm>> -> memref<64xi32, #tpu.memory_space<hbm>>
          %dma_start3A_490 = tpu.memref_slice %arg7[%add3A_486] : memref<1600000xi32, #tpu.memory_space<hbm>> -> memref<64xi32, #tpu.memory_space<hbm>>
          %dma_start3A_491 = arith.constant 3904 : i32
          %dma_start3A_492 = tpu.memref_slice %arg19[%dma_start3A_491] : memref<4096xi32, #tpu.memory_space<vmem>> -> memref<64xi32, #tpu.memory_space<vmem>>
          tpu.enqueue_dma source(%dma_start3A_492 : memref<64xi32, #tpu.memory_space<vmem>>) target(%dma_start3A_490 : memref<64xi32, #tpu.memory_space<hbm>>) target_semaphore(%arg24 : memref<!tpu.dma_semaphore, #tpu.memory_space<semaphore_mem>>)
          %add3A_493 = arith.constant 1500000 : i32
          %add3A_494 = arith.addi %add3A_493, %min3A_74 : i32
          %dma_start3A_495 = arith.constant 3968 : i32
          %dma_start3A_496 = tpu.memref_slice %arg19[%dma_start3A_495] : memref<4096xi32, #tpu.memory_space<vmem>> -> memref<64xi32, #tpu.memory_space<vmem>>
          %dma_start3A_497 = tpu.memref_slice %arg7[%add3A_494] : memref<1600000xi32, #tpu.memory_space<hbm>> -> memref<64xi32, #tpu.memory_space<hbm>>
          %dma_start3A_498 = tpu.memref_slice %arg7[%add3A_494] : memref<1600000xi32, #tpu.memory_space<hbm>> -> memref<64xi32, #tpu.memory_space<hbm>>
          %dma_start3A_499 = arith.constant 3968 : i32
          %dma_start3A_500 = tpu.memref_slice %arg19[%dma_start3A_499] : memref<4096xi32, #tpu.memory_space<vmem>> -> memref<64xi32, #tpu.memory_space<vmem>>
          tpu.enqueue_dma source(%dma_start3A_500 : memref<64xi32, #tpu.memory_space<vmem>>) target(%dma_start3A_498 : memref<64xi32, #tpu.memory_space<hbm>>) target_semaphore(%arg24 : memref<!tpu.dma_semaphore, #tpu.memory_space<semaphore_mem>>)
          %add3A_501 = arith.constant 1550000 : i32
          %add3A_502 = arith.addi %add3A_501, %min3A_74 : i32
          %dma_start3A_503 = arith.constant 4032 : i32
          %dma_start3A_504 = tpu.memref_slice %arg19[%dma_start3A_503] : memref<4096xi32, #tpu.memory_space<vmem>> -> memref<64xi32, #tpu.memory_space<vmem>>
          %dma_start3A_505 = tpu.memref_slice %arg7[%add3A_502] : memref<1600000xi32, #tpu.memory_space<hbm>> -> memref<64xi32, #tpu.memory_space<hbm>>
          %dma_start3A_506 = tpu.memref_slice %arg7[%add3A_502] : memref<1600000xi32, #tpu.memory_space<hbm>> -> memref<64xi32, #tpu.memory_space<hbm>>
          %dma_start3A_507 = arith.constant 4032 : i32
          %dma_start3A_508 = tpu.memref_slice %arg19[%dma_start3A_507] : memref<4096xi32, #tpu.memory_space<vmem>> -> memref<64xi32, #tpu.memory_space<vmem>>
          tpu.enqueue_dma source(%dma_start3A_508 : memref<64xi32, #tpu.memory_space<vmem>>) target(%dma_start3A_506 : memref<64xi32, #tpu.memory_space<hbm>>) target_semaphore(%arg24 : memref<!tpu.dma_semaphore, #tpu.memory_space<semaphore_mem>>)
        } else {
        }
      } else {
      }
    }
    %scan3A_30 = arith.constant 25 : i32
    %dma_wait3A = arith.constant 0 : i32
    %dma_wait3A_31 = tpu.memref_slice %arg19[%dma_wait3A] : memref<4096xi32, #tpu.memory_space<vmem>> -> memref<2048xi32, #tpu.memory_space<vmem>>
    %dma_wait3A_32 = arith.constant 0 : i32
    %dma_wait3A_33 = tpu.memref_slice %arg7[%dma_wait3A_32] : memref<1600000xi32, #tpu.memory_space<hbm>> -> memref<2048xi32, #tpu.memory_space<hbm>>
    %dma_wait3A_34 = arith.constant 0 : i32
    %dma_wait3A_35 = tpu.memref_slice %arg19[%dma_wait3A_34] : memref<4096xi32, #tpu.memory_space<vmem>> -> memref<2048xi32, #tpu.memory_space<vmem>>
    %dma_wait3A_36 = arith.constant 0 : i32
    %dma_wait3A_37 = tpu.memref_slice %arg7[%dma_wait3A_36] : memref<1600000xi32, #tpu.memory_space<hbm>> -> memref<2048xi32, #tpu.memory_space<hbm>>
    tpu.wait_dma2 semaphore(%arg25 : memref<!tpu.dma_semaphore, #tpu.memory_space<semaphore_mem>>) src(%dma_wait3A_37 : memref<2048xi32, #tpu.memory_space<hbm>>) dst(%dma_wait3A_35 : memref<2048xi32, #tpu.memory_space<vmem>>)
    %dma_wait3A_38 = arith.constant 2048 : i32
    %dma_wait3A_39 = tpu.memref_slice %arg19[%dma_wait3A_38] : memref<4096xi32, #tpu.memory_space<vmem>> -> memref<2048xi32, #tpu.memory_space<vmem>>
    %dma_wait3A_40 = arith.constant 0 : i32
    %dma_wait3A_41 = tpu.memref_slice %arg7[%dma_wait3A_40] : memref<1600000xi32, #tpu.memory_space<hbm>> -> memref<2048xi32, #tpu.memory_space<hbm>>
    %dma_wait3A_42 = arith.constant 2048 : i32
    %dma_wait3A_43 = tpu.memref_slice %arg19[%dma_wait3A_42] : memref<4096xi32, #tpu.memory_space<vmem>> -> memref<2048xi32, #tpu.memory_space<vmem>>
    %dma_wait3A_44 = arith.constant 0 : i32
    %dma_wait3A_45 = tpu.memref_slice %arg7[%dma_wait3A_44] : memref<1600000xi32, #tpu.memory_space<hbm>> -> memref<2048xi32, #tpu.memory_space<hbm>>
    tpu.wait_dma2 semaphore(%arg24 : memref<!tpu.dma_semaphore, #tpu.memory_space<semaphore_mem>>) src(%dma_wait3A_45 : memref<2048xi32, #tpu.memory_space<hbm>>) dst(%dma_wait3A_43 : memref<2048xi32, #tpu.memory_space<vmem>>)
    return
  }
}

</mosaic_0001>

<sc_bundles>
// kernel: kernel.3.cloned.1.call-start
scs
__scs_entry_jumppad:
0x0: {  	(pc) =	sbr.rel $0x88, $3  }
0x1: {  	(tag) =	ssettag $0x0;
	lr =	simm.s32 $0x1  }
0x2: {  	[smem:$0x3F9C] =	sst lr;
	_ =	strace $0xD0000000  }
0x3: {  	_ = 	snop  }
0x4: {  	_ = 	snop  }
0x5: {  	_ = 	snop  }
0x6: {  	_ = 	snop  }
0x7: {  	_ = 	snop  }
__scs_overlays_trampoline_lowered:
0x8: {  	[smem:$0x3FAB] =	sst s0  }
0x9: {  	[smem:$0x3FAC] =	sst s1  }
0xa: {  	[smem:$0x3FAD] =	sst s2  }
0xb: {  	[smem:$0x3FAE] =	sst s3  }
0xc: {  	[smem:$0x3FAF] =	sst s4  }
0xd: {  	[smem:$0x3FB0] =	sst s5  }
0xe: {  	[smem:$0x3FB1] =	sst s6  }
0xf: {  	[smem:$0x3FB2] =	sst s7  }
0x10: {  	[smem:$0x3FB3] =	sst s8  }
0x11: {  	[smem:$0x3FB4] =	sst s9;
	s0 =	simm.s32 @!p0 $0x0  }
0x12: {  	s1 =	sld [smem:$0x3F9A];
	s0 =	simm.s32 @p0 $0x1  }
0x13: {  	[smem:$0x3FB5] =	sst s0;
	s0 =	simm.s32 @!p1 $0x0  }
0x14: {  	s2 =	sld [smem:$0x3F99];
	s0 =	simm.s32 @p1 $0x1  }
0x15: {  	[smem:$0x3FB6] =	sst s0;
	s0 =	simm.s32 @!p2 $0x0  }
0x16: {  	s3 =	sld [smem:$0x3FDB];
	s0 =	simm.s32 @p2 $0x1  }
0x17: {  	s4 =	simm.s32 $0x1BF5;
	[smem:$0x3FB8] =	sst s0  }
0x18: {  	s0 =	sld [smem:$0x3F9B];
	_ =	swait.ge [sflag:s4], $0x0  }
0x19: {  	s7 =	sld [smem:$0x3F9C]  }
0x1a: {  	s8 =	sadd.s32 $0xFFFFE003, lr  }
0x1b: {  	s9 =	sadd.s32 $0xFFFFFEF7, lr;
	s5 =	simm.s32 $0xFFFFFFFF;
	p2 =	slt.u32 s8, $0xFFFFF086  }
0x1c: {  	p1 =	slt.u32 s9, $0xF7A;
	s5 =	simm.s32 @!p2 $0x0  }
0x1d: {  	s5 =	simm.s32 @p1 $0x1;
	p0 =	seq.s32 s7, s2  }
0x1e: {  	s7 =	smul.u32 @!p0 $0xF7A, s2;
	p2 =	seq.s32 @!p0 s5, $0x0  }
0x1f: {  	s9 =	smul.u32 $0xF7A, s1;
	s8 =	simm.s32 @!p0 $0x1BF5;
	p2 =	por !p2, p0  }
0x20: {  	[sflag:s8] =	ssyncset.s32 @!p0 $0xFFFFF086;
	s6 =	sadd.s32 @!p0 s3, s7;
	s7 =	simm.s32 @!p0 $0x108  }
0x21: {  	s3 =	sadd.s32 s3, s9;
	s6 =	sadd.s32 @!p0 $0x88, s6;
	s7 =	simm.s32 @p2 $0x1082  }
0x22: {  	[simem:s7], [sflag:s8] =	dma.local @!p0 [hbm:s6], $0xF7A  }
0x23: {  	s9 =	sor.u32 $0xD0000000, s2;
	s6 =	simm.s32 $0x108;
	_ =	swait.ge @!p0 [sflag:s8], $0x0  }
0x24: {  	s3 =	sadd.s32 $0x88, s3;
	s6 =	simm.s32 @!p1 $0x1082;
	[sflag:s4] =	ssyncset.s32 $0xFFFFF086  }
0x25: {  	[simem:s6], [sflag:s4] =	dma.local [hbm:s3], $0xF7A  }
0x26: {  	[smem:$0x3F9C] =	sst s1;
	(tag) =	ssettag s2;
	_ =	strace s9  }
0x27: {  	s1 =	sld [smem:$0x3FAC]  }
0x28: {  	s2 =	sld [smem:$0x3FAD]  }
0x29: {  	s4 =	sld [smem:$0x3FAF]  }
0x2a: {  	p0 =	seq.s32 s5, $0x0;
	s5 =	sld [smem:$0x3FB0]  }
0x2b: {  	s6 =	sld [smem:$0x3FB1]  }
0x2c: {  	s7 =	sld [smem:$0x3FB2]  }
0x2d: {  	s3 =	simm.s32 $0x108;
	s8 =	sld [smem:$0x3FB3]  }
0x2e: {  	s3 =	simm.s32 @!p0 $0x1082;
	s9 =	sld [smem:$0x3FB4]  }
0x2f: {  	lr =	sadd.s32 s0, s3;
	s0 =	sld [smem:$0x3FAB]  }
0x30: {  	s3 =	sld [smem:$0x3FAE]  }
0x31: {  	[smem:$0x3FB7] =	sst s10  }
0x32: {  	s10 =	sld [smem:$0x3FB5];
	_ =	sdelay $0x3  }
0x33: {  	p0 =	seq.s32 s10, $0x1;
	s10 =	sld [smem:$0x3FB7];
	_ =	sdelay $0x3  }
0x34: {  	[smem:$0x3FB7] =	sst s10  }
0x35: {  	s10 =	sld [smem:$0x3FB6];
	_ =	sdelay $0x3  }
0x36: {  	p1 =	seq.s32 s10, $0x1;
	s10 =	sld [smem:$0x3FB7];
	_ =	sdelay $0x3  }
0x37: {  	[smem:$0x3FB7] =	sst s10  }
0x38: {  	s10 =	sld [smem:$0x3FB8]  }
0x39: {  	_ = 	snop;
	(pc) =	sbr.ind lr, $3  }
0x3a: {  	_ = 	snop  }
0x3b: {  	_ = 	snop  }
0x3c: {  	p2 =	seq.s32 s10, $0x1;
	s10 =	sld [smem:$0x3FB7]  }
0x3d: {  	_ =	shalt  }
0x3e: {  	_ =	shalt  }
0x3f: {  	_ =	shalt  }
0x40: {  	_ =	shalt  }
0x41: {  	_ =	shalt  }
0x42: {  	_ =	shalt  }
0x43: {  	_ =	shalt  }
0x44: {  	_ =	shalt  }
0x45: {  	_ =	shalt  }
0x46: {  	_ =	shalt  }
0x47: {  	_ =	shalt  }
0x48: {  	_ =	shalt  }
0x49: {  	_ =	shalt  }
0x4a: {  	_ =	shalt  }
0x4b: {  	_ =	shalt  }
0x4c: {  	_ =	shalt  }
0x4d: {  	_ =	shalt  }
0x4e: {  	_ =	shalt  }
0x4f: {  	_ =	shalt  }
0x50: {  	_ =	shalt  }
0x51: {  	_ =	shalt  }
0x52: {  	_ =	shalt  }
0x53: {  	_ =	shalt  }
0x54: {  	_ =	shalt  }
0x55: {  	_ =	shalt  }
0x56: {  	_ =	shalt  }
0x57: {  	_ =	shalt  }
0x58: {  	_ =	shalt  }
0x59: {  	_ =	shalt  }
0x5a: {  	_ =	shalt  }
0x5b: {  	_ =	shalt  }
0x5c: {  	_ =	shalt  }
0x5d: {  	_ =	shalt  }
0x5e: {  	_ =	shalt  }
0x5f: {  	_ =	shalt  }
0x60: {  	_ =	shalt  }
0x61: {  	_ =	shalt  }
0x62: {  	_ =	shalt  }
0x63: {  	_ =	shalt  }
0x64: {  	_ =	shalt  }
0x65: {  	_ =	shalt  }
0x66: {  	_ =	shalt  }
0x67: {  	_ =	shalt  }
0x68: {  	_ =	shalt  }
0x69: {  	_ =	shalt  }
0x6a: {  	_ =	shalt  }
0x6b: {  	_ =	shalt  }
0x6c: {  	_ =	shalt  }
0x6d: {  	_ =	shalt  }
0x6e: {  	_ =	shalt  }
0x6f: {  	_ =	shalt  }
0x70: {  	_ =	shalt  }
0x71: {  	_ =	shalt  }
0x72: {  	_ =	shalt  }
0x73: {  	_ =	shalt  }
0x74: {  	_ =	shalt  }
0x75: {  	_ =	shalt  }
0x76: {  	_ =	shalt  }
0x77: {  	_ =	shalt  }
0x78: {  	_ =	shalt  }
0x79: {  	_ =	shalt  }
0x7a: {  	_ =	shalt  }
0x7b: {  	_ =	shalt  }
0x7c: {  	_ =	shalt  }
0x7d: {  	_ =	shalt  }
0x7e: {  	_ =	shalt  }
0x7f: {  	_ =	shalt  }
0x80: {  	_ =	shalt  }
0x81: {  	_ =	shalt  }
0x82: {  	_ =	shalt  }
0x83: {  	_ =	shalt  }
0x84: {  	_ =	shalt  }
0x85: {  	_ =	shalt  }
0x86: {  	_ =	shalt  }
0x87: {  	_ =	shalt  }
.Lfunc_end0:
.L_simem_size_0:
called_computation_lowered:
.L_overlay_start_0:
0x88: {  	s2 =	sld [smem:$0x3FD9]  }
0x89: {  	s3 =	sld [smem:$0x3FFE];
	_ =	sdelay $0x1  }
0x8a: {  	s1 =	srdreg.scid  }
0x8b: {  	s0 =	sand.u32 $0x1, s1  }
0x8c: {  	s17 =	sshll.u32 s0, $0xA;
	s2 =	sadd.s32 s3, s2  }
0x8d: {  	s2 =	sadd.s32 s2, s17  }
0x8e: {  	[smem:$0x3FC3] =	sst s2  }
0x8f: {  	_ = 	snop  }
0x90: {  	s2 =	sld [smem:$0x3FC9]  }
0x91: {  	s18 =	sld [smem:$0x3FC7]  }
0x92: {  	s4 =	sld [smem:$0x3FC6]  }
0x93: {  	s5 =	sld [smem:$0x3FD0];
	(tm) =	ssettm $0x1  }
0x94: {  	s6 =	sld [smem:$0x3FFB];
	_ =	sdelay $0x3  }
0x95: {  	_ =	strace s6  }
0x96: {  	s6 =	sld [smem:$0x3FFC];
	_ =	sdelay $0x3  }
0x97: {  	_ =	strace s6  }
0x98: {  	s6 =	sld [smem:$0x3FFD];
	_ =	sdelay $0x3  }
0x99: {  	_ =	strace s6  }
0x9a: {  	_ =	strace $0x8FFFFFFF  }
0x9b: {  	s19 =	sld [smem:$0x3FDB];
	_ =	sdelay $0x1  }
0x9c: {  	s7 =	simm.s32 $_scs_section_size  }
0x9d: {  	s8 =	simm.s32 $_size__tile_overlayer_lowered;
	s9 =	simm.s32 $_tile_overlayer_lowered  }
0x9e: {  	s22 =	simm.s32 $0x1BFF;
	s21 =	sshll.u32 s9, $0x1;
	s6 =	sadd.s32 s7, s19  }
0x9f: {  	s10 =	simm.s32 $0x0;
	s20 =	sshll.u32 s8, $0x1;
	s8 =	sadd.s32 s21, s6  }
0xa0: {  	[timem:s10], [sflag:s22] =	dma.local [hbm:s8], s20  }
0xa1: {  	_ =	swait.ge [sflag:s22], s20  }
0xa2: {  	s7 =	ssub.s32 $0x0, s20;
	[sflag:s22] =	ssyncset.done $0x0  }
0xa3: {  	[sflag:s22] =	ssyncadd.s32 s7;
	_ =	sdelay $0x1  }
0xa4: {  	s23 =	simm.s32 $0x1B8B  }
0xa5: {  	_ =	swait.ge [sflag:s23], $0x1  }
0xa6: {  	[sflag:s23] =	ssyncset.done $0x0  }
0xa7: {  	s25 =	simm.s32 $0x1B8E;
	s24 =	sld [smem:$0x3FFE];
	[sflag:s23] =	ssyncadd.s32 $0xFFFFFFFF  }
0xa8: {  	s26 =	simm.s32 $execute0_lowered;
	[smem:$0x3FD2] =	sst s25  }
0xa9: {  	s8 =	sshll.u32 s26, $0x1;
	_ =	strace $0x80000046;
	[dreg:$0x1] =	wrdreg $0xFFFFFFFF  }
0xaa: {  	s28 =	simm.s32 $_size_execute0_lowered;
	s6 =	sadd.s32 s6, s8;
	[dreg:$0x0] =	wrdreg $0x0  }
0xab: {  	s8 =	sshll.u32 s28, $0x1;
	[dreg:$0x2] =	wrdreg s6  }
0xac: {  	[dreg:$0x3] =	wrdreg s8  }
0xad: {  	[dreg:$0x4] =	wrdreg $0xC0  }
0xae: {  	_ =	task [dreg:s10], $0x5FFFF  }
0xaf: {  	[dreg:$0x1] =	wrdreg $0xFFFFFFFF  }
0xb0: {  	[dreg:$0x0] =	wrdreg $0x60  }
0xb1: {  	[dreg:$0x2] =	wrdreg s2  }
0xb2: {  	[dreg:$0x3] =	wrdreg s24  }
0xb3: {  	[dreg:$0x4] =	wrdreg s18  }
0xb4: {  	[dreg:$0x5] =	wrdreg s4  }
0xb5: {  	[dreg:$0x6] =	wrdreg s5  }
0xb6: {  	[dreg:$0x7] =	wrdreg $0x0  }
0xb7: {  	[dreg:$0x8] =	wrdreg $0x9  }
0xb8: {  	_ =	task.clear_ibuf [dreg:s10], $0x9FFFF;
	_ =	strace $0x90000046  }
0xb9: {  	s29 =	simm.s32 $0x9;
	_ =	strace $0x80000048  }
0xba: {  	_ =	swait.ge [sflag:s29], $0x1  }
0xbb: {  	[sflag:s29] =	ssyncadd.s32 $0xFFFFFFFF  }
0xbc: {  	_ =	strace $0x90000048  }
0xbd: {  	_ =	sfence  }
0xbe: {  	s30 =	sld [smem:$0x0];
	_ =	sdelay $0x2  }
0xbf: {  	s31 =	sshll.u32 s1, $0xD;
	s1 =	sshrl.u32 s1, $0x2  }
0xc0: {  	s3 =	sand.u32 $0x4000, s31;
	s1 =	sadd.s32 s1, s30  }
0xc1: {  	s0 =	sor.u32 s3, s0;
	s1 =	sshll.u32 s1, $0x11  }
0xc2: {  	s0 =	sor.u32 s1, s0  }
0xc3: {  	s0 =	sadd.s32 $0x8F2B, s0  }
0xc4: {  	[sflag:s0] =	ssyncadd.remote.s32 $0x1  }
0xc5: {  	_ =	sfence.sel $0xFFFF  }
0xc6: {  	[dreg:$0x0] =	wrdreg $0xFFFFFFFF;
	(pc) =	sbr.abs _section_cstart, $3  }
0xc7: {  	[dreg:$0x1] =	wrdreg $0xFFFFFFFF  }
0xc8: {  	_ =	task.clear_ibuf [dreg:s10], $0x2FFFF;
	_ =	strace $0x9FFFFFFF  }
0xc9: {  	(tm) =	ssettm $0x7FFFFFFF  }
tec
execute0_lowered:
.L_overlay_start_1:
0x0: {  	(tag) =	ssettag $0x1  }
0x1: {  	v0 =	vimm.s32 $0xB80;
	vm0 =	vcmask $0x300  }
0x2: {  	v0 =	vsel vm0, $0x0, v0;
	vm0 =	vcmask $0x704  }
0x3: {  	v0 =	vsel vm0, $0x80, v0;
	vm0 =	vcmask $0xB08  }
0x4: {  	v0 =	vsel vm0, $0x100, v0;
	vm0 =	vcmask $0xF0C  }
0x5: {  	v0 =	vsel vm0, $0x180, v0;
	vm0 =	vcmask $0x1310  }
0x6: {  	v0 =	vsel vm0, $0x200, v0;
	vm0 =	vcmask $0x1714  }
0x7: {  	v1 =	vimm.s32 $0xEFCDAB89;
	v0 =	vsel vm0, $0x280, v0;
	vm0 =	vcmask $0x1B18  }
0x8: {  	v2 =	vimm.s32 $0x67452301;
	v0 =	vsel vm0, $0x300, v0;
	vm0 =	vcmask $0x1F1C  }
0x9: {  	v5 =	vimm.s32 $0x54761032;
	v0 =	vsel vm0, $0x380, v0;
	vm0 =	vcmask $0x2320  }
0xa: {  	v7 =	vimm.s32 $0xFEDCBA98;
	v0 =	vsel vm0, $0x800, v0;
	vm0 =	vcmask $0x2724  }
0xb: {  	s0 =	rddreg [dreg:$0x1];
	v1 =	vunpack.c.l.s4.s8 v1;
	v0 =	vsel vm0, $0x880, v0;
	vm0 =	vcmask $0x2B28  }
0xc: {  	s6 =	rddreg [dreg:$0x5];
	v2 =	vunpack.c.l.s4.s8 v2;
	v0 =	vsel vm0, $0x900, v0;
	vm0 =	vcmask $0x2F2C  }
0xd: {  	s7 =	simm.s32 $0x0;
	s4 =	stileid.u32;
	s14 =	simm.s32 $0x1F350;
	v1 =	vunpack.c.0.s8.s32 v1;
	v0 =	vsel vm0, $0x980, v0;
	vm0 =	vcmask $0x3330  }
0xe: {  	s16 =	simm.s32 $0xC350;
	s17 =	simm.s32 $0x186D0;
	s21 =	simm.s32 $0x1A750;
	v2 =	vunpack.c.0.s8.s32 v2;
	v0 =	vsel vm0, $0xA00, v0;
	vm0 =	vcmask $0x3734  }
0xf: {  	s1 =	srdreg.scid;
	s15 =	simm.s32 $0x6;
	s23 =	simm.s32 $0x1B750;
	v8 =	vimm.s32 $0x76543210;
	v3 =	vsel vm0, $0xA80, v0;
	v0 =	vimm.s32 $0xDCFE98BA  }
0x10: {  	s28 =	simm.s32 $0x1BD50;
	s29 =	simm.s32 $0x1;
	s30 =	simm.s32 $0x2;
	v6 =	vcombine.low v2, v1;
	v1 =	vimm.s32 $0xBA98FEDC;
	v4 =	vunpack.c.l.s4.s8 v0  }
0x11: {  	s31 =	simm.s32 $0x1BF50;
	[smem:$0x7FF] =	sst s7;
	s2 =	smul.u32 $0x186A, s4;
	v7 =	vunpack.c.l.s4.s8 v7;
	v8 =	vunpack.c.l.s4.s8 v8;
	v1 =	vunpack.c.l.s4.s8 v1  }
0x12: {  	s1 =	sand.u32 $0x1, s1;
	s3 =	smul.u32 $0x30D40, s4;
	s8 =	sshll.u32 s4, $0x1;
	v2 =	vunpack.c.0.s8.s32 v4;
	v4 =	vunpack.c.l.s4.s8 v5;
	v5 =	vimm.s32 $0x32107654  }
0x13: {  	_ =	strace $0x80000047;
	[dreg:$0x7] =	wrdreg s1;
	s1 =	ssub.s32 $0x2, s1;
	v7 =	vunpack.c.0.s8.s32 v7;
	v0 =	vlaneseq.u32;
	v5 =	vunpack.c.l.s4.s8 v5  }
0x14: {  	[dreg:$0x9] =	wrdreg s8;
	s2 =	sadd.s32 s2, s0;
	s0 =	sadd.s32 $0x18E00, s0;
	v9 =	vunpack.c.0.s8.s32 v1;
	v1 =	vmul.u32 $0x40, v0;
	v4 =	vunpack.c.0.s8.s32 v4  }
.Ltmp0:
0x15: {  	s24 =	sshrl.u32 s1, $0x1;
	s25 =	sshrl.u32 s3, $0x2;
	v8 =	vunpack.c.0.s8.s32 v8;
	vm0 =	vcmask $0x3B38;
	v5 =	vunpack.c.0.s8.s32 v5;
	(pc) =	sbr.rel .LBB2_1-.Ltmp0, $4  }
0x16: {  	s3 =	simm.s32 $0x0;
	[dreg:$0x8] =	wrdreg s0;
	s0 =	ssub.s32 s1, s24;
	v10 =	vcombine.low v4, v2;
	v2 =	vsel vm0, $0xB00, v3;
	v3 =	vor.u32 $0x400, v1  }
0x17: {  	s26 =	sadd.s32 s25, s6;
	s13 =	sadd.s32 $0x600, s2;
	s24 =	simm.s32 $0x1BB50;
	v4 =	vand.u32 $0xF, v6;
	v6 =	vand.u32 $0xF, v7;
	v9 =	vcombine.low v5, v9  }
0x18: {  	s25 =	simm.s32 $0x200;
	s0 =	smax.u32 s0, $0x1;
	[dreg:$0xb] =	wrdreg s26;
	vm0 =	vmmov $0xff;
	v6 =	vcombine.low v6, v8;
	v8 =	vand.u32 $0x7, v0  }
0x19: {  	s26 =	simm.s32 $0x1B950;
	[dreg:$0xa] =	wrdreg s0;
	s0 =	simm.s32 $0x1E350;
	v5 =	vand.u32 $0xF, v10;
	v8 =	vmul.u32 $0x400, v8;
	v7 =	vand.u32 $0xF, v9  }
.LBB2_44:
0x1a: {  	s1 =	simm.s32 $0x5  }
0x1b: {  	_ =	swait.ge [sflag:s1], $0x800  }
0x1c: {  	[sflag:s1] =	ssyncset.done $0x0  }
0x1d: {  	s2 =	simm.s32 $0x4;
	[sflag:s1] =	ssyncadd.s32 $0xFFFFF800  }
0x1e: {  	_ =	swait.ge [sflag:s2], $0x800  }
0x1f: {  	s3 =	rddreg [dreg:$0xc]  }
0x20: {  	s22 =	rddreg [dreg:$0xa];
	s3 =	sadd.s32 $0x1, s3  }
0x21: {  	p0 =	sne.s32 s3, s22  }
.Ltmp1:
0x22: {  	_ = 	snop;
	(pc) =	sbr.rel @!p0 .LBB2_45-.Ltmp1, $3  }
0x23: {  	_ =	sdelay $0x1  }
0x24: {  	[sflag:s2] =	ssyncset.done $0x0  }
0x25: {  	[sflag:s2] =	ssyncadd.s32 $0xFFFFF800  }
.LBB2_1:
0x26: {  	[dreg:$0xc] =	wrdreg s3;
	s1 =	sadd.s32 $0x0, s13  }
0x27: {  	[tilespmem:s14], [sflag:$0x6] =	stream.linear.gather [hbm4b:s1+s7], $0x7D0, $0x38;
	[tilespmem:$0x1FB50] =	vst v63  }
0x28: {  	_ =	swait.ge [sflag:s15], $0x7D0  }
0x29: {  	[sflag:s15] =	ssyncset.done $0x0  }
0x2a: {  	s22 =	rddreg [dreg:$0xb];
	[sflag:s15] =	ssyncadd.s32 $0xFFFFF830  }
0x2b: {  	[spmem:s22] =	stream.linear.scatter [tilespmem:s14], [sflag:$0x6], $0x7D0, $0x38;
	[tilespmem:$0x1FB50] =	vst v63  }
0x2c: {  	s2 =	simm.s32 $0xFA;
	_ =	swait.ge [sflag:s15], $0x7D0  }
0x2d: {  	s3 =	simm.s32 $0x1F4;
	s1 =	sadd.s32 $0x7D0, s22;
	[sflag:s15] =	ssyncset.done $0x0  }
.LBB2_2:
0x2e: {  	s4 =	sadd.s32 s2, s13  }
0x2f: {  	[sflag:s15] =	ssyncadd.s32 $0xFFFFF830;
	s2 =	smov.u32 s3;
	s5 =	sadd.s32 $0xFA, s3  }
0x30: {  	[tilespmem:s14], [sflag:$0x6] =	stream.linear.gather [hbm4b:s4+s7], $0x7D0, $0x38;
	[tilespmem:$0x1FB50] =	vst v63  }
0x31: {  	p0 =	sne.s32 s3, $0x1770;
	_ =	swait.ge [sflag:s15], $0x7D0  }
.Ltmp2:
0x32: {  	[sflag:s15] =	ssyncset.done $0x0;
	(pc) =	sbr.rel @p0 .LBB2_2-.Ltmp2, $4  }
0x33: {  	[sflag:s15] =	ssyncadd.s32 $0xFFFFF830  }
0x34: {  	[spmem:s1] =	stream.linear.scatter [tilespmem:s14], [sflag:$0x6], $0x7D0, $0x38;
	[tilespmem:$0x1FB50] =	vst v63  }
0x35: {  	_ =	swait.ge [sflag:s15], $0x7D0  }
0x36: {  	s3 =	smov.u32 s5;
	s1 =	sadd.s32 $0x7D0, s1;
	[sflag:s15] =	ssyncset.done $0x0  }
0x37: {  	s2 =	sadd.s32 s2, s13;
	[sflag:s15] =	ssyncadd.s32 $0xFFFFF830  }
0x38: {  	[tilespmem:s14], [sflag:$0x6] =	stream.linear.gather [hbm4b:s2+s7], $0x7D0, $0x38;
	[tilespmem:$0x1FB50] =	vst v63  }
0x39: {  	_ =	swait.ge [sflag:s15], $0x7D0  }
0x3a: {  	[sflag:s15] =	ssyncset.done $0x0  }
0x3b: {  	[sflag:s15] =	ssyncadd.s32 $0xFFFFF830  }
0x3c: {  	[spmem:s1] =	stream.linear.scatter [tilespmem:s14], [sflag:$0x6], $0x7D0, $0x38;
	[tilespmem:$0x1FB50] =	vst v63  }
0x3d: {  	_ =	swait.ge [sflag:s15], $0x7D0  }
0x3e: {  	[sflag:s15] =	ssyncset.done $0x0  }
0x3f: {  	[sflag:s15] =	ssyncadd.s32 $0xFFFFF830  }
0x40: {  	s4 =	simm.s32 $0x0;
	s22 =	rddreg [dreg:$0x2]  }
0x41: {  	[tilespmem:s16], [sflag:$0x6] =	stream.linear.gather [hbm4b:s22+s4], $0xC380, $0x38;
	[tilespmem:$0x1FB50] =	vst v63  }
.Ltmp3:
0x42: {  	_ =	swait.ge [sflag:s15], $0xC380;
	(pc) =	sbr.rel .LBB2_4-.Ltmp3, $3  }
0x43: {  	[sflag:s15] =	ssyncset.done $0x0  }
0x44: {  	[sflag:s15] =	ssyncadd.s32 $0xFFFF3C80  }
0x45: {  	[bflag:$0x0] =	sbarrier.arrive $0xFFFF;
	_ =	sdelay $0x1  }
.LBB2_43:
0x46: {  	s4 =	sadd.s32 $0x1, s4  }
0x47: {  	p0 =	sne.s32 s4, $0x19  }
.Ltmp4:
0x48: {  	_ = 	snop;
	(pc) =	sbr.rel @!p0 .LBB2_44-.Ltmp4, $1  }
0x49: {  	_ =	sdelay $0x3  }
.LBB2_4:
0x4a: {  	s1 =	sshll.u32 s4, $0x5  }
0x4b: {  	s1 =	sor.u32 s8, s1  }
0x4c: {  	p0 =	sgt.u32 s1, $0x30D  }
.Ltmp5:
0x4d: {  	_ = 	snop;
	(pc) =	sbr.rel @p0 .LBB2_43-.Ltmp5, $1  }
0x4e: {  	_ =	sdelay $0x3  }
0x4f: {  	s2 =	sand.u32 $0x1, s4;
	p1 =	slt.u32 s4, $0x2  }
0x50: {  	p0 =	sne.s32 @!p1 s2, $0x0  }
0x51: {  	p2 =	por p0, p1  }
0x52: {  	s3 =	simm.s32 @!p2 $0x5  }
0x53: {  	p0 =	seq.s32 s2, $0x1;
	_ =	swait.ge @!p2 [sflag:s3], $0x800  }
0x54: {  	p1 =	por !p0, p1;
	[sflag:s3] =	ssyncset.done @!p2 $0x0  }
0x55: {  	s5 =	rddreg [dreg:$0x7];
	[sflag:s3] =	ssyncadd.s32 @!p2 $0xFFFFF800;
	s3 =	simm.s32 @!p1 $0x4  }
0x56: {  	s1 =	sor.u32 s5, s1;
	_ =	swait.ge @!p1 [sflag:s3], $0x800  }
0x57: {  	s1 =	sshll.u32 s1, $0x6;
	[sflag:s3] =	ssyncset.done @!p1 $0x0  }
0x58: {  	s1 =	smin.u32 s1, $0xC310;
	[sflag:s3] =	ssyncadd.s32 @!p1 $0xFFFFF800  }
0x59: {  	s11 =	sshrl.u32 s1, $0x3;
	s3 =	rddreg [dreg:$0x0]  }
0x5a: {  	s5 =	simm.s32 $0x0;
	s3 =	sadd.s32 s3, s11  }
0x5b: {  	[tilespmem:s17], [sflag:$0x6] =	stream.linear.gather [hbm4b:s3+s5], $0x40, $0x38;
	[tilespmem:$0x1FB50] =	vst v63  }
0x5c: {  	_ =	swait.ge [sflag:s15], $0x40  }
0x5d: {  	[sflag:s15] =	ssyncset.done $0x0  }
0x5e: {  	s22 =	simm.s32 $0x18750;
	[sflag:s15] =	ssyncadd.s32 $0xFFFFFFC0  }
0x5f: {  	s10 =	simm.s32 $0x800;
	s20 =	sshll.u32 s1, $0x4;
	s9 =	rddreg [dreg:$0x3]  }
0x60: {  	s8 =	sand.u32 $0xFF80, s1;
	s3 =	sadd.s32 s9, s20;
	s9 =	rddreg [dreg:$0x4]  }
0x61: {  	[tilespmem:s22], [sflag:$0x3] =	stream.linear.gather [hbm4b:s3+s5], $0x2000, $0x38;
	[tilespmem:$0x1FB50] =	vst v63  }
0x62: {  	s12 =	simm.s32 $0x62000;
	s18 =	simm.s32 $0x3;
	s3 =	sadd.s32 s9, s8  }
0x63: {  	[tilespmem:s21], [sflag:$0x3] =	stream.strided.gather [hbm4b:s3+s10], $0x1000, s12, s10, $0x38;
	[tilespmem:$0x1FB50] =	vst v63  }
0x64: {  	_ =	swait.ge [sflag:s18], $0x2000  }
0x65: {  	v9 =	vmov s5;
	[sflag:s18] =	ssyncset.done $0x0  }
0x66: {  	[sflag:s18] =	ssyncadd.s32 $0xFFFFE000  }
0x67: {  	_ =	swait.ge [sflag:s18], $0x1000  }
0x68: {  	[sflag:s18] =	ssyncset.done $0x0  }
0x69: {  	[sflag:s18] =	ssyncadd.s32 $0xFFFFF000  }
0x6a: {  	v9 =	vld.idx.msk [tilespmem:v9+s17+$0x0], $0xffff;
	_ =	sdelay $0x5  }
0x6b: {  	s19 =	simm.s32 $0x1BF50  }
0x6c: {  	[tilespmem:s19+$0x0] =	vst v9  }
0x6d: {  	v10 =	vld.idx.msk [tilespmem:v9+s16+$0x0], $0xffff;
	_ =	sdelay $0x3  }
0x6e: {  	s20 =	simm.s32 $0x1DF50;
	s22 =	sand.u32 $0x70, s5;
	s5 =	sand.u32 $0xC00, s5  }
0x6f: {  	s8 =	sor.u32 s22, s5;
	[tilespmem:s20+$0x0] =	vst v10  }
0x70: {  	v10 =	vld [tilespmem:s8+$0x18750];
	_ =	sdelay $0x2  }
0x71: {  	s9 =	simm.s32 $0x1  }
0x72: {  	v11 =	vmov s9  }
0x73: {  	v10 =	vmul.u32 $0xC350, v10;
	_ =	sdelay $0x1  }
0x74: {  	s3 =	simm.s32 $0x1B750;
	v9 =	vadd.s32 v9, v10  }
0x75: {  	[tilespmem:s3+$0x0] =	vst v9  }
0x76: {  	v9 =	vld.idx.msk [tilespmem:v11+s17+$0x0], $0xffff;
	_ =	sdelay $0x5  }
0x77: {  	s5 =	simm.s32 $0x1BF60  }
0x78: {  	[tilespmem:s5+$0x0] =	vst v9  }
0x79: {  	v10 =	vld.idx.msk [tilespmem:v9+s16+$0x0], $0xffff;
	_ =	sdelay $0x2  }
0x7a: {  	s12 =	simm.s32 $0x80;
	s18 =	simm.s32 $0x10  }
0x7b: {  	s22 =	sand.u32 $0xC00, s12;
	s10 =	sand.u32 $0x70, s18;
	s19 =	simm.s32 $0x1DF60  }
0x7c: {  	s8 =	sor.u32 s10, s22;
	[tilespmem:s19+$0x0] =	vst v10  }
0x7d: {  	v11 =	vld [tilespmem:s8+$0x18750];
	_ =	sdelay $0x2  }
0x7e: {  	s20 =	simm.s32 $0x2  }
0x7f: {  	v10 =	vmov s20;
	s20 =	simm.s32 $0x3  }
.LBB2_6:
0x80: {  	p1 =	sne.s32 s20, $0x1F;
	v11 =	vmul.u32 $0xC350, v11;
	_ =	sdelay $0x1  }
0x81: {  	s3 =	sadd.s32 $0x10, s3;
	v9 =	vadd.s32 v9, v11  }
0x82: {  	[tilespmem:s3+$0x0] =	vst v9  }
0x83: {  	v9 =	vld.idx.msk [tilespmem:v10+s17+$0x0], $0xffff;
	_ =	sdelay $0x5  }
0x84: {  	s5 =	sadd.s32 $0x10, s5  }
0x85: {  	[tilespmem:s5+$0x0] =	vst v9  }
0x86: {  	v10 =	vld.idx.msk [tilespmem:v9+s16+$0x0], $0xffff;
	_ =	sdelay $0x3  }
0x87: {  	s12 =	sadd.s32 $0x80, s12;
	s18 =	sadd.s32 $0x10, s18  }
0x88: {  	s19 =	sadd.s32 $0x10, s19;
	s8 =	sand.u32 $0x70, s18;
	s9 =	sand.u32 $0xC00, s12  }
0x89: {  	s8 =	sor.u32 s8, s9;
	[tilespmem:s19+$0x0] =	vst v10  }
.Ltmp6:
0x8a: {  	v11 =	vld [tilespmem:s8+$0x18750];
	(pc) =	sbr.rel @p1 .LBB2_6-.Ltmp6, $2  }
0x8b: {  	_ =	sdelay $0x2  }
0x8c: {  	v10 =	vmov s20;
	s20 =	sadd.s32 $0x1, s20  }
0x8d: {  	v11 =	vmul.u32 $0xC350, v11;
	_ =	sdelay $0x1  }
0x8e: {  	s3 =	sadd.s32 $0x10, s3;
	v9 =	vadd.s32 v9, v11  }
0x8f: {  	[tilespmem:s3+$0x0] =	vst v9  }
0x90: {  	v9 =	vld.idx.msk [tilespmem:v10+s17+$0x0], $0xffff;
	_ =	sdelay $0x5  }
0x91: {  	s5 =	sadd.s32 $0x10, s5  }
0x92: {  	[tilespmem:s5+$0x0] =	vst v9  }
0x93: {  	v10 =	vld.idx.msk [tilespmem:v9+s16+$0x0], $0xffff;
	_ =	sdelay $0x2  }
0x94: {  	s12 =	sadd.s32 $0x80, s12;
	s8 =	sadd.s32 $0x10, s18  }
0x95: {  	s9 =	sadd.s32 $0x10, s19;
	s8 =	sand.u32 $0x70, s8;
	s5 =	sand.u32 $0xC00, s12  }
0x96: {  	s5 =	sor.u32 s8, s5;
	[tilespmem:s9+$0x0] =	vst v10  }
0x97: {  	v10 =	vld [tilespmem:s5+$0x18750];
	_ =	sdelay $0x3  }
0x98: {  	s19 =	simm.s32 $0x20  }
0x99: {  	v11 =	vmov s19;
	v10 =	vmul.u32 $0xC350, v10;
	_ =	sdelay $0x1  }
0x9a: {  	s3 =	sadd.s32 $0x10, s3;
	v9 =	vadd.s32 v9, v10  }
0x9b: {  	[tilespmem:s3+$0x0] =	vst v9;
	s3 =	simm.s32 $0x200  }
0x9c: {  	[tilespmem:s24], [sflag:$0x1] =	stream.indirect.gather [spmem:s6], $0x1, s23, s3, $0xb8;
	[tilespmem:$0x1FB50] =	vst v63  }
0x9d: {  	v9 =	vld.idx.msk [tilespmem:v11+s17+$0x0], $0xffff;
	_ =	sdelay $0x5  }
0x9e: {  	s12 =	simm.s32 $0x1C150  }
0x9f: {  	[tilespmem:s12+$0x0] =	vst v9  }
0xa0: {  	v10 =	vld.idx.msk [tilespmem:v9+s16+$0x0], $0xffff;
	_ =	sdelay $0x2  }
0xa1: {  	s20 =	simm.s32 $0x1000  }
0xa2: {  	s8 =	sand.u32 $0x1C00, s20;
	s5 =	simm.s32 $0x1E150;
	s22 =	sand.u32 $0x70, s3  }
0xa3: {  	s8 =	sor.u32 s22, s8;
	[tilespmem:s5+$0x0] =	vst v10  }
0xa4: {  	v11 =	vld [tilespmem:s8+$0x18750];
	_ =	sdelay $0x2  }
0xa5: {  	s19 =	simm.s32 $0x21  }
0xa6: {  	s18 =	simm.s32 $0x1080;
	s20 =	simm.s32 $0x1100;
	v10 =	vmov s19  }
.LBB2_8:
0xa7: {  	p1 =	sne.s32 s20, $0x1F80;
	v11 =	vmul.u32 $0xC350, v11;
	_ =	sdelay $0x1  }
0xa8: {  	s8 =	sand.u32 $0x3F0, s3;
	v9 =	vadd.s32 v9, v11  }
0xa9: {  	[tilespmem:s8+$0x1B750] =	vst v9  }
0xaa: {  	v9 =	vld.idx.msk [tilespmem:v10+s17+$0x0], $0xffff;
	_ =	sdelay $0x5  }
0xab: {  	s12 =	sadd.s32 $0x10, s12  }
0xac: {  	[tilespmem:s12+$0x0] =	vst v9  }
0xad: {  	v10 =	vld.idx.msk [tilespmem:v9+s16+$0x0], $0xffff;
	_ =	sdelay $0x3  }
0xae: {  	s3 =	sadd.s32 $0x10, s3  }
0xaf: {  	s9 =	sand.u32 $0x1C00, s18;
	s5 =	sadd.s32 $0x10, s5;
	s8 =	sand.u32 $0x70, s3  }
0xb0: {  	s18 =	smov.u32 s20;
	s8 =	sor.u32 s8, s9;
	[tilespmem:s5+$0x0] =	vst v10  }
.Ltmp7:
0xb1: {  	v11 =	vld [tilespmem:s8+$0x18750];
	(pc) =	sbr.rel @p1 .LBB2_8-.Ltmp7, $3  }
0xb2: {  	_ =	sdelay $0x1  }
0xb3: {  	s19 =	sadd.s32 $0x1, s19  }
0xb4: {  	s20 =	sadd.s32 $0x80, s20;
	v10 =	vmov s19  }
0xb5: {  	v11 =	vmul.u32 $0xC350, v11;
	_ =	sdelay $0x1  }
0xb6: {  	s8 =	sand.u32 $0x3F0, s3;
	v9 =	vadd.s32 v9, v11  }
0xb7: {  	[tilespmem:s8+$0x1B750] =	vst v9  }
0xb8: {  	v9 =	vld.idx.msk [tilespmem:v10+s17+$0x0], $0xffff;
	_ =	sdelay $0x5  }
0xb9: {  	s12 =	sadd.s32 $0x10, s12  }
0xba: {  	[tilespmem:s12+$0x0] =	vst v9  }
0xbb: {  	v10 =	vld.idx.msk [tilespmem:v9+s16+$0x0], $0xffff;
	_ =	sdelay $0x2  }
0xbc: {  	s19 =	sadd.s32 $0x10, s3  }
0xbd: {  	s9 =	sand.u32 $0x1C00, s18;
	s5 =	sadd.s32 $0x10, s5;
	s20 =	sand.u32 $0x70, s19  }
0xbe: {  	s22 =	sor.u32 s20, s9;
	[tilespmem:s5+$0x0] =	vst v10  }
0xbf: {  	v10 =	vld [tilespmem:s22+$0x18750];
	_ =	sdelay $0x4  }
0xc0: {  	v10 =	vmul.u32 $0xC350, v10  }
0xc1: {  	s12 =	sand.u32 $0x50, s1  }
0xc2: {  	s3 =	sand.u32 $0x3F0, s19;
	s5 =	sadd.s32 $0x0, s12;
	v9 =	vadd.s32 v9, v10  }
0xc3: {  	[tilespmem:s3+$0x1B750] =	vst v9;
	v9 =	vor.u32 s5, v2  }
0xc4: {  	[tilespmem:s28], [sflag:$0x2] =	stream.indirect.gather [spmem:s6], $0x1, s26, s25, $0xb8;
	[tilespmem:$0x1FB50] =	vst v63  }
0xc5: {  	_ =	swait.ge [sflag:s29], $0x200  }
0xc6: {  	[sflag:s29] =	ssyncset.done $0x0  }
0xc7: {  	[sflag:s29] =	ssyncadd.s32 $0xFFFFFE00  }
0xc8: {  	s8 =	simm.s32 $0x1BB50;
	v9 =	vld.idx.msk [tilespmem:v9+s21+$0x0], $0xffff  }
0xc9: {  	v10 =	vld [tilespmem:s8+$0x0];
	_ =	sdelay $0x4  }
0xca: {  	s1 =	simm.s32 $0x0;
	vm1 =	vgt.s32 v9, $0x0  }
0xcb: {  	s9 =	sand.u32 $0x1F0, s1;
	v9 =	vnsel vm1, $0xFFFFFFFF, v10  }
0xcc: {  	[tilespmem:s9+$0x1C350] =	vst v9  }
0xcd: {  	v9 =	vld.idx.msk [tilespmem:v10+s16+$0x0], $0xffff;
	_ =	sdelay $0x4  }
0xce: {  	s10 =	simm.s32 $0x1DF50;
	s18 =	sand.u32 $0x70, s1;
	s19 =	sand.u32 $0xC00, s1;
	v9 =	vnsel vm1, $0x0, v9  }
0xcf: {  	s20 =	sor.u32 s18, s19;
	[tilespmem:s10+$0x0] =	vst.add.f32.msk $0xffff, v9  }
0xd0: {  	v9 =	vld [tilespmem:s20+$0x187D0];
	_ =	sdelay $0x3  }
0xd1: {  	s22 =	sadd.s32 $0x1, s12  }
0xd2: {  	v11 =	vmul.u32 $0xC350, v9;
	v9 =	vor.u32 s22, v2  }
0xd3: {  	s19 =	simm.s32 $0x1B750;
	s18 =	simm.s32 $0x1BB60;
	s5 =	simm.s32 $0x1DF60  }
0xd4: {  	s3 =	simm.s32 $0x1B760;
	s8 =	simm.s32 $0x2;
	s20 =	simm.s32 $0x0;
	v10 =	vadd.s32 v10, v11  }
.LBB2_10:
0xd5: {  	s1 =	sadd.s32 $0x80, s1;
	s20 =	sadd.s32 $0x10, s20  }
0xd6: {  	[tilespmem:s19+$0x0] =	vst v10;
	s9 =	smov.u32 s8;
	s10 =	sadd.s32 $0x1, s8;
	s19 =	smov.u32 s3  }
0xd7: {  	p1 =	sne.s32 s8, $0x1F;
	v9 =	vld.idx.msk [tilespmem:v9+s21+$0x0], $0xffff  }
0xd8: {  	v10 =	vld [tilespmem:s18+$0x0];
	_ =	sdelay $0x4  }
0xd9: {  	vm1 =	vgt.s32 v9, $0x0  }
0xda: {  	s8 =	sand.u32 $0x1F0, s20;
	v9 =	vnsel vm1, $0xFFFFFFFF, v10  }
0xdb: {  	[tilespmem:s8+$0x1C350] =	vst v9  }
0xdc: {  	v9 =	vld.idx.msk [tilespmem:v10+s16+$0x0], $0xffff;
	_ =	sdelay $0x5  }
0xdd: {  	s22 =	sand.u32 $0xC00, s1;
	s8 =	sand.u32 $0x70, s20;
	v9 =	vnsel vm1, $0x0, v9  }
0xde: {  	s8 =	sor.u32 s8, s22;
	[tilespmem:s5+$0x0] =	vst.add.f32.msk $0xffff, v9  }
0xdf: {  	v11 =	vld [tilespmem:s8+$0x187D0];
	_ =	sdelay $0x2  }
.Ltmp8:
0xe0: {  	s8 =	sadd.s32 s12, s9;
	(pc) =	sbr.rel @p1 .LBB2_10-.Ltmp8, $4  }
0xe1: {  	v9 =	vor.u32 s8, v2  }
0xe2: {  	v11 =	vmul.u32 $0xC350, v11  }
0xe3: {  	s3 =	sadd.s32 $0x10, s3  }
0xe4: {  	s18 =	sadd.s32 $0x10, s18;
	s5 =	sadd.s32 $0x10, s5;
	s8 =	smov.u32 s10;
	v10 =	vadd.s32 v10, v11  }
0xe5: {  	_ =	sdelay $0x2  }
0xe6: {  	[tilespmem:s19+$0x0] =	vst v10  }
0xe7: {  	v9 =	vld.idx.msk [tilespmem:v9+s21+$0x0], $0xffff  }
0xe8: {  	v10 =	vld [tilespmem:s18+$0x0];
	_ =	sdelay $0x4  }
0xe9: {  	s8 =	sadd.s32 $0x10, s20;
	vm1 =	vgt.s32 v9, $0x0  }
0xea: {  	s9 =	sand.u32 $0x1F0, s8;
	v9 =	vnsel vm1, $0xFFFFFFFF, v10  }
0xeb: {  	[tilespmem:s9+$0x1C350] =	vst v9  }
0xec: {  	v9 =	vld.idx.msk [tilespmem:v10+s16+$0x0], $0xffff;
	_ =	sdelay $0x3  }
0xed: {  	s1 =	sadd.s32 $0x80, s1  }
0xee: {  	s8 =	sand.u32 $0x70, s8;
	s1 =	sand.u32 $0xC00, s1;
	v9 =	vnsel vm1, $0x0, v9  }
0xef: {  	s1 =	sor.u32 s8, s1;
	[tilespmem:s5+$0x0] =	vst.add.f32.msk $0xffff, v9  }
0xf0: {  	v9 =	vld [tilespmem:s1+$0x187D0];
	_ =	sdelay $0x2  }
0xf1: {  	s19 =	sadd.s32 $0x20, s12  }
0xf2: {  	v11 =	vmov s19  }
0xf3: {  	v12 =	vshll.u32 v11, $0x3;
	v9 =	vmul.u32 $0xC350, v9  }
0xf4: {  	v11 =	vand.u32 $0x7F, v11;
	v12 =	vand.u32 $0x7FFFFC00, v12  }
0xf5: {  	v9 =	vadd.s32 v10, v9;
	v10 =	vor.u32 v11, v12  }
0xf6: {  	s1 =	simm.s32 $0x200;
	[tilespmem:s3+$0x0] =	vst v9;
	v9 =	vadd.s32 v2, v10  }
0xf7: {  	[tilespmem:s24], [sflag:$0x1] =	stream.indirect.gather [spmem:s6], $0x1, s23, s1, $0xb8;
	[tilespmem:$0x1FB50] =	vst v63  }
0xf8: {  	_ =	swait.ge [sflag:s30], $0x200  }
0xf9: {  	[sflag:s30] =	ssyncset.done $0x0  }
0xfa: {  	[sflag:s30] =	ssyncadd.s32 $0xFFFFFE00  }
0xfb: {  	s18 =	sand.u32 $0x3F0, s1;
	v10 =	vld.idx.msk [tilespmem:v9+s21+$0x0], $0xffff  }
0xfc: {  	v9 =	vld [tilespmem:s18+$0x1BB50];
	_ =	sdelay $0x4  }
0xfd: {  	vm1 =	vgt.s32 v10, $0x0  }
0xfe: {  	v10 =	vnsel vm1, $0xFFFFFFFF, v9  }
0xff: {  	[tilespmem:s18+$0x1C350] =	vst v10  }
0x100: {  	v10 =	vld.idx.msk [tilespmem:v9+s16+$0x0], $0xffff;
	_ =	sdelay $0x2  }
0x101: {  	s20 =	simm.s32 $0x1000  }
0x102: {  	s19 =	simm.s32 $0x21;
	s10 =	sand.u32 $0x1C00, s20  }
0x103: {  	s20 =	simm.s32 $0x1100;
	s22 =	sand.u32 $0x70, s1;
	s3 =	simm.s32 $0x1E150;
	v10 =	vnsel vm1, $0x0, v10  }
0x104: {  	s8 =	sadd.s32 $0x21, s12;
	s5 =	simm.s32 $0x1080;
	s9 =	sor.u32 s22, s10;
	[tilespmem:s3+$0x0] =	vst.add.f32.msk $0xffff, v10  }
.LBB2_12:
0x105: {  	p1 =	sne.s32 s20, $0x1F80;
	v10 =	vmov s8;
	v11 =	vld [tilespmem:s9+$0x187D0];
	s8 =	smov.u32 s5;
	s5 =	smov.u32 s20  }
0x106: {  	v12 =	vshll.u32 v10, $0x3  }
0x107: {  	v10 =	vand.u32 $0x7F, v10;
	v12 =	vand.u32 $0x7FFFFC00, v12  }
0x108: {  	v10 =	vor.u32 v10, v12  }
0x109: {  	v10 =	vadd.s32 v2, v10  }
0x10a: {  	v11 =	vmul.u32 $0xC350, v11;
	_ =	sdelay $0x1  }
0x10b: {  	v9 =	vadd.s32 v9, v11  }
0x10c: {  	s1 =	sadd.s32 $0x10, s1;
	[tilespmem:s18+$0x1B750] =	vst v9  }
0x10d: {  	s18 =	sand.u32 $0x3F0, s1;
	v10 =	vld.idx.msk [tilespmem:v10+s21+$0x0], $0xffff  }
0x10e: {  	v9 =	vld [tilespmem:s18+$0x1BB50];
	_ =	sdelay $0x4  }
0x10f: {  	vm1 =	vgt.s32 v10, $0x0  }
0x110: {  	v10 =	vnsel vm1, $0xFFFFFFFF, v9  }
0x111: {  	[tilespmem:s18+$0x1C350] =	vst v10  }
0x112: {  	v10 =	vld.idx.msk [tilespmem:v9+s16+$0x0], $0xffff;
	_ =	sdelay $0x2  }
.Ltmp9:
0x113: {  	(pc) =	sbr.rel @p1 .LBB2_12-.Ltmp9, $4  }
0x114: {  	_ = 	snop  }
0x115: {  	s19 =	sadd.s32 $0x1, s19  }
0x116: {  	s3 =	sadd.s32 $0x10, s3;
	s9 =	sand.u32 $0x70, s1;
	s10 =	sand.u32 $0x1C00, s8;
	v10 =	vnsel vm1, $0x0, v10  }
0x117: {  	s20 =	sadd.s32 $0x80, s20;
	s8 =	sadd.s32 s12, s19;
	s9 =	sor.u32 s9, s10;
	[tilespmem:s3+$0x0] =	vst.add.f32.msk $0xffff, v10  }
0x118: {  	v10 =	vmov s8;
	v11 =	vld [tilespmem:s9+$0x187D0]  }
0x119: {  	v12 =	vshll.u32 v10, $0x3  }
0x11a: {  	v10 =	vand.u32 $0x7F, v10;
	v12 =	vand.u32 $0x7FFFFC00, v12  }
0x11b: {  	v10 =	vor.u32 v10, v12  }
0x11c: {  	v10 =	vadd.s32 v2, v10  }
0x11d: {  	v11 =	vmul.u32 $0xC350, v11;
	_ =	sdelay $0x1  }
0x11e: {  	v9 =	vadd.s32 v9, v11  }
0x11f: {  	s1 =	sadd.s32 $0x10, s1;
	[tilespmem:s18+$0x1B750] =	vst v9  }
0x120: {  	s22 =	sand.u32 $0x3F0, s1;
	v9 =	vld.idx.msk [tilespmem:v10+s21+$0x0], $0xffff  }
0x121: {  	v10 =	vld [tilespmem:s22+$0x1BB50];
	_ =	sdelay $0x4  }
0x122: {  	vm1 =	vgt.s32 v9, $0x0  }
0x123: {  	v9 =	vnsel vm1, $0xFFFFFFFF, v10  }
0x124: {  	[tilespmem:s22+$0x1C350] =	vst v9  }
0x125: {  	v9 =	vld.idx.msk [tilespmem:v10+s16+$0x0], $0xffff;
	_ =	sdelay $0x4  }
0x126: {  	s5 =	sand.u32 $0x1C00, s5;
	s3 =	sadd.s32 $0x10, s3;
	s1 =	sand.u32 $0x70, s1;
	v9 =	vnsel vm1, $0x0, v9  }
0x127: {  	s1 =	sor.u32 s1, s5;
	[tilespmem:s3+$0x0] =	vst.add.f32.msk $0xffff, v9  }
0x128: {  	v9 =	vld [tilespmem:s1+$0x187D0];
	_ =	sdelay $0x4  }
0x129: {  	v9 =	vmul.u32 $0xC350, v9;
	_ =	sdelay $0x1  }
0x12a: {  	s5 =	sadd.s32 $0x0, s12;
	v9 =	vadd.s32 v10, v9  }
0x12b: {  	[tilespmem:s22+$0x1B750] =	vst v9;
	v9 =	vor.u32 s5, v2  }
0x12c: {  	[tilespmem:s28], [sflag:$0x2] =	stream.indirect.gather [spmem:s6], $0x1, s26, s25, $0xb8;
	[tilespmem:$0x1FB50] =	vst v63  }
0x12d: {  	_ =	swait.ge [sflag:s29], $0x200  }
0x12e: {  	[sflag:s29] =	ssyncset.done $0x0  }
0x12f: {  	[sflag:s29] =	ssyncadd.s32 $0xFFFFFE00  }
0x130: {  	s8 =	simm.s32 $0x1BB50;
	v9 =	vld.idx.msk [tilespmem:v9+s21+$0x0], $0xffff  }
0x131: {  	v10 =	vld [tilespmem:s8+$0x0];
	_ =	sdelay $0x4  }
0x132: {  	s1 =	simm.s32 $0x0;
	vm1 =	vgt.s32 v9, $0x1  }
0x133: {  	s9 =	sand.u32 $0x1F0, s1;
	v9 =	vnsel vm1, $0xFFFFFFFF, v10  }
0x134: {  	[tilespmem:s9+$0x1C750] =	vst v9  }
0x135: {  	v9 =	vld.idx.msk [tilespmem:v10+s16+$0x0], $0xffff;
	_ =	sdelay $0x4  }
0x136: {  	s10 =	simm.s32 $0x1DF50;
	s18 =	sand.u32 $0x70, s1;
	s19 =	sand.u32 $0xC00, s1;
	v9 =	vnsel vm1, $0x0, v9  }
0x137: {  	s20 =	sor.u32 s18, s19;
	[tilespmem:s10+$0x0] =	vst.add.f32.msk $0xffff, v9  }
0x138: {  	v9 =	vld [tilespmem:s20+$0x18850];
	_ =	sdelay $0x3  }
0x139: {  	s22 =	sadd.s32 $0x1, s12  }
0x13a: {  	v11 =	vmul.u32 $0xC350, v9;
	v9 =	vor.u32 s22, v2  }
0x13b: {  	s3 =	simm.s32 $0x1B760;
	s19 =	simm.s32 $0x1B750;
	s18 =	simm.s32 $0x1BB60  }
0x13c: {  	s5 =	simm.s32 $0x1DF60;
	s8 =	simm.s32 $0x2;
	s20 =	simm.s32 $0x0;
	v10 =	vadd.s32 v10, v11  }
.LBB2_14:
0x13d: {  	s1 =	sadd.s32 $0x80, s1;
	s20 =	sadd.s32 $0x10, s20  }
0x13e: {  	[tilespmem:s19+$0x0] =	vst v10;
	s9 =	smov.u32 s8;
	s10 =	sadd.s32 $0x1, s8;
	s19 =	smov.u32 s3  }
0x13f: {  	p1 =	sne.s32 s8, $0x1F;
	v9 =	vld.idx.msk [tilespmem:v9+s21+$0x0], $0xffff  }
0x140: {  	v10 =	vld [tilespmem:s18+$0x0];
	_ =	sdelay $0x4  }
0x141: {  	vm1 =	vgt.s32 v9, $0x1  }
0x142: {  	s8 =	sand.u32 $0x1F0, s20;
	v9 =	vnsel vm1, $0xFFFFFFFF, v10  }
0x143: {  	[tilespmem:s8+$0x1C750] =	vst v9  }
0x144: {  	v9 =	vld.idx.msk [tilespmem:v10+s16+$0x0], $0xffff;
	_ =	sdelay $0x5  }
0x145: {  	s22 =	sand.u32 $0xC00, s1;
	s8 =	sand.u32 $0x70, s20;
	v9 =	vnsel vm1, $0x0, v9  }
0x146: {  	s8 =	sor.u32 s8, s22;
	[tilespmem:s5+$0x0] =	vst.add.f32.msk $0xffff, v9  }
0x147: {  	v11 =	vld [tilespmem:s8+$0x18850];
	_ =	sdelay $0x2  }
.Ltmp10:
0x148: {  	s8 =	sadd.s32 s12, s9;
	(pc) =	sbr.rel @p1 .LBB2_14-.Ltmp10, $4  }
0x149: {  	v9 =	vor.u32 s8, v2  }
0x14a: {  	v11 =	vmul.u32 $0xC350, v11  }
0x14b: {  	s3 =	sadd.s32 $0x10, s3  }
0x14c: {  	s18 =	sadd.s32 $0x10, s18;
	s5 =	sadd.s32 $0x10, s5;
	s8 =	smov.u32 s10;
	v10 =	vadd.s32 v10, v11  }
0x14d: {  	_ =	sdelay $0x2  }
0x14e: {  	[tilespmem:s19+$0x0] =	vst v10  }
0x14f: {  	v9 =	vld.idx.msk [tilespmem:v9+s21+$0x0], $0xffff  }
0x150: {  	v10 =	vld [tilespmem:s18+$0x0];
	_ =	sdelay $0x4  }
0x151: {  	s8 =	sadd.s32 $0x10, s20;
	vm1 =	vgt.s32 v9, $0x1  }
0x152: {  	s9 =	sand.u32 $0x1F0, s8;
	v9 =	vnsel vm1, $0xFFFFFFFF, v10  }
0x153: {  	[tilespmem:s9+$0x1C750] =	vst v9  }
0x154: {  	v9 =	vld.idx.msk [tilespmem:v10+s16+$0x0], $0xffff;
	_ =	sdelay $0x3  }
0x155: {  	s1 =	sadd.s32 $0x80, s1  }
0x156: {  	s8 =	sand.u32 $0x70, s8;
	s1 =	sand.u32 $0xC00, s1;
	v9 =	vnsel vm1, $0x0, v9  }
0x157: {  	s1 =	sor.u32 s8, s1;
	[tilespmem:s5+$0x0] =	vst.add.f32.msk $0xffff, v9  }
0x158: {  	v9 =	vld [tilespmem:s1+$0x18850];
	_ =	sdelay $0x2  }
0x159: {  	s19 =	sadd.s32 $0x20, s12  }
0x15a: {  	v11 =	vmov s19  }
0x15b: {  	v12 =	vshll.u32 v11, $0x3;
	v9 =	vmul.u32 $0xC350, v9  }
0x15c: {  	v11 =	vand.u32 $0x7F, v11;
	v12 =	vand.u32 $0x7FFFFC00, v12  }
0x15d: {  	v9 =	vadd.s32 v10, v9;
	v10 =	vor.u32 v11, v12  }
0x15e: {  	s1 =	simm.s32 $0x200;
	[tilespmem:s3+$0x0] =	vst v9;
	v9 =	vadd.s32 v2, v10  }
0x15f: {  	[tilespmem:s24], [sflag:$0x1] =	stream.indirect.gather [spmem:s6], $0x1, s23, s1, $0xb8;
	[tilespmem:$0x1FB50] =	vst v63  }
0x160: {  	_ =	swait.ge [sflag:s30], $0x200  }
0x161: {  	[sflag:s30] =	ssyncset.done $0x0  }
0x162: {  	[sflag:s30] =	ssyncadd.s32 $0xFFFFFE00  }
0x163: {  	s18 =	sand.u32 $0x3F0, s1;
	v10 =	vld.idx.msk [tilespmem:v9+s21+$0x0], $0xffff  }
0x164: {  	v9 =	vld [tilespmem:s18+$0x1BB50];
	_ =	sdelay $0x4  }
0x165: {  	vm1 =	vgt.s32 v10, $0x1  }
0x166: {  	v10 =	vnsel vm1, $0xFFFFFFFF, v9  }
0x167: {  	[tilespmem:s18+$0x1C750] =	vst v10  }
0x168: {  	v10 =	vld.idx.msk [tilespmem:v9+s16+$0x0], $0xffff;
	_ =	sdelay $0x2  }
0x169: {  	s20 =	simm.s32 $0x1000  }
0x16a: {  	s19 =	simm.s32 $0x21;
	s10 =	sand.u32 $0x1C00, s20  }
0x16b: {  	s20 =	simm.s32 $0x1100;
	s22 =	sand.u32 $0x70, s1;
	s3 =	simm.s32 $0x1E150;
	v10 =	vnsel vm1, $0x0, v10  }
0x16c: {  	s8 =	sadd.s32 $0x21, s12;
	s5 =	simm.s32 $0x1080;
	s9 =	sor.u32 s22, s10;
	[tilespmem:s3+$0x0] =	vst.add.f32.msk $0xffff, v10  }
.LBB2_16:
0x16d: {  	p1 =	sne.s32 s20, $0x1F80;
	v10 =	vmov s8;
	v11 =	vld [tilespmem:s9+$0x18850];
	s8 =	smov.u32 s5;
	s5 =	smov.u32 s20  }
0x16e: {  	v12 =	vshll.u32 v10, $0x3  }
0x16f: {  	v10 =	vand.u32 $0x7F, v10;
	v12 =	vand.u32 $0x7FFFFC00, v12  }
0x170: {  	v10 =	vor.u32 v10, v12  }
0x171: {  	v10 =	vadd.s32 v2, v10  }
0x172: {  	v11 =	vmul.u32 $0xC350, v11;
	_ =	sdelay $0x1  }
0x173: {  	v9 =	vadd.s32 v9, v11  }
0x174: {  	s1 =	sadd.s32 $0x10, s1;
	[tilespmem:s18+$0x1B750] =	vst v9  }
0x175: {  	s18 =	sand.u32 $0x3F0, s1;
	v10 =	vld.idx.msk [tilespmem:v10+s21+$0x0], $0xffff  }
0x176: {  	v9 =	vld [tilespmem:s18+$0x1BB50];
	_ =	sdelay $0x4  }
0x177: {  	vm1 =	vgt.s32 v10, $0x1  }
0x178: {  	v10 =	vnsel vm1, $0xFFFFFFFF, v9  }
0x179: {  	[tilespmem:s18+$0x1C750] =	vst v10  }
0x17a: {  	v10 =	vld.idx.msk [tilespmem:v9+s16+$0x0], $0xffff;
	_ =	sdelay $0x2  }
.Ltmp11:
0x17b: {  	(pc) =	sbr.rel @p1 .LBB2_16-.Ltmp11, $4  }
0x17c: {  	_ = 	snop  }
0x17d: {  	s19 =	sadd.s32 $0x1, s19  }
0x17e: {  	s3 =	sadd.s32 $0x10, s3;
	s9 =	sand.u32 $0x70, s1;
	s10 =	sand.u32 $0x1C00, s8;
	v10 =	vnsel vm1, $0x0, v10  }
0x17f: {  	s20 =	sadd.s32 $0x80, s20;
	s8 =	sadd.s32 s12, s19;
	s9 =	sor.u32 s9, s10;
	[tilespmem:s3+$0x0] =	vst.add.f32.msk $0xffff, v10  }
0x180: {  	v10 =	vmov s8;
	v11 =	vld [tilespmem:s9+$0x18850]  }
0x181: {  	v12 =	vshll.u32 v10, $0x3  }
0x182: {  	v10 =	vand.u32 $0x7F, v10;
	v12 =	vand.u32 $0x7FFFFC00, v12  }
0x183: {  	v10 =	vor.u32 v10, v12  }
0x184: {  	v10 =	vadd.s32 v2, v10  }
0x185: {  	v11 =	vmul.u32 $0xC350, v11;
	_ =	sdelay $0x1  }
0x186: {  	v9 =	vadd.s32 v9, v11  }
0x187: {  	s1 =	sadd.s32 $0x10, s1;
	[tilespmem:s18+$0x1B750] =	vst v9  }
0x188: {  	s22 =	sand.u32 $0x3F0, s1;
	v9 =	vld.idx.msk [tilespmem:v10+s21+$0x0], $0xffff  }
0x189: {  	v10 =	vld [tilespmem:s22+$0x1BB50];
	_ =	sdelay $0x4  }
0x18a: {  	vm1 =	vgt.s32 v9, $0x1  }
0x18b: {  	v9 =	vnsel vm1, $0xFFFFFFFF, v10  }
0x18c: {  	[tilespmem:s22+$0x1C750] =	vst v9  }
0x18d: {  	v9 =	vld.idx.msk [tilespmem:v10+s16+$0x0], $0xffff;
	_ =	sdelay $0x4  }
0x18e: {  	s5 =	sand.u32 $0x1C00, s5;
	s3 =	sadd.s32 $0x10, s3;
	s1 =	sand.u32 $0x70, s1;
	v9 =	vnsel vm1, $0x0, v9  }
0x18f: {  	s1 =	sor.u32 s1, s5;
	[tilespmem:s3+$0x0] =	vst.add.f32.msk $0xffff, v9  }
0x190: {  	v9 =	vld [tilespmem:s1+$0x18850];
	_ =	sdelay $0x4  }
0x191: {  	v9 =	vmul.u32 $0xC350, v9;
	_ =	sdelay $0x1  }
0x192: {  	s5 =	sadd.s32 $0x0, s12;
	v9 =	vadd.s32 v10, v9  }
0x193: {  	[tilespmem:s22+$0x1B750] =	vst v9;
	v9 =	vor.u32 s5, v2  }
0x194: {  	[tilespmem:s28], [sflag:$0x2] =	stream.indirect.gather [spmem:s6], $0x1, s26, s25, $0xb8;
	[tilespmem:$0x1FB50] =	vst v63  }
0x195: {  	_ =	swait.ge [sflag:s29], $0x200  }
0x196: {  	[sflag:s29] =	ssyncset.done $0x0  }
0x197: {  	[sflag:s29] =	ssyncadd.s32 $0xFFFFFE00  }
0x198: {  	s8 =	simm.s32 $0x1BB50;
	v9 =	vld.idx.msk [tilespmem:v9+s21+$0x0], $0xffff  }
0x199: {  	v10 =	vld [tilespmem:s8+$0x0];
	_ =	sdelay $0x4  }
0x19a: {  	s1 =	simm.s32 $0x0;
	vm1 =	vgt.s32 v9, $0x2  }
0x19b: {  	s9 =	sand.u32 $0x1F0, s1;
	v9 =	vnsel vm1, $0xFFFFFFFF, v10  }
0x19c: {  	[tilespmem:s9+$0x1CB50] =	vst v9  }
0x19d: {  	v9 =	vld.idx.msk [tilespmem:v10+s16+$0x0], $0xffff;
	_ =	sdelay $0x4  }
0x19e: {  	s10 =	simm.s32 $0x1DF50;
	s18 =	sand.u32 $0x70, s1;
	s19 =	sand.u32 $0xC00, s1;
	v9 =	vnsel vm1, $0x0, v9  }
0x19f: {  	s20 =	sor.u32 s18, s19;
	[tilespmem:s10+$0x0] =	vst.add.f32.msk $0xffff, v9  }
0x1a0: {  	v9 =	vld [tilespmem:s20+$0x188D0];
	_ =	sdelay $0x3  }
0x1a1: {  	s22 =	sadd.s32 $0x1, s12  }
0x1a2: {  	v11 =	vmul.u32 $0xC350, v9;
	v9 =	vor.u32 s22, v2  }
0x1a3: {  	s3 =	simm.s32 $0x1B760;
	s19 =	simm.s32 $0x1B750;
	s18 =	simm.s32 $0x1BB60  }
0x1a4: {  	s5 =	simm.s32 $0x1DF60;
	s8 =	simm.s32 $0x2;
	s20 =	simm.s32 $0x0;
	v10 =	vadd.s32 v10, v11  }
.LBB2_18:
0x1a5: {  	s1 =	sadd.s32 $0x80, s1;
	s20 =	sadd.s32 $0x10, s20  }
0x1a6: {  	[tilespmem:s19+$0x0] =	vst v10;
	s9 =	smov.u32 s8;
	s10 =	sadd.s32 $0x1, s8;
	s19 =	smov.u32 s3  }
0x1a7: {  	p1 =	sne.s32 s8, $0x1F;
	v9 =	vld.idx.msk [tilespmem:v9+s21+$0x0], $0xffff  }
0x1a8: {  	v10 =	vld [tilespmem:s18+$0x0];
	_ =	sdelay $0x4  }
0x1a9: {  	vm1 =	vgt.s32 v9, $0x2  }
0x1aa: {  	s8 =	sand.u32 $0x1F0, s20;
	v9 =	vnsel vm1, $0xFFFFFFFF, v10  }
0x1ab: {  	[tilespmem:s8+$0x1CB50] =	vst v9  }
0x1ac: {  	v9 =	vld.idx.msk [tilespmem:v10+s16+$0x0], $0xffff;
	_ =	sdelay $0x5  }
0x1ad: {  	s22 =	sand.u32 $0xC00, s1;
	s8 =	sand.u32 $0x70, s20;
	v9 =	vnsel vm1, $0x0, v9  }
0x1ae: {  	s8 =	sor.u32 s8, s22;
	[tilespmem:s5+$0x0] =	vst.add.f32.msk $0xffff, v9  }
0x1af: {  	v11 =	vld [tilespmem:s8+$0x188D0];
	_ =	sdelay $0x2  }
.Ltmp12:
0x1b0: {  	s8 =	sadd.s32 s12, s9;
	(pc) =	sbr.rel @p1 .LBB2_18-.Ltmp12, $4  }
0x1b1: {  	v9 =	vor.u32 s8, v2  }
0x1b2: {  	v11 =	vmul.u32 $0xC350, v11  }
0x1b3: {  	s3 =	sadd.s32 $0x10, s3  }
0x1b4: {  	s18 =	sadd.s32 $0x10, s18;
	s5 =	sadd.s32 $0x10, s5;
	s8 =	smov.u32 s10;
	v10 =	vadd.s32 v10, v11  }
0x1b5: {  	_ =	sdelay $0x2  }
0x1b6: {  	[tilespmem:s19+$0x0] =	vst v10  }
0x1b7: {  	v9 =	vld.idx.msk [tilespmem:v9+s21+$0x0], $0xffff  }
0x1b8: {  	v10 =	vld [tilespmem:s18+$0x0];
	_ =	sdelay $0x4  }
0x1b9: {  	s8 =	sadd.s32 $0x10, s20;
	vm1 =	vgt.s32 v9, $0x2  }
0x1ba: {  	s9 =	sand.u32 $0x1F0, s8;
	v9 =	vnsel vm1, $0xFFFFFFFF, v10  }
0x1bb: {  	[tilespmem:s9+$0x1CB50] =	vst v9  }
0x1bc: {  	v9 =	vld.idx.msk [tilespmem:v10+s16+$0x0], $0xffff;
	_ =	sdelay $0x3  }
0x1bd: {  	s1 =	sadd.s32 $0x80, s1  }
0x1be: {  	s8 =	sand.u32 $0x70, s8;
	s1 =	sand.u32 $0xC00, s1;
	v9 =	vnsel vm1, $0x0, v9  }
0x1bf: {  	s1 =	sor.u32 s8, s1;
	[tilespmem:s5+$0x0] =	vst.add.f32.msk $0xffff, v9  }
0x1c0: {  	v9 =	vld [tilespmem:s1+$0x188D0];
	_ =	sdelay $0x2  }
0x1c1: {  	s19 =	sadd.s32 $0x20, s12  }
0x1c2: {  	v11 =	vmov s19  }
0x1c3: {  	v12 =	vshll.u32 v11, $0x3;
	v9 =	vmul.u32 $0xC350, v9  }
0x1c4: {  	v11 =	vand.u32 $0x7F, v11;
	v12 =	vand.u32 $0x7FFFFC00, v12  }
0x1c5: {  	v9 =	vadd.s32 v10, v9;
	v10 =	vor.u32 v11, v12  }
0x1c6: {  	s1 =	simm.s32 $0x200;
	[tilespmem:s3+$0x0] =	vst v9;
	v9 =	vadd.s32 v2, v10  }
0x1c7: {  	[tilespmem:s24], [sflag:$0x1] =	stream.indirect.gather [spmem:s6], $0x1, s23, s1, $0xb8;
	[tilespmem:$0x1FB50] =	vst v63  }
0x1c8: {  	_ =	swait.ge [sflag:s30], $0x200  }
0x1c9: {  	[sflag:s30] =	ssyncset.done $0x0  }
0x1ca: {  	[sflag:s30] =	ssyncadd.s32 $0xFFFFFE00  }
0x1cb: {  	s18 =	sand.u32 $0x3F0, s1;
	v10 =	vld.idx.msk [tilespmem:v9+s21+$0x0], $0xffff  }
0x1cc: {  	v9 =	vld [tilespmem:s18+$0x1BB50];
	_ =	sdelay $0x4  }
0x1cd: {  	vm1 =	vgt.s32 v10, $0x2  }
0x1ce: {  	v10 =	vnsel vm1, $0xFFFFFFFF, v9  }
0x1cf: {  	[tilespmem:s18+$0x1CB50] =	vst v10  }
0x1d0: {  	v10 =	vld.idx.msk [tilespmem:v9+s16+$0x0], $0xffff;
	_ =	sdelay $0x2  }
0x1d1: {  	s20 =	simm.s32 $0x1000  }
0x1d2: {  	s19 =	simm.s32 $0x21;
	s10 =	sand.u32 $0x1C00, s20  }
0x1d3: {  	s20 =	simm.s32 $0x1100;
	s22 =	sand.u32 $0x70, s1;
	s3 =	simm.s32 $0x1E150;
	v10 =	vnsel vm1, $0x0, v10  }
0x1d4: {  	s8 =	sadd.s32 $0x21, s12;
	s5 =	simm.s32 $0x1080;
	s9 =	sor.u32 s22, s10;
	[tilespmem:s3+$0x0] =	vst.add.f32.msk $0xffff, v10  }
.LBB2_20:
0x1d5: {  	p1 =	sne.s32 s20, $0x1F80;
	v10 =	vmov s8;
	v11 =	vld [tilespmem:s9+$0x188D0];
	s8 =	smov.u32 s5;
	s5 =	smov.u32 s20  }
0x1d6: {  	v12 =	vshll.u32 v10, $0x3  }
0x1d7: {  	v10 =	vand.u32 $0x7F, v10;
	v12 =	vand.u32 $0x7FFFFC00, v12  }
0x1d8: {  	v10 =	vor.u32 v10, v12  }
0x1d9: {  	v10 =	vadd.s32 v2, v10  }
0x1da: {  	v11 =	vmul.u32 $0xC350, v11;
	_ =	sdelay $0x1  }
0x1db: {  	v9 =	vadd.s32 v9, v11  }
0x1dc: {  	s1 =	sadd.s32 $0x10, s1;
	[tilespmem:s18+$0x1B750] =	vst v9  }
0x1dd: {  	s18 =	sand.u32 $0x3F0, s1;
	v10 =	vld.idx.msk [tilespmem:v10+s21+$0x0], $0xffff  }
0x1de: {  	v9 =	vld [tilespmem:s18+$0x1BB50];
	_ =	sdelay $0x4  }
0x1df: {  	vm1 =	vgt.s32 v10, $0x2  }
0x1e0: {  	v10 =	vnsel vm1, $0xFFFFFFFF, v9  }
0x1e1: {  	[tilespmem:s18+$0x1CB50] =	vst v10  }
0x1e2: {  	v10 =	vld.idx.msk [tilespmem:v9+s16+$0x0], $0xffff;
	_ =	sdelay $0x2  }
.Ltmp13:
0x1e3: {  	(pc) =	sbr.rel @p1 .LBB2_20-.Ltmp13, $4  }
0x1e4: {  	_ = 	snop  }
0x1e5: {  	s19 =	sadd.s32 $0x1, s19  }
0x1e6: {  	s3 =	sadd.s32 $0x10, s3;
	s9 =	sand.u32 $0x70, s1;
	s10 =	sand.u32 $0x1C00, s8;
	v10 =	vnsel vm1, $0x0, v10  }
0x1e7: {  	s20 =	sadd.s32 $0x80, s20;
	s8 =	sadd.s32 s12, s19;
	s9 =	sor.u32 s9, s10;
	[tilespmem:s3+$0x0] =	vst.add.f32.msk $0xffff, v10  }
0x1e8: {  	v10 =	vmov s8;
	v11 =	vld [tilespmem:s9+$0x188D0]  }
0x1e9: {  	v12 =	vshll.u32 v10, $0x3  }
0x1ea: {  	v10 =	vand.u32 $0x7F, v10;
	v12 =	vand.u32 $0x7FFFFC00, v12  }
0x1eb: {  	v10 =	vor.u32 v10, v12  }
0x1ec: {  	v10 =	vadd.s32 v2, v10  }
0x1ed: {  	v11 =	vmul.u32 $0xC350, v11;
	_ =	sdelay $0x1  }
0x1ee: {  	v9 =	vadd.s32 v9, v11  }
0x1ef: {  	s1 =	sadd.s32 $0x10, s1;
	[tilespmem:s18+$0x1B750] =	vst v9  }
0x1f0: {  	s22 =	sand.u32 $0x3F0, s1;
	v9 =	vld.idx.msk [tilespmem:v10+s21+$0x0], $0xffff  }
0x1f1: {  	v10 =	vld [tilespmem:s22+$0x1BB50];
	_ =	sdelay $0x4  }
0x1f2: {  	vm1 =	vgt.s32 v9, $0x2  }
0x1f3: {  	v9 =	vnsel vm1, $0xFFFFFFFF, v10  }
0x1f4: {  	[tilespmem:s22+$0x1CB50] =	vst v9  }
0x1f5: {  	v9 =	vld.idx.msk [tilespmem:v10+s16+$0x0], $0xffff;
	_ =	sdelay $0x4  }
0x1f6: {  	s5 =	sand.u32 $0x1C00, s5;
	s3 =	sadd.s32 $0x10, s3;
	s1 =	sand.u32 $0x70, s1;
	v9 =	vnsel vm1, $0x0, v9  }
0x1f7: {  	s1 =	sor.u32 s1, s5;
	[tilespmem:s3+$0x0] =	vst.add.f32.msk $0xffff, v9  }
0x1f8: {  	v9 =	vld [tilespmem:s1+$0x188D0];
	_ =	sdelay $0x4  }
0x1f9: {  	v9 =	vmul.u32 $0xC350, v9;
	_ =	sdelay $0x1  }
0x1fa: {  	s5 =	sadd.s32 $0x0, s12;
	v9 =	vadd.s32 v10, v9  }
0x1fb: {  	[tilespmem:s22+$0x1B750] =	vst v9;
	v9 =	vor.u32 s5, v2  }
0x1fc: {  	[tilespmem:s28], [sflag:$0x2] =	stream.indirect.gather [spmem:s6], $0x1, s26, s25, $0xb8;
	[tilespmem:$0x1FB50] =	vst v63  }
0x1fd: {  	_ =	swait.ge [sflag:s29], $0x200  }
0x1fe: {  	[sflag:s29] =	ssyncset.done $0x0  }
0x1ff: {  	[sflag:s29] =	ssyncadd.s32 $0xFFFFFE00  }
0x200: {  	s8 =	simm.s32 $0x1BB50;
	v9 =	vld.idx.msk [tilespmem:v9+s21+$0x0], $0xffff  }
0x201: {  	v10 =	vld [tilespmem:s8+$0x0];
	_ =	sdelay $0x4  }
0x202: {  	s1 =	simm.s32 $0x0;
	vm1 =	vgt.s32 v9, $0x3  }
0x203: {  	s9 =	sand.u32 $0x1F0, s1;
	v9 =	vnsel vm1, $0xFFFFFFFF, v10  }
0x204: {  	[tilespmem:s9+$0x1CF50] =	vst v9  }
0x205: {  	v9 =	vld.idx.msk [tilespmem:v10+s16+$0x0], $0xffff;
	_ =	sdelay $0x4  }
0x206: {  	s10 =	simm.s32 $0x1DF50;
	s18 =	sand.u32 $0x70, s1;
	s19 =	sand.u32 $0xC00, s1;
	v9 =	vnsel vm1, $0x0, v9  }
0x207: {  	s20 =	sor.u32 s18, s19;
	[tilespmem:s10+$0x0] =	vst.add.f32.msk $0xffff, v9  }
0x208: {  	v9 =	vld [tilespmem:s20+$0x18950];
	_ =	sdelay $0x3  }
0x209: {  	s22 =	sadd.s32 $0x1, s12  }
0x20a: {  	v11 =	vmul.u32 $0xC350, v9;
	v9 =	vor.u32 s22, v2  }
0x20b: {  	s3 =	simm.s32 $0x1B760;
	s19 =	simm.s32 $0x1B750;
	s18 =	simm.s32 $0x1BB60  }
0x20c: {  	s5 =	simm.s32 $0x1DF60;
	s8 =	simm.s32 $0x2;
	s20 =	simm.s32 $0x0;
	v10 =	vadd.s32 v10, v11  }
.LBB2_22:
0x20d: {  	s1 =	sadd.s32 $0x80, s1;
	s20 =	sadd.s32 $0x10, s20  }
0x20e: {  	[tilespmem:s19+$0x0] =	vst v10;
	s9 =	smov.u32 s8;
	s10 =	sadd.s32 $0x1, s8;
	s19 =	smov.u32 s3  }
0x20f: {  	p1 =	sne.s32 s8, $0x1F;
	v9 =	vld.idx.msk [tilespmem:v9+s21+$0x0], $0xffff  }
0x210: {  	v10 =	vld [tilespmem:s18+$0x0];
	_ =	sdelay $0x4  }
0x211: {  	vm1 =	vgt.s32 v9, $0x3  }
0x212: {  	s8 =	sand.u32 $0x1F0, s20;
	v9 =	vnsel vm1, $0xFFFFFFFF, v10  }
0x213: {  	[tilespmem:s8+$0x1CF50] =	vst v9  }
0x214: {  	v9 =	vld.idx.msk [tilespmem:v10+s16+$0x0], $0xffff;
	_ =	sdelay $0x5  }
0x215: {  	s22 =	sand.u32 $0xC00, s1;
	s8 =	sand.u32 $0x70, s20;
	v9 =	vnsel vm1, $0x0, v9  }
0x216: {  	s8 =	sor.u32 s8, s22;
	[tilespmem:s5+$0x0] =	vst.add.f32.msk $0xffff, v9  }
0x217: {  	v11 =	vld [tilespmem:s8+$0x18950];
	_ =	sdelay $0x2  }
.Ltmp14:
0x218: {  	s8 =	sadd.s32 s12, s9;
	(pc) =	sbr.rel @p1 .LBB2_22-.Ltmp14, $4  }
0x219: {  	v9 =	vor.u32 s8, v2  }
0x21a: {  	v11 =	vmul.u32 $0xC350, v11  }
0x21b: {  	s3 =	sadd.s32 $0x10, s3  }
0x21c: {  	s18 =	sadd.s32 $0x10, s18;
	s5 =	sadd.s32 $0x10, s5;
	s8 =	smov.u32 s10;
	v10 =	vadd.s32 v10, v11  }
0x21d: {  	_ =	sdelay $0x2  }
0x21e: {  	[tilespmem:s19+$0x0] =	vst v10  }
0x21f: {  	v9 =	vld.idx.msk [tilespmem:v9+s21+$0x0], $0xffff  }
0x220: {  	v10 =	vld [tilespmem:s18+$0x0];
	_ =	sdelay $0x4  }
0x221: {  	s8 =	sadd.s32 $0x10, s20;
	vm1 =	vgt.s32 v9, $0x3  }
0x222: {  	s9 =	sand.u32 $0x1F0, s8;
	v9 =	vnsel vm1, $0xFFFFFFFF, v10  }
0x223: {  	[tilespmem:s9+$0x1CF50] =	vst v9  }
0x224: {  	v9 =	vld.idx.msk [tilespmem:v10+s16+$0x0], $0xffff;
	_ =	sdelay $0x3  }
0x225: {  	s1 =	sadd.s32 $0x80, s1  }
0x226: {  	s8 =	sand.u32 $0x70, s8;
	s1 =	sand.u32 $0xC00, s1;
	v9 =	vnsel vm1, $0x0, v9  }
0x227: {  	s1 =	sor.u32 s8, s1;
	[tilespmem:s5+$0x0] =	vst.add.f32.msk $0xffff, v9  }
0x228: {  	v9 =	vld [tilespmem:s1+$0x18950];
	_ =	sdelay $0x2  }
0x229: {  	s19 =	sadd.s32 $0x20, s12  }
0x22a: {  	v11 =	vmov s19  }
0x22b: {  	v12 =	vshll.u32 v11, $0x3;
	v9 =	vmul.u32 $0xC350, v9  }
0x22c: {  	v11 =	vand.u32 $0x7F, v11;
	v12 =	vand.u32 $0x7FFFFC00, v12  }
0x22d: {  	v9 =	vadd.s32 v10, v9;
	v10 =	vor.u32 v11, v12  }
0x22e: {  	s1 =	simm.s32 $0x200;
	[tilespmem:s3+$0x0] =	vst v9;
	v9 =	vadd.s32 v2, v10  }
0x22f: {  	[tilespmem:s24], [sflag:$0x1] =	stream.indirect.gather [spmem:s6], $0x1, s23, s1, $0xb8;
	[tilespmem:$0x1FB50] =	vst v63  }
0x230: {  	_ =	swait.ge [sflag:s30], $0x200  }
0x231: {  	[sflag:s30] =	ssyncset.done $0x0  }
0x232: {  	[sflag:s30] =	ssyncadd.s32 $0xFFFFFE00  }
0x233: {  	s18 =	sand.u32 $0x3F0, s1;
	v10 =	vld.idx.msk [tilespmem:v9+s21+$0x0], $0xffff  }
0x234: {  	v9 =	vld [tilespmem:s18+$0x1BB50];
	_ =	sdelay $0x4  }
0x235: {  	vm1 =	vgt.s32 v10, $0x3  }
0x236: {  	v10 =	vnsel vm1, $0xFFFFFFFF, v9  }
0x237: {  	[tilespmem:s18+$0x1CF50] =	vst v10  }
0x238: {  	v10 =	vld.idx.msk [tilespmem:v9+s16+$0x0], $0xffff;
	_ =	sdelay $0x2  }
0x239: {  	s20 =	simm.s32 $0x1000  }
0x23a: {  	s19 =	simm.s32 $0x21;
	s10 =	sand.u32 $0x1C00, s20  }
0x23b: {  	s20 =	simm.s32 $0x1100;
	s22 =	sand.u32 $0x70, s1;
	s3 =	simm.s32 $0x1E150;
	v10 =	vnsel vm1, $0x0, v10  }
0x23c: {  	s8 =	sadd.s32 $0x21, s12;
	s5 =	simm.s32 $0x1080;
	s9 =	sor.u32 s22, s10;
	[tilespmem:s3+$0x0] =	vst.add.f32.msk $0xffff, v10  }
.LBB2_24:
0x23d: {  	p1 =	sne.s32 s20, $0x1F80;
	v10 =	vmov s8;
	v11 =	vld [tilespmem:s9+$0x18950];
	s8 =	smov.u32 s5;
	s5 =	smov.u32 s20  }
0x23e: {  	v12 =	vshll.u32 v10, $0x3  }
0x23f: {  	v10 =	vand.u32 $0x7F, v10;
	v12 =	vand.u32 $0x7FFFFC00, v12  }
0x240: {  	v10 =	vor.u32 v10, v12  }
0x241: {  	v10 =	vadd.s32 v2, v10  }
0x242: {  	v11 =	vmul.u32 $0xC350, v11;
	_ =	sdelay $0x1  }
0x243: {  	v9 =	vadd.s32 v9, v11  }
0x244: {  	s1 =	sadd.s32 $0x10, s1;
	[tilespmem:s18+$0x1B750] =	vst v9  }
0x245: {  	s18 =	sand.u32 $0x3F0, s1;
	v10 =	vld.idx.msk [tilespmem:v10+s21+$0x0], $0xffff  }
0x246: {  	v9 =	vld [tilespmem:s18+$0x1BB50];
	_ =	sdelay $0x4  }
0x247: {  	vm1 =	vgt.s32 v10, $0x3  }
0x248: {  	v10 =	vnsel vm1, $0xFFFFFFFF, v9  }
0x249: {  	[tilespmem:s18+$0x1CF50] =	vst v10  }
0x24a: {  	v10 =	vld.idx.msk [tilespmem:v9+s16+$0x0], $0xffff;
	_ =	sdelay $0x2  }
.Ltmp15:
0x24b: {  	(pc) =	sbr.rel @p1 .LBB2_24-.Ltmp15, $4  }
0x24c: {  	_ = 	snop  }
0x24d: {  	s19 =	sadd.s32 $0x1, s19  }
0x24e: {  	s3 =	sadd.s32 $0x10, s3;
	s9 =	sand.u32 $0x70, s1;
	s10 =	sand.u32 $0x1C00, s8;
	v10 =	vnsel vm1, $0x0, v10  }
0x24f: {  	s20 =	sadd.s32 $0x80, s20;
	s8 =	sadd.s32 s12, s19;
	s9 =	sor.u32 s9, s10;
	[tilespmem:s3+$0x0] =	vst.add.f32.msk $0xffff, v10  }
0x250: {  	v10 =	vmov s8;
	v11 =	vld [tilespmem:s9+$0x18950]  }
0x251: {  	v12 =	vshll.u32 v10, $0x3  }
0x252: {  	v10 =	vand.u32 $0x7F, v10;
	v12 =	vand.u32 $0x7FFFFC00, v12  }
0x253: {  	v10 =	vor.u32 v10, v12  }
0x254: {  	v10 =	vadd.s32 v2, v10  }
0x255: {  	v11 =	vmul.u32 $0xC350, v11;
	_ =	sdelay $0x1  }
0x256: {  	v9 =	vadd.s32 v9, v11  }
0x257: {  	s1 =	sadd.s32 $0x10, s1;
	[tilespmem:s18+$0x1B750] =	vst v9  }
0x258: {  	s22 =	sand.u32 $0x3F0, s1;
	v9 =	vld.idx.msk [tilespmem:v10+s21+$0x0], $0xffff  }
0x259: {  	v10 =	vld [tilespmem:s22+$0x1BB50];
	_ =	sdelay $0x4  }
0x25a: {  	vm1 =	vgt.s32 v9, $0x3  }
0x25b: {  	v9 =	vnsel vm1, $0xFFFFFFFF, v10  }
0x25c: {  	[tilespmem:s22+$0x1CF50] =	vst v9  }
0x25d: {  	v9 =	vld.idx.msk [tilespmem:v10+s16+$0x0], $0xffff;
	_ =	sdelay $0x4  }
0x25e: {  	s5 =	sand.u32 $0x1C00, s5;
	s3 =	sadd.s32 $0x10, s3;
	s1 =	sand.u32 $0x70, s1;
	v9 =	vnsel vm1, $0x0, v9  }
0x25f: {  	s1 =	sor.u32 s1, s5;
	[tilespmem:s3+$0x0] =	vst.add.f32.msk $0xffff, v9  }
0x260: {  	v9 =	vld [tilespmem:s1+$0x18950];
	_ =	sdelay $0x4  }
0x261: {  	v9 =	vmul.u32 $0xC350, v9;
	_ =	sdelay $0x1  }
0x262: {  	s5 =	sadd.s32 $0x0, s12;
	v9 =	vadd.s32 v10, v9  }
0x263: {  	[tilespmem:s22+$0x1B750] =	vst v9;
	v9 =	vor.u32 s5, v2  }
0x264: {  	[tilespmem:s28], [sflag:$0x2] =	stream.indirect.gather [spmem:s6], $0x1, s26, s25, $0xb8;
	[tilespmem:$0x1FB50] =	vst v63  }
0x265: {  	_ =	swait.ge [sflag:s29], $0x200  }
0x266: {  	[sflag:s29] =	ssyncset.done $0x0  }
0x267: {  	[sflag:s29] =	ssyncadd.s32 $0xFFFFFE00  }
0x268: {  	s8 =	simm.s32 $0x1BB50;
	v9 =	vld.idx.msk [tilespmem:v9+s21+$0x0], $0xffff  }
0x269: {  	v10 =	vld [tilespmem:s8+$0x0];
	_ =	sdelay $0x4  }
0x26a: {  	s1 =	simm.s32 $0x0;
	vm1 =	vgt.s32 v9, $0x4  }
0x26b: {  	s9 =	sand.u32 $0x1F0, s1;
	v9 =	vnsel vm1, $0xFFFFFFFF, v10  }
0x26c: {  	[tilespmem:s9+$0x1D350] =	vst v9  }
0x26d: {  	v9 =	vld.idx.msk [tilespmem:v10+s16+$0x0], $0xffff;
	_ =	sdelay $0x4  }
0x26e: {  	s10 =	simm.s32 $0x1DF50;
	s18 =	sand.u32 $0x70, s1;
	s19 =	sand.u32 $0xC00, s1;
	v9 =	vnsel vm1, $0x0, v9  }
0x26f: {  	s20 =	sor.u32 s18, s19;
	[tilespmem:s10+$0x0] =	vst.add.f32.msk $0xffff, v9  }
0x270: {  	v9 =	vld [tilespmem:s20+$0x189D0];
	_ =	sdelay $0x3  }
0x271: {  	s22 =	sadd.s32 $0x1, s12  }
0x272: {  	v11 =	vmul.u32 $0xC350, v9;
	v9 =	vor.u32 s22, v2  }
0x273: {  	s3 =	simm.s32 $0x1B760;
	s19 =	simm.s32 $0x1B750;
	s18 =	simm.s32 $0x1BB60  }
0x274: {  	s5 =	simm.s32 $0x1DF60;
	s8 =	simm.s32 $0x2;
	s20 =	simm.s32 $0x0;
	v10 =	vadd.s32 v10, v11  }
.LBB2_26:
0x275: {  	s1 =	sadd.s32 $0x80, s1;
	s20 =	sadd.s32 $0x10, s20  }
0x276: {  	[tilespmem:s19+$0x0] =	vst v10;
	s9 =	smov.u32 s8;
	s10 =	sadd.s32 $0x1, s8;
	s19 =	smov.u32 s3  }
0x277: {  	p1 =	sne.s32 s8, $0x1F;
	v9 =	vld.idx.msk [tilespmem:v9+s21+$0x0], $0xffff  }
0x278: {  	v10 =	vld [tilespmem:s18+$0x0];
	_ =	sdelay $0x4  }
0x279: {  	vm1 =	vgt.s32 v9, $0x4  }
0x27a: {  	s8 =	sand.u32 $0x1F0, s20;
	v9 =	vnsel vm1, $0xFFFFFFFF, v10  }
0x27b: {  	[tilespmem:s8+$0x1D350] =	vst v9  }
0x27c: {  	v9 =	vld.idx.msk [tilespmem:v10+s16+$0x0], $0xffff;
	_ =	sdelay $0x5  }
0x27d: {  	s22 =	sand.u32 $0xC00, s1;
	s8 =	sand.u32 $0x70, s20;
	v9 =	vnsel vm1, $0x0, v9  }
0x27e: {  	s8 =	sor.u32 s8, s22;
	[tilespmem:s5+$0x0] =	vst.add.f32.msk $0xffff, v9  }
0x27f: {  	v11 =	vld [tilespmem:s8+$0x189D0];
	_ =	sdelay $0x2  }
.Ltmp16:
0x280: {  	s8 =	sadd.s32 s12, s9;
	(pc) =	sbr.rel @p1 .LBB2_26-.Ltmp16, $4  }
0x281: {  	v9 =	vor.u32 s8, v2  }
0x282: {  	v11 =	vmul.u32 $0xC350, v11  }
0x283: {  	s3 =	sadd.s32 $0x10, s3  }
0x284: {  	s18 =	sadd.s32 $0x10, s18;
	s5 =	sadd.s32 $0x10, s5;
	s8 =	smov.u32 s10;
	v10 =	vadd.s32 v10, v11  }
0x285: {  	_ =	sdelay $0x2  }
0x286: {  	[tilespmem:s19+$0x0] =	vst v10  }
0x287: {  	v9 =	vld.idx.msk [tilespmem:v9+s21+$0x0], $0xffff  }
0x288: {  	v10 =	vld [tilespmem:s18+$0x0];
	_ =	sdelay $0x4  }
0x289: {  	s8 =	sadd.s32 $0x10, s20;
	vm1 =	vgt.s32 v9, $0x4  }
0x28a: {  	s9 =	sand.u32 $0x1F0, s8;
	v9 =	vnsel vm1, $0xFFFFFFFF, v10  }
0x28b: {  	[tilespmem:s9+$0x1D350] =	vst v9  }
0x28c: {  	v9 =	vld.idx.msk [tilespmem:v10+s16+$0x0], $0xffff;
	_ =	sdelay $0x3  }
0x28d: {  	s1 =	sadd.s32 $0x80, s1  }
0x28e: {  	s8 =	sand.u32 $0x70, s8;
	s1 =	sand.u32 $0xC00, s1;
	v9 =	vnsel vm1, $0x0, v9  }
0x28f: {  	s1 =	sor.u32 s8, s1;
	[tilespmem:s5+$0x0] =	vst.add.f32.msk $0xffff, v9  }
0x290: {  	v9 =	vld [tilespmem:s1+$0x189D0];
	_ =	sdelay $0x2  }
0x291: {  	s19 =	sadd.s32 $0x20, s12  }
0x292: {  	v11 =	vmov s19  }
0x293: {  	v12 =	vshll.u32 v11, $0x3;
	v9 =	vmul.u32 $0xC350, v9  }
0x294: {  	v11 =	vand.u32 $0x7F, v11;
	v12 =	vand.u32 $0x7FFFFC00, v12  }
0x295: {  	v9 =	vadd.s32 v10, v9;
	v10 =	vor.u32 v11, v12  }
0x296: {  	s1 =	simm.s32 $0x200;
	[tilespmem:s3+$0x0] =	vst v9;
	v9 =	vadd.s32 v2, v10  }
0x297: {  	[tilespmem:s24], [sflag:$0x1] =	stream.indirect.gather [spmem:s6], $0x1, s23, s1, $0xb8;
	[tilespmem:$0x1FB50] =	vst v63  }
0x298: {  	_ =	swait.ge [sflag:s30], $0x200  }
0x299: {  	[sflag:s30] =	ssyncset.done $0x0  }
0x29a: {  	[sflag:s30] =	ssyncadd.s32 $0xFFFFFE00  }
0x29b: {  	s18 =	sand.u32 $0x3F0, s1;
	v10 =	vld.idx.msk [tilespmem:v9+s21+$0x0], $0xffff  }
0x29c: {  	v9 =	vld [tilespmem:s18+$0x1BB50];
	_ =	sdelay $0x4  }
0x29d: {  	vm1 =	vgt.s32 v10, $0x4  }
0x29e: {  	v10 =	vnsel vm1, $0xFFFFFFFF, v9  }
0x29f: {  	[tilespmem:s18+$0x1D350] =	vst v10  }
0x2a0: {  	v10 =	vld.idx.msk [tilespmem:v9+s16+$0x0], $0xffff;
	_ =	sdelay $0x2  }
0x2a1: {  	s20 =	simm.s32 $0x1000  }
0x2a2: {  	s19 =	simm.s32 $0x21;
	s10 =	sand.u32 $0x1C00, s20  }
0x2a3: {  	s20 =	simm.s32 $0x1100;
	s22 =	sand.u32 $0x70, s1;
	s3 =	simm.s32 $0x1E150;
	v10 =	vnsel vm1, $0x0, v10  }
0x2a4: {  	s8 =	sadd.s32 $0x21, s12;
	s5 =	simm.s32 $0x1080;
	s9 =	sor.u32 s22, s10;
	[tilespmem:s3+$0x0] =	vst.add.f32.msk $0xffff, v10  }
.LBB2_28:
0x2a5: {  	p1 =	sne.s32 s20, $0x1F80;
	v10 =	vmov s8;
	v11 =	vld [tilespmem:s9+$0x189D0];
	s8 =	smov.u32 s5;
	s5 =	smov.u32 s20  }
0x2a6: {  	v12 =	vshll.u32 v10, $0x3  }
0x2a7: {  	v10 =	vand.u32 $0x7F, v10;
	v12 =	vand.u32 $0x7FFFFC00, v12  }
0x2a8: {  	v10 =	vor.u32 v10, v12  }
0x2a9: {  	v10 =	vadd.s32 v2, v10  }
0x2aa: {  	v11 =	vmul.u32 $0xC350, v11;
	_ =	sdelay $0x1  }
0x2ab: {  	v9 =	vadd.s32 v9, v11  }
0x2ac: {  	s1 =	sadd.s32 $0x10, s1;
	[tilespmem:s18+$0x1B750] =	vst v9  }
0x2ad: {  	s18 =	sand.u32 $0x3F0, s1;
	v10 =	vld.idx.msk [tilespmem:v10+s21+$0x0], $0xffff  }
0x2ae: {  	v9 =	vld [tilespmem:s18+$0x1BB50];
	_ =	sdelay $0x4  }
0x2af: {  	vm1 =	vgt.s32 v10, $0x4  }
0x2b0: {  	v10 =	vnsel vm1, $0xFFFFFFFF, v9  }
0x2b1: {  	[tilespmem:s18+$0x1D350] =	vst v10  }
0x2b2: {  	v10 =	vld.idx.msk [tilespmem:v9+s16+$0x0], $0xffff;
	_ =	sdelay $0x2  }
.Ltmp17:
0x2b3: {  	(pc) =	sbr.rel @p1 .LBB2_28-.Ltmp17, $4  }
0x2b4: {  	_ = 	snop  }
0x2b5: {  	s19 =	sadd.s32 $0x1, s19  }
0x2b6: {  	s3 =	sadd.s32 $0x10, s3;
	s9 =	sand.u32 $0x70, s1;
	s10 =	sand.u32 $0x1C00, s8;
	v10 =	vnsel vm1, $0x0, v10  }
0x2b7: {  	s20 =	sadd.s32 $0x80, s20;
	s8 =	sadd.s32 s12, s19;
	s9 =	sor.u32 s9, s10;
	[tilespmem:s3+$0x0] =	vst.add.f32.msk $0xffff, v10  }
0x2b8: {  	v10 =	vmov s8;
	v11 =	vld [tilespmem:s9+$0x189D0]  }
0x2b9: {  	v12 =	vshll.u32 v10, $0x3  }
0x2ba: {  	v10 =	vand.u32 $0x7F, v10;
	v12 =	vand.u32 $0x7FFFFC00, v12  }
0x2bb: {  	v10 =	vor.u32 v10, v12  }
0x2bc: {  	v10 =	vadd.s32 v2, v10  }
0x2bd: {  	v11 =	vmul.u32 $0xC350, v11;
	_ =	sdelay $0x1  }
0x2be: {  	v9 =	vadd.s32 v9, v11  }
0x2bf: {  	s1 =	sadd.s32 $0x10, s1;
	[tilespmem:s18+$0x1B750] =	vst v9  }
0x2c0: {  	s22 =	sand.u32 $0x3F0, s1;
	v9 =	vld.idx.msk [tilespmem:v10+s21+$0x0], $0xffff  }
0x2c1: {  	v10 =	vld [tilespmem:s22+$0x1BB50];
	_ =	sdelay $0x4  }
0x2c2: {  	vm1 =	vgt.s32 v9, $0x4  }
0x2c3: {  	v9 =	vnsel vm1, $0xFFFFFFFF, v10  }
0x2c4: {  	[tilespmem:s22+$0x1D350] =	vst v9  }
0x2c5: {  	v9 =	vld.idx.msk [tilespmem:v10+s16+$0x0], $0xffff;
	_ =	sdelay $0x4  }
0x2c6: {  	s5 =	sand.u32 $0x1C00, s5;
	s3 =	sadd.s32 $0x10, s3;
	s1 =	sand.u32 $0x70, s1;
	v9 =	vnsel vm1, $0x0, v9  }
0x2c7: {  	s1 =	sor.u32 s1, s5;
	[tilespmem:s3+$0x0] =	vst.add.f32.msk $0xffff, v9  }
0x2c8: {  	v9 =	vld [tilespmem:s1+$0x189D0];
	_ =	sdelay $0x4  }
0x2c9: {  	v9 =	vmul.u32 $0xC350, v9;
	_ =	sdelay $0x1  }
0x2ca: {  	s5 =	sadd.s32 $0x0, s12;
	v9 =	vadd.s32 v10, v9  }
0x2cb: {  	[tilespmem:s22+$0x1B750] =	vst v9;
	v9 =	vor.u32 s5, v2  }
0x2cc: {  	[tilespmem:s28], [sflag:$0x2] =	stream.indirect.gather [spmem:s6], $0x1, s26, s25, $0xb8;
	[tilespmem:$0x1FB50] =	vst v63  }
0x2cd: {  	_ =	swait.ge [sflag:s29], $0x200  }
0x2ce: {  	[sflag:s29] =	ssyncset.done $0x0  }
0x2cf: {  	[sflag:s29] =	ssyncadd.s32 $0xFFFFFE00  }
0x2d0: {  	s8 =	simm.s32 $0x1BB50;
	v9 =	vld.idx.msk [tilespmem:v9+s21+$0x0], $0xffff  }
0x2d1: {  	v10 =	vld [tilespmem:s8+$0x0];
	_ =	sdelay $0x4  }
0x2d2: {  	s1 =	simm.s32 $0x0;
	vm1 =	vgt.s32 v9, $0x5  }
0x2d3: {  	s9 =	sand.u32 $0x1F0, s1;
	v9 =	vnsel vm1, $0xFFFFFFFF, v10  }
0x2d4: {  	[tilespmem:s9+$0x1D750] =	vst v9  }
0x2d5: {  	v9 =	vld.idx.msk [tilespmem:v10+s16+$0x0], $0xffff;
	_ =	sdelay $0x4  }
0x2d6: {  	s10 =	simm.s32 $0x1DF50;
	s18 =	sand.u32 $0x70, s1;
	s19 =	sand.u32 $0xC00, s1;
	v9 =	vnsel vm1, $0x0, v9  }
0x2d7: {  	s20 =	sor.u32 s18, s19;
	[tilespmem:s10+$0x0] =	vst.add.f32.msk $0xffff, v9  }
0x2d8: {  	v9 =	vld [tilespmem:s20+$0x18A50];
	_ =	sdelay $0x3  }
0x2d9: {  	s22 =	sadd.s32 $0x1, s12  }
0x2da: {  	v11 =	vmul.u32 $0xC350, v9;
	v9 =	vor.u32 s22, v2  }
0x2db: {  	s3 =	simm.s32 $0x1B760;
	s19 =	simm.s32 $0x1B750;
	s18 =	simm.s32 $0x1BB60  }
0x2dc: {  	s5 =	simm.s32 $0x1DF60;
	s8 =	simm.s32 $0x2;
	s20 =	simm.s32 $0x0;
	v10 =	vadd.s32 v10, v11  }
.LBB2_30:
0x2dd: {  	s1 =	sadd.s32 $0x80, s1;
	s20 =	sadd.s32 $0x10, s20  }
0x2de: {  	[tilespmem:s19+$0x0] =	vst v10;
	s9 =	smov.u32 s8;
	s10 =	sadd.s32 $0x1, s8;
	s19 =	smov.u32 s3  }
0x2df: {  	p1 =	sne.s32 s8, $0x1F;
	v9 =	vld.idx.msk [tilespmem:v9+s21+$0x0], $0xffff  }
0x2e0: {  	v10 =	vld [tilespmem:s18+$0x0];
	_ =	sdelay $0x4  }
0x2e1: {  	vm1 =	vgt.s32 v9, $0x5  }
0x2e2: {  	s8 =	sand.u32 $0x1F0, s20;
	v9 =	vnsel vm1, $0xFFFFFFFF, v10  }
0x2e3: {  	[tilespmem:s8+$0x1D750] =	vst v9  }
0x2e4: {  	v9 =	vld.idx.msk [tilespmem:v10+s16+$0x0], $0xffff;
	_ =	sdelay $0x5  }
0x2e5: {  	s22 =	sand.u32 $0xC00, s1;
	s8 =	sand.u32 $0x70, s20;
	v9 =	vnsel vm1, $0x0, v9  }
0x2e6: {  	s8 =	sor.u32 s8, s22;
	[tilespmem:s5+$0x0] =	vst.add.f32.msk $0xffff, v9  }
0x2e7: {  	v11 =	vld [tilespmem:s8+$0x18A50];
	_ =	sdelay $0x2  }
.Ltmp18:
0x2e8: {  	s8 =	sadd.s32 s12, s9;
	(pc) =	sbr.rel @p1 .LBB2_30-.Ltmp18, $4  }
0x2e9: {  	v9 =	vor.u32 s8, v2  }
0x2ea: {  	v11 =	vmul.u32 $0xC350, v11  }
0x2eb: {  	s3 =	sadd.s32 $0x10, s3  }
0x2ec: {  	s18 =	sadd.s32 $0x10, s18;
	s5 =	sadd.s32 $0x10, s5;
	s8 =	smov.u32 s10;
	v10 =	vadd.s32 v10, v11  }
0x2ed: {  	_ =	sdelay $0x2  }
0x2ee: {  	[tilespmem:s19+$0x0] =	vst v10  }
0x2ef: {  	v9 =	vld.idx.msk [tilespmem:v9+s21+$0x0], $0xffff  }
0x2f0: {  	v10 =	vld [tilespmem:s18+$0x0];
	_ =	sdelay $0x4  }
0x2f1: {  	s8 =	sadd.s32 $0x10, s20;
	vm1 =	vgt.s32 v9, $0x5  }
0x2f2: {  	s9 =	sand.u32 $0x1F0, s8;
	v9 =	vnsel vm1, $0xFFFFFFFF, v10  }
0x2f3: {  	[tilespmem:s9+$0x1D750] =	vst v9  }
0x2f4: {  	v9 =	vld.idx.msk [tilespmem:v10+s16+$0x0], $0xffff;
	_ =	sdelay $0x3  }
0x2f5: {  	s1 =	sadd.s32 $0x80, s1  }
0x2f6: {  	s8 =	sand.u32 $0x70, s8;
	s1 =	sand.u32 $0xC00, s1;
	v9 =	vnsel vm1, $0x0, v9  }
0x2f7: {  	s1 =	sor.u32 s8, s1;
	[tilespmem:s5+$0x0] =	vst.add.f32.msk $0xffff, v9  }
0x2f8: {  	v9 =	vld [tilespmem:s1+$0x18A50];
	_ =	sdelay $0x2  }
0x2f9: {  	s19 =	sadd.s32 $0x20, s12  }
0x2fa: {  	v11 =	vmov s19  }
0x2fb: {  	v12 =	vshll.u32 v11, $0x3;
	v9 =	vmul.u32 $0xC350, v9  }
0x2fc: {  	v11 =	vand.u32 $0x7F, v11;
	v12 =	vand.u32 $0x7FFFFC00, v12  }
0x2fd: {  	v9 =	vadd.s32 v10, v9;
	v10 =	vor.u32 v11, v12  }
0x2fe: {  	s1 =	simm.s32 $0x200;
	[tilespmem:s3+$0x0] =	vst v9;
	v9 =	vadd.s32 v2, v10  }
0x2ff: {  	[tilespmem:s24], [sflag:$0x1] =	stream.indirect.gather [spmem:s6], $0x1, s23, s1, $0xb8;
	[tilespmem:$0x1FB50] =	vst v63  }
0x300: {  	_ =	swait.ge [sflag:s30], $0x200  }
0x301: {  	[sflag:s30] =	ssyncset.done $0x0  }
0x302: {  	[sflag:s30] =	ssyncadd.s32 $0xFFFFFE00  }
0x303: {  	s18 =	sand.u32 $0x3F0, s1;
	v10 =	vld.idx.msk [tilespmem:v9+s21+$0x0], $0xffff  }
0x304: {  	v9 =	vld [tilespmem:s18+$0x1BB50];
	_ =	sdelay $0x4  }
0x305: {  	vm1 =	vgt.s32 v10, $0x5  }
0x306: {  	v10 =	vnsel vm1, $0xFFFFFFFF, v9  }
0x307: {  	[tilespmem:s18+$0x1D750] =	vst v10  }
0x308: {  	v10 =	vld.idx.msk [tilespmem:v9+s16+$0x0], $0xffff;
	_ =	sdelay $0x2  }
0x309: {  	s20 =	simm.s32 $0x1000  }
0x30a: {  	s19 =	simm.s32 $0x21;
	s10 =	sand.u32 $0x1C00, s20  }
0x30b: {  	s20 =	simm.s32 $0x1100;
	s22 =	sand.u32 $0x70, s1;
	s3 =	simm.s32 $0x1E150;
	v10 =	vnsel vm1, $0x0, v10  }
0x30c: {  	s8 =	sadd.s32 $0x21, s12;
	s5 =	simm.s32 $0x1080;
	s9 =	sor.u32 s22, s10;
	[tilespmem:s3+$0x0] =	vst.add.f32.msk $0xffff, v10  }
.LBB2_32:
0x30d: {  	p1 =	sne.s32 s20, $0x1F80;
	v10 =	vmov s8;
	v11 =	vld [tilespmem:s9+$0x18A50];
	s8 =	smov.u32 s5;
	s5 =	smov.u32 s20  }
0x30e: {  	v12 =	vshll.u32 v10, $0x3  }
0x30f: {  	v10 =	vand.u32 $0x7F, v10;
	v12 =	vand.u32 $0x7FFFFC00, v12  }
0x310: {  	v10 =	vor.u32 v10, v12  }
0x311: {  	v10 =	vadd.s32 v2, v10  }
0x312: {  	v11 =	vmul.u32 $0xC350, v11;
	_ =	sdelay $0x1  }
0x313: {  	v9 =	vadd.s32 v9, v11  }
0x314: {  	s1 =	sadd.s32 $0x10, s1;
	[tilespmem:s18+$0x1B750] =	vst v9  }
0x315: {  	s18 =	sand.u32 $0x3F0, s1;
	v10 =	vld.idx.msk [tilespmem:v10+s21+$0x0], $0xffff  }
0x316: {  	v9 =	vld [tilespmem:s18+$0x1BB50];
	_ =	sdelay $0x4  }
0x317: {  	vm1 =	vgt.s32 v10, $0x5  }
0x318: {  	v10 =	vnsel vm1, $0xFFFFFFFF, v9  }
0x319: {  	[tilespmem:s18+$0x1D750] =	vst v10  }
0x31a: {  	v10 =	vld.idx.msk [tilespmem:v9+s16+$0x0], $0xffff;
	_ =	sdelay $0x2  }
.Ltmp19:
0x31b: {  	(pc) =	sbr.rel @p1 .LBB2_32-.Ltmp19, $4  }
0x31c: {  	_ = 	snop  }
0x31d: {  	s19 =	sadd.s32 $0x1, s19  }
0x31e: {  	s3 =	sadd.s32 $0x10, s3;
	s9 =	sand.u32 $0x70, s1;
	s10 =	sand.u32 $0x1C00, s8;
	v10 =	vnsel vm1, $0x0, v10  }
0x31f: {  	s20 =	sadd.s32 $0x80, s20;
	s8 =	sadd.s32 s12, s19;
	s9 =	sor.u32 s9, s10;
	[tilespmem:s3+$0x0] =	vst.add.f32.msk $0xffff, v10  }
0x320: {  	v10 =	vmov s8;
	v11 =	vld [tilespmem:s9+$0x18A50]  }
0x321: {  	v12 =	vshll.u32 v10, $0x3  }
0x322: {  	v10 =	vand.u32 $0x7F, v10;
	v12 =	vand.u32 $0x7FFFFC00, v12  }
0x323: {  	v10 =	vor.u32 v10, v12  }
0x324: {  	v10 =	vadd.s32 v2, v10  }
0x325: {  	v11 =	vmul.u32 $0xC350, v11;
	_ =	sdelay $0x1  }
0x326: {  	v9 =	vadd.s32 v9, v11  }
0x327: {  	s1 =	sadd.s32 $0x10, s1;
	[tilespmem:s18+$0x1B750] =	vst v9  }
0x328: {  	s18 =	sand.u32 $0x3F0, s1;
	v9 =	vld.idx.msk [tilespmem:v10+s21+$0x0], $0xffff  }
0x329: {  	v10 =	vld [tilespmem:s18+$0x1BB50];
	_ =	sdelay $0x4  }
0x32a: {  	vm1 =	vgt.s32 v9, $0x5  }
0x32b: {  	v9 =	vnsel vm1, $0xFFFFFFFF, v10  }
0x32c: {  	[tilespmem:s18+$0x1D750] =	vst v9  }
0x32d: {  	v9 =	vld.idx.msk [tilespmem:v10+s16+$0x0], $0xffff;
	_ =	sdelay $0x4  }
0x32e: {  	s5 =	sand.u32 $0x1C00, s5;
	s3 =	sadd.s32 $0x10, s3;
	s1 =	sand.u32 $0x70, s1;
	v9 =	vnsel vm1, $0x0, v9  }
0x32f: {  	s1 =	sor.u32 s1, s5;
	[tilespmem:s3+$0x0] =	vst.add.f32.msk $0xffff, v9  }
0x330: {  	v9 =	vld [tilespmem:s1+$0x18A50];
	_ =	sdelay $0x4  }
0x331: {  	v9 =	vmul.u32 $0xC350, v9;
	_ =	sdelay $0x1  }
0x332: {  	s19 =	sadd.s32 $0x0, s12;
	v9 =	vadd.s32 v10, v9  }
0x333: {  	[tilespmem:s18+$0x1B750] =	vst v9;
	v9 =	vor.u32 s19, v2  }
0x334: {  	[tilespmem:s28], [sflag:$0x2] =	stream.indirect.gather [spmem:s6], $0x1, s26, s25, $0xb8;
	[tilespmem:$0x1FB50] =	vst v63  }
0x335: {  	_ =	swait.ge [sflag:s29], $0x200  }
0x336: {  	[sflag:s29] =	ssyncset.done $0x0  }
0x337: {  	[sflag:s29] =	ssyncadd.s32 $0xFFFFFE00  }
0x338: {  	s5 =	simm.s32 $0x1BB50;
	v9 =	vld.idx.msk [tilespmem:v9+s21+$0x0], $0xffff  }
0x339: {  	v10 =	vld [tilespmem:s5+$0x0];
	_ =	sdelay $0x4  }
0x33a: {  	s3 =	simm.s32 $0x0;
	vm1 =	vgt.s32 v9, $0x6  }
0x33b: {  	s20 =	sand.u32 $0x1F0, s3;
	v9 =	vnsel vm1, $0xFFFFFFFF, v10  }
0x33c: {  	[tilespmem:s20+$0x1DB50] =	vst v9  }
0x33d: {  	v10 =	vld.idx.msk [tilespmem:v10+s16+$0x0], $0xffff;
	_ =	sdelay $0x1  }
0x33e: {  	s22 =	sadd.s32 $0x1, s12  }
0x33f: {  	v9 =	vor.u32 s22, v2;
	_ =	sdelay $0x1  }
0x340: {  	s8 =	simm.s32 $0x2;
	s1 =	simm.s32 $0x1DF60;
	s18 =	simm.s32 $0x1DF50;
	v10 =	vnsel vm1, $0x0, v10  }
.LBB2_34:
0x341: {  	s3 =	sadd.s32 $0x10, s3;
	s5 =	sadd.s32 $0x10, s5  }
0x342: {  	[tilespmem:s18+$0x0] =	vst.add.f32.msk $0xffff, v10;
	s9 =	smov.u32 s8;
	s10 =	sadd.s32 $0x1, s8;
	s18 =	smov.u32 s1  }
0x343: {  	p1 =	sne.s32 s8, $0x1F;
	v9 =	vld.idx.msk [tilespmem:v9+s21+$0x0], $0xffff  }
0x344: {  	v10 =	vld [tilespmem:s5+$0x0];
	_ =	sdelay $0x4  }
0x345: {  	vm1 =	vgt.s32 v9, $0x6  }
0x346: {  	s8 =	sand.u32 $0x1F0, s3;
	v9 =	vnsel vm1, $0xFFFFFFFF, v10  }
0x347: {  	[tilespmem:s8+$0x1DB50] =	vst v9  }
0x348: {  	v10 =	vld.idx.msk [tilespmem:v10+s16+$0x0], $0xffff;
	_ =	sdelay $0x1  }
.Ltmp20:
0x349: {  	s8 =	sadd.s32 s12, s9;
	(pc) =	sbr.rel @p1 .LBB2_34-.Ltmp20, $2  }
0x34a: {  	v9 =	vor.u32 s8, v2;
	_ =	sdelay $0x2  }
0x34b: {  	s1 =	sadd.s32 $0x10, s1;
	s8 =	smov.u32 s10;
	v10 =	vnsel vm1, $0x0, v10  }
0x34c: {  	_ =	sdelay $0x2  }
0x34d: {  	[tilespmem:s18+$0x0] =	vst.add.f32.msk $0xffff, v10  }
0x34e: {  	s5 =	sadd.s32 $0x10, s5;
	v9 =	vld.idx.msk [tilespmem:v9+s21+$0x0], $0xffff  }
0x34f: {  	v10 =	vld [tilespmem:s5+$0x0];
	_ =	sdelay $0x4  }
0x350: {  	s3 =	sadd.s32 $0x10, s3;
	vm1 =	vgt.s32 v9, $0x6  }
0x351: {  	s3 =	sand.u32 $0x1F0, s3;
	v9 =	vnsel vm1, $0xFFFFFFFF, v10  }
0x352: {  	[tilespmem:s3+$0x1DB50] =	vst v9  }
0x353: {  	s18 =	sadd.s32 $0x20, s12;
	v9 =	vld.idx.msk [tilespmem:v10+s16+$0x0], $0xffff  }
0x354: {  	v10 =	vmov s18  }
0x355: {  	v11 =	vshll.u32 v10, $0x3  }
0x356: {  	v10 =	vand.u32 $0x7F, v10;
	v11 =	vand.u32 $0x7FFFFC00, v11  }
0x357: {  	v10 =	vor.u32 v10, v11  }
0x358: {  	v10 =	vadd.s32 v2, v10;
	v9 =	vnsel vm1, $0x0, v9  }
0x359: {  	[tilespmem:s1+$0x0] =	vst.add.f32.msk $0xffff, v9  }
0x35a: {  	_ =	swait.ge [sflag:s30], $0x200  }
0x35b: {  	[sflag:s30] =	ssyncset.done $0x0  }
0x35c: {  	s19 =	simm.s32 $0x200;
	[sflag:s30] =	ssyncadd.s32 $0xFFFFFE00  }
0x35d: {  	s1 =	sand.u32 $0x3F0, s19;
	v9 =	vld.idx.msk [tilespmem:v10+s21+$0x0], $0xffff  }
0x35e: {  	v10 =	vld [tilespmem:s1+$0x1BB50];
	_ =	sdelay $0x4  }
0x35f: {  	s20 =	sadd.s32 $0x21, s12;
	vm1 =	vgt.s32 v9, $0x6  }
0x360: {  	v11 =	vmov s20;
	v9 =	vnsel vm1, $0xFFFFFFFF, v10  }
0x361: {  	[tilespmem:s1+$0x1DB50] =	vst v9;
	v9 =	vshll.u32 v11, $0x3  }
0x362: {  	v11 =	vand.u32 $0x7F, v11;
	v10 =	vld.idx.msk [tilespmem:v10+s16+$0x0], $0xffff;
	v9 =	vand.u32 $0x7FFFFC00, v9  }
0x363: {  	v9 =	vor.u32 v11, v9  }
0x364: {  	v9 =	vadd.s32 v2, v9;
	_ =	sdelay $0x2  }
0x365: {  	s1 =	simm.s32 $0x1E150;
	v10 =	vnsel vm1, $0x0, v10  }
0x366: {  	s22 =	simm.s32 $0x210;
	[tilespmem:s1+$0x0] =	vst.add.f32.msk $0xffff, v10  }
0x367: {  	s19 =	sand.u32 $0x3F0, s22;
	v10 =	vld.idx.msk [tilespmem:v9+s21+$0x0], $0xffff  }
0x368: {  	v9 =	vld [tilespmem:s19+$0x1BB50];
	_ =	sdelay $0x4  }
0x369: {  	s8 =	sadd.s32 $0x22, s12;
	vm1 =	vgt.s32 v10, $0x6  }
0x36a: {  	s5 =	simm.s32 $0x22;
	s3 =	simm.s32 $0x220;
	s18 =	simm.s32 $0x230;
	v10 =	vnsel vm1, $0xFFFFFFFF, v9  }
.LBB2_36:
0x36b: {  	p1 =	sne.s32 s18, $0x3F0;
	v11 =	vmov s8;
	[tilespmem:s19+$0x1DB50] =	vst v10  }
0x36c: {  	v10 =	vshll.u32 v11, $0x3;
	v9 =	vld.idx.msk [tilespmem:v9+s16+$0x0], $0xffff  }
0x36d: {  	v11 =	vand.u32 $0x7F, v11;
	v10 =	vand.u32 $0x7FFFFC00, v10  }
0x36e: {  	v10 =	vor.u32 v11, v10  }
0x36f: {  	v10 =	vadd.s32 v2, v10;
	_ =	sdelay $0x2  }
0x370: {  	s1 =	sadd.s32 $0x10, s1;
	v9 =	vnsel vm1, $0x0, v9  }
0x371: {  	[tilespmem:s1+$0x0] =	vst.add.f32.msk $0xffff, v9  }
0x372: {  	s19 =	sand.u32 $0x3F0, s3;
	s3 =	smov.u32 s18;
	v10 =	vld.idx.msk [tilespmem:v10+s21+$0x0], $0xffff  }
0x373: {  	v9 =	vld [tilespmem:s19+$0x1BB50];
	_ =	sdelay $0x1  }
.Ltmp21:
0x374: {  	(pc) =	sbr.rel @p1 .LBB2_36-.Ltmp21, $3  }
0x375: {  	_ =	sdelay $0x1  }
0x376: {  	s5 =	sadd.s32 $0x1, s5;
	vm1 =	vgt.s32 v10, $0x6  }
0x377: {  	s18 =	sadd.s32 $0x10, s18;
	s8 =	sadd.s32 s12, s5;
	v10 =	vnsel vm1, $0xFFFFFFFF, v9  }
0x378: {  	_ =	sdelay $0x1  }
0x379: {  	v11 =	vmov s8  }
0x37a: {  	[tilespmem:s19+$0x1DB50] =	vst v10;
	v10 =	vshll.u32 v11, $0x3  }
0x37b: {  	v9 =	vld.idx.msk [tilespmem:v9+s16+$0x0], $0xffff;
	v11 =	vand.u32 $0x7F, v11;
	v10 =	vand.u32 $0x7FFFFC00, v10  }
0x37c: {  	v10 =	vor.u32 v11, v10  }
0x37d: {  	v10 =	vadd.s32 v2, v10;
	_ =	sdelay $0x2  }
0x37e: {  	s1 =	sadd.s32 $0x10, s1;
	v9 =	vnsel vm1, $0x0, v9  }
0x37f: {  	[tilespmem:s1+$0x0] =	vst.add.f32.msk $0xffff, v9  }
0x380: {  	s3 =	sand.u32 $0x3F0, s3;
	v9 =	vld.idx.msk [tilespmem:v10+s21+$0x0], $0xffff  }
0x381: {  	v10 =	vld [tilespmem:s3+$0x1BB50];
	_ =	sdelay $0x4  }
0x382: {  	vm1 =	vgt.s32 v9, $0x6  }
0x383: {  	v9 =	vnsel vm1, $0xFFFFFFFF, v10  }
0x384: {  	[tilespmem:s3+$0x1DB50] =	vst v9  }
0x385: {  	v9 =	vld.idx.msk [tilespmem:v10+s16+$0x0], $0xffff;
	_ =	sdelay $0x4  }
0x386: {  	s1 =	sadd.s32 $0x10, s1;
	v9 =	vnsel vm1, $0x0, v9  }
0x387: {  	s20 =	simm.s32 $0x1DF50;
	[tilespmem:s1+$0x0] =	vst.add.f32.msk $0xffff, v9  }
0x388: {  	v9 =	vld [tilespmem:s20+$0x0];
	_ =	sdelay $0x4  }
0x389: {  	v10 =	vperm.xlane v9, v4;
	_ =	sdelay $0x1  }
0x38a: {  	v10 =	vmax.f32 v9, v10  }
0x38b: {  	v11 =	vperm.xlane v10, v5;
	_ =	sdelay $0x1  }
0x38c: {  	v10 =	vmax.f32 v10, v11  }
0x38d: {  	v11 =	vperm.xlane v10, v7;
	_ =	sdelay $0x1  }
0x38e: {  	v10 =	vmax.f32 v10, v11  }
0x38f: {  	v11 =	vperm.xlane v10, v6;
	_ =	sdelay $0x1  }
0x390: {  	v10 =	vmax.f32 v10, v11  }
0x391: {  	vm1 =	veq.f32 v9, v10  }
0x392: {  	v10 =	vmctz.xlane vm1;
	_ =	sdelay $0x1  }
0x393: {  	vm1 =	veq.s32 v10, v0  }
0x394: {  	v9 =	vsel vm1, $0xFF800000, v9  }
0x395: {  	v11 =	vperm.xlane v9, v4;
	_ =	sdelay $0x1  }
0x396: {  	v11 =	vmax.f32 v9, v11  }
0x397: {  	v12 =	vperm.xlane v11, v5;
	_ =	sdelay $0x1  }
0x398: {  	v11 =	vmax.f32 v11, v12  }
0x399: {  	v12 =	vperm.xlane v11, v7;
	_ =	sdelay $0x1  }
0x39a: {  	v11 =	vmax.f32 v11, v12  }
0x39b: {  	v12 =	vperm.xlane v11, v6;
	_ =	sdelay $0x1  }
0x39c: {  	v11 =	vmax.f32 v11, v12  }
0x39d: {  	vm1 =	veq.f32 v9, v11  }
0x39e: {  	v11 =	vmctz.xlane vm1;
	_ =	sdelay $0x1  }
0x39f: {  	vm1 =	veq.s32 v11, v0  }
0x3a0: {  	v9 =	vsel vm1, $0xFF800000, v9  }
0x3a1: {  	v60 =	vperm.xlane v9, v4;
	_ =	sdelay $0x1  }
0x3a2: {  	v12 =	vmax.f32 v9, v60  }
0x3a3: {  	v13 =	vperm.xlane v12, v5;
	_ =	sdelay $0x1  }
0x3a4: {  	v12 =	vmax.f32 v12, v13  }
0x3a5: {  	v13 =	vperm.xlane v12, v7;
	_ =	sdelay $0x1  }
0x3a6: {  	v12 =	vmax.f32 v12, v13  }
0x3a7: {  	v13 =	vperm.xlane v12, v6;
	_ =	sdelay $0x1  }
0x3a8: {  	v12 =	vmax.f32 v12, v13  }
0x3a9: {  	vm1 =	veq.f32 v9, v12  }
0x3aa: {  	v12 =	vmctz.xlane vm1;
	_ =	sdelay $0x1  }
0x3ab: {  	vm1 =	veq.s32 v12, v0  }
0x3ac: {  	v9 =	vsel vm1, $0xFF800000, v9  }
0x3ad: {  	v61 =	vperm.xlane v9, v4;
	_ =	sdelay $0x1  }
0x3ae: {  	v13 =	vmax.f32 v9, v61  }
0x3af: {  	v14 =	vperm.xlane v13, v5;
	_ =	sdelay $0x1  }
0x3b0: {  	v13 =	vmax.f32 v13, v14  }
0x3b1: {  	v14 =	vperm.xlane v13, v7;
	_ =	sdelay $0x1  }
0x3b2: {  	s12 =	simm.s32 $0x0;
	v13 =	vmax.f32 v13, v14  }
0x3b3: {  	v10 =	vsel vm0, v10, v11;
	v11 =	vor.u32 s12, v8;
	v14 =	vperm.xlane v13, v6  }
0x3b4: {  	v10 =	vadd.s32 v11, v10  }
0x3b5: {  	v13 =	vmax.f32 v13, v14  }
0x3b6: {  	vm1 =	veq.f32 v9, v13  }
0x3b7: {  	s22 =	sshll.u32 s2, $0xB;
	v13 =	vmctz.xlane vm1  }
0x3b8: {  	v9 =	vor.u32 s22, v1  }
0x3b9: {  	v62 =	vld.idx.msk [tilespmem:v10+s31+$0x0], $0xffff;
	v15 =	vor.u32 s12, v9;
	v10 =	vsel vm0, v12, v13  }
0x3ba: {  	v11 =	vadd.s32 v11, v10;
	_ =	sdelay $0x3  }
0x3bb: {  	v10 =	vor.u32 s22, v3;
	[tilespmem:v15+s0+$0x0] =	vst.idx.msk $0xffff, v62  }
0x3bc: {  	v63 =	vor.u32 s12, v10;
	v11 =	vld.idx.msk [tilespmem:v11+s31+$0x0], $0xffff;
	_ =	sdelay $0x4  }
0x3bd: {  	s3 =	simm.s32 $0x1DF60;
	[tilespmem:v63+s0+$0x0] =	vst.idx.msk $0xffff, v11  }
0x3be: {  	s5 =	simm.s32 $0x2;
	s1 =	simm.s32 $0x1;
	v11 =	vld [tilespmem:s3+$0x0]  }
.LBB2_38:
0x3bf: {  	p1 =	sne.s32 s5, $0x3F;
	_ =	sdelay $0x3  }
0x3c0: {  	v12 =	vperm.xlane v11, v4;
	_ =	sdelay $0x1  }
0x3c1: {  	v12 =	vmax.f32 v11, v12  }
0x3c2: {  	v13 =	vperm.xlane v12, v5;
	_ =	sdelay $0x1  }
0x3c3: {  	v12 =	vmax.f32 v12, v13  }
0x3c4: {  	v13 =	vperm.xlane v12, v7;
	_ =	sdelay $0x1  }
0x3c5: {  	v12 =	vmax.f32 v12, v13  }
0x3c6: {  	v13 =	vperm.xlane v12, v6;
	_ =	sdelay $0x1  }
0x3c7: {  	v12 =	vmax.f32 v12, v13  }
0x3c8: {  	vm1 =	veq.f32 v11, v12  }
0x3c9: {  	v12 =	vmctz.xlane vm1;
	_ =	sdelay $0x1  }
0x3ca: {  	vm1 =	veq.s32 v12, v0  }
0x3cb: {  	v11 =	vsel vm1, $0xFF800000, v11  }
0x3cc: {  	v13 =	vperm.xlane v11, v4;
	_ =	sdelay $0x1  }
0x3cd: {  	v13 =	vmax.f32 v11, v13  }
0x3ce: {  	v14 =	vperm.xlane v13, v5;
	_ =	sdelay $0x1  }
0x3cf: {  	v13 =	vmax.f32 v13, v14  }
0x3d0: {  	v14 =	vperm.xlane v13, v7;
	_ =	sdelay $0x1  }
0x3d1: {  	v13 =	vmax.f32 v13, v14  }
0x3d2: {  	v14 =	vperm.xlane v13, v6;
	_ =	sdelay $0x1  }
0x3d3: {  	v13 =	vmax.f32 v13, v14  }
0x3d4: {  	vm1 =	veq.f32 v11, v13  }
0x3d5: {  	v13 =	vmctz.xlane vm1;
	_ =	sdelay $0x1  }
0x3d6: {  	vm1 =	veq.s32 v13, v0  }
0x3d7: {  	v11 =	vsel vm1, $0xFF800000, v11  }
0x3d8: {  	v14 =	vperm.xlane v11, v4;
	_ =	sdelay $0x1  }
0x3d9: {  	v14 =	vmax.f32 v11, v14  }
0x3da: {  	v15 =	vperm.xlane v14, v5;
	_ =	sdelay $0x1  }
0x3db: {  	v14 =	vmax.f32 v14, v15  }
0x3dc: {  	v15 =	vperm.xlane v14, v7;
	_ =	sdelay $0x1  }
0x3dd: {  	v14 =	vmax.f32 v14, v15  }
0x3de: {  	v15 =	vperm.xlane v14, v6;
	_ =	sdelay $0x1  }
0x3df: {  	v14 =	vmax.f32 v14, v15  }
0x3e0: {  	vm1 =	veq.f32 v11, v14  }
0x3e1: {  	v14 =	vmctz.xlane vm1;
	_ =	sdelay $0x1  }
0x3e2: {  	vm1 =	veq.s32 v14, v0  }
0x3e3: {  	v11 =	vsel vm1, $0xFF800000, v11  }
0x3e4: {  	v15 =	vperm.xlane v11, v4;
	_ =	sdelay $0x1  }
0x3e5: {  	v15 =	vmax.f32 v11, v15  }
0x3e6: {  	v16 =	vperm.xlane v15, v5;
	_ =	sdelay $0x1  }
0x3e7: {  	v15 =	vmax.f32 v15, v16  }
0x3e8: {  	v16 =	vperm.xlane v15, v7  }
0x3e9: {  	s12 =	sadd.s32 $0x10, s12  }
0x3ea: {  	v12 =	vsel vm0, v12, v13;
	v13 =	vor.u32 s12, v8;
	v15 =	vmax.f32 v15, v16  }
0x3eb: {  	v12 =	vadd.s32 v13, v12;
	v16 =	vperm.xlane v15, v6;
	_ =	sdelay $0x1  }
0x3ec: {  	v15 =	vmax.f32 v15, v16  }
0x3ed: {  	vm1 =	veq.f32 v11, v15  }
0x3ee: {  	v11 =	vmctz.xlane vm1  }
0x3ef: {  	v12 =	vld.idx.msk [tilespmem:v12+s31+$0x0], $0xffff  }
0x3f0: {  	v15 =	vor.u32 s1, v9;
	v11 =	vsel vm0, v14, v11  }
0x3f1: {  	v11 =	vadd.s32 v13, v11;
	_ =	sdelay $0x3  }
0x3f2: {  	[tilespmem:v15+s0+$0x0] =	vst.idx.msk $0xffff, v12  }
0x3f3: {  	v11 =	vld.idx.msk [tilespmem:v11+s31+$0x0], $0xffff  }
0x3f4: {  	v12 =	vor.u32 s1, v10;
	s1 =	smov.u32 s5;
	_ =	sdelay $0x1  }
.Ltmp22:
0x3f5: {  	(pc) =	sbr.rel @p1 .LBB2_38-.Ltmp22, $3  }
0x3f6: {  	_ =	sdelay $0x1  }
0x3f7: {  	s3 =	sadd.s32 $0x10, s3;
	[tilespmem:v12+s0+$0x0] =	vst.idx.msk $0xffff, v11  }
0x3f8: {  	s5 =	sadd.s32 $0x1, s5;
	v11 =	vld [tilespmem:s3+$0x0]  }
0x3f9: {  	_ =	sdelay $0x3  }
0x3fa: {  	v12 =	vperm.xlane v11, v4;
	_ =	sdelay $0x1  }
0x3fb: {  	v12 =	vmax.f32 v11, v12  }
0x3fc: {  	v13 =	vperm.xlane v12, v5;
	_ =	sdelay $0x1  }
0x3fd: {  	v12 =	vmax.f32 v12, v13  }
0x3fe: {  	v13 =	vperm.xlane v12, v7;
	_ =	sdelay $0x1  }
0x3ff: {  	v12 =	vmax.f32 v12, v13  }
0x400: {  	v13 =	vperm.xlane v12, v6;
	_ =	sdelay $0x1  }
0x401: {  	v12 =	vmax.f32 v12, v13  }
0x402: {  	vm1 =	veq.f32 v11, v12  }
0x403: {  	v12 =	vmctz.xlane vm1;
	_ =	sdelay $0x1  }
0x404: {  	vm1 =	veq.s32 v12, v0  }
0x405: {  	v11 =	vsel vm1, $0xFF800000, v11  }
0x406: {  	v60 =	vperm.xlane v11, v4;
	_ =	sdelay $0x1  }
0x407: {  	v13 =	vmax.f32 v11, v60  }
0x408: {  	v14 =	vperm.xlane v13, v5;
	_ =	sdelay $0x1  }
0x409: {  	v13 =	vmax.f32 v13, v14  }
0x40a: {  	v14 =	vperm.xlane v13, v7;
	_ =	sdelay $0x1  }
0x40b: {  	v13 =	vmax.f32 v13, v14  }
0x40c: {  	v14 =	vperm.xlane v13, v6;
	_ =	sdelay $0x1  }
0x40d: {  	v13 =	vmax.f32 v13, v14  }
0x40e: {  	vm1 =	veq.f32 v11, v13  }
0x40f: {  	v13 =	vmctz.xlane vm1;
	_ =	sdelay $0x1  }
0x410: {  	vm1 =	veq.s32 v13, v0  }
0x411: {  	v11 =	vsel vm1, $0xFF800000, v11  }
0x412: {  	v61 =	vperm.xlane v11, v4;
	_ =	sdelay $0x1  }
0x413: {  	v14 =	vmax.f32 v11, v61  }
0x414: {  	v15 =	vperm.xlane v14, v5;
	_ =	sdelay $0x1  }
0x415: {  	v14 =	vmax.f32 v14, v15  }
0x416: {  	v15 =	vperm.xlane v14, v7;
	_ =	sdelay $0x1  }
0x417: {  	v14 =	vmax.f32 v14, v15  }
0x418: {  	v15 =	vperm.xlane v14, v6;
	_ =	sdelay $0x1  }
0x419: {  	v14 =	vmax.f32 v14, v15  }
0x41a: {  	vm1 =	veq.f32 v11, v14  }
0x41b: {  	v14 =	vmctz.xlane vm1;
	_ =	sdelay $0x1  }
0x41c: {  	vm1 =	veq.s32 v14, v0  }
0x41d: {  	v11 =	vsel vm1, $0xFF800000, v11  }
0x41e: {  	v62 =	vperm.xlane v11, v4;
	_ =	sdelay $0x1  }
0x41f: {  	v15 =	vmax.f32 v11, v62  }
0x420: {  	v16 =	vperm.xlane v15, v5;
	_ =	sdelay $0x1  }
0x421: {  	v15 =	vmax.f32 v15, v16  }
0x422: {  	v16 =	vperm.xlane v15, v7;
	_ =	sdelay $0x1  }
0x423: {  	s3 =	sadd.s32 $0x10, s12;
	v15 =	vmax.f32 v15, v16  }
0x424: {  	v63 =	vor.u32 s3, v8;
	v12 =	vsel vm0, v12, v13;
	v16 =	vperm.xlane v15, v6  }
0x425: {  	v12 =	vadd.s32 v63, v12  }
0x426: {  	v15 =	vmax.f32 v15, v16  }
0x427: {  	vm1 =	veq.f32 v11, v15  }
0x428: {  	v11 =	vmctz.xlane vm1;
	_ =	sdelay $0x1  }
0x429: {  	v9 =	vor.u32 s1, v9;
	v12 =	vld.idx.msk [tilespmem:v12+s31+$0x0], $0xffff;
	v11 =	vsel vm0, v14, v11  }
0x42a: {  	v11 =	vadd.s32 v63, v11;
	_ =	sdelay $0x3  }
0x42b: {  	[tilespmem:v9+s0+$0x0] =	vst.idx.msk $0xffff, v12  }
0x42c: {  	v10 =	vor.u32 s1, v10;
	p1 =	sne.s32 s2, $0x0;
	v9 =	vld.idx.msk [tilespmem:v11+s31+$0x0], $0xffff  }
.Ltmp23:
0x42d: {  	_ = 	snop;
	(pc) =	sbr.rel @p1 .LBB2_41-.Ltmp23, $4  }
0x42e: {  	_ = 	snop  }
0x42f: {  	s22 =	rddreg [dreg:$0x8]  }
0x430: {  	s1 =	sadd.s32 s22, s11  }
0x431: {  	s8 =	rddreg [dreg:$0x9];
	s2 =	sadd.s32 $0x186A, s1;
	s3 =	sadd.s32 $0x30D4, s1;
	[tilespmem:v10+s0+$0x0] =	vst.idx.msk $0xffff, v9  }
0x432: {  	[hbm4b:s1+s7] =	stream.linear.scatter [tilespmem:s0], [sflag:$0x5], $0x40, $0x38;
	[tilespmem:$0x1FB50] =	vst v63  }
0x433: {  	s5 =	simm.s32 $0x1E390  }
0x434: {  	[hbm4b:s2+s7] =	stream.linear.scatter [tilespmem:s5], [sflag:$0x5], $0x40, $0x38;
	[tilespmem:$0x1FB50] =	vst v63  }
0x435: {  	s20 =	simm.s32 $0x1E3D0  }
0x436: {  	[hbm4b:s3+s7] =	stream.linear.scatter [tilespmem:s20], [sflag:$0x5], $0x40, $0x38;
	[tilespmem:$0x1FB50] =	vst v63  }
0x437: {  	s22 =	sadd.s32 $0x493E, s1;
	s9 =	simm.s32 $0x1E410  }
0x438: {  	[hbm4b:s22+s7] =	stream.linear.scatter [tilespmem:s9], [sflag:$0x5], $0x40, $0x38;
	[tilespmem:$0x1FB50] =	vst v63  }
0x439: {  	s10 =	simm.s32 $0x1E450;
	s9 =	sadd.s32 $0x61A8, s1  }
0x43a: {  	[hbm4b:s9+s7] =	stream.linear.scatter [tilespmem:s10], [sflag:$0x5], $0x40, $0x38;
	[tilespmem:$0x1FB50] =	vst v63  }
0x43b: {  	s11 =	sadd.s32 $0x7A12, s1;
	s12 =	simm.s32 $0x1E490  }
0x43c: {  	[hbm4b:s11+s7] =	stream.linear.scatter [tilespmem:s12], [sflag:$0x5], $0x40, $0x38;
	[tilespmem:$0x1FB50] =	vst v63  }
0x43d: {  	s18 =	sadd.s32 $0x927C, s1;
	s19 =	simm.s32 $0x1E4D0  }
0x43e: {  	[hbm4b:s18+s7] =	stream.linear.scatter [tilespmem:s19], [sflag:$0x5], $0x40, $0x38;
	[tilespmem:$0x1FB50] =	vst v63  }
0x43f: {  	s20 =	sadd.s32 $0xAAE6, s1;
	s22 =	simm.s32 $0x1E510  }
0x440: {  	[hbm4b:s20+s7] =	stream.linear.scatter [tilespmem:s22], [sflag:$0x5], $0x40, $0x38;
	[tilespmem:$0x1FB50] =	vst v63  }
0x441: {  	s9 =	sadd.s32 $0xC350, s1;
	s10 =	simm.s32 $0x1E550  }
0x442: {  	[hbm4b:s9+s7] =	stream.linear.scatter [tilespmem:s10], [sflag:$0x5], $0x40, $0x38;
	[tilespmem:$0x1FB50] =	vst v63  }
0x443: {  	s11 =	sadd.s32 $0xDBBA, s1;
	s12 =	simm.s32 $0x1E590  }
0x444: {  	[hbm4b:s11+s7] =	stream.linear.scatter [tilespmem:s12], [sflag:$0x5], $0x40, $0x38;
	[tilespmem:$0x1FB50] =	vst v63  }
0x445: {  	s18 =	sadd.s32 $0xF424, s1;
	s19 =	simm.s32 $0x1E5D0  }
0x446: {  	[hbm4b:s18+s7] =	stream.linear.scatter [tilespmem:s19], [sflag:$0x5], $0x40, $0x38;
	[tilespmem:$0x1FB50] =	vst v63  }
0x447: {  	s20 =	sadd.s32 $0x10C8E, s1;
	s22 =	simm.s32 $0x1E610  }
0x448: {  	[hbm4b:s20+s7] =	stream.linear.scatter [tilespmem:s22], [sflag:$0x5], $0x40, $0x38;
	[tilespmem:$0x1FB50] =	vst v63  }
0x449: {  	s9 =	sadd.s32 $0x124F8, s1;
	s10 =	simm.s32 $0x1E650  }
0x44a: {  	[hbm4b:s9+s7] =	stream.linear.scatter [tilespmem:s10], [sflag:$0x5], $0x40, $0x38;
	[tilespmem:$0x1FB50] =	vst v63  }
0x44b: {  	s11 =	sadd.s32 $0x13D62, s1;
	s12 =	simm.s32 $0x1E690  }
0x44c: {  	[hbm4b:s11+s7] =	stream.linear.scatter [tilespmem:s12], [sflag:$0x5], $0x40, $0x38;
	[tilespmem:$0x1FB50] =	vst v63  }
0x44d: {  	s18 =	sadd.s32 $0x155CC, s1;
	s19 =	simm.s32 $0x1E6D0  }
0x44e: {  	[hbm4b:s18+s7] =	stream.linear.scatter [tilespmem:s19], [sflag:$0x5], $0x40, $0x38;
	[tilespmem:$0x1FB50] =	vst v63  }
0x44f: {  	s20 =	sadd.s32 $0x16E36, s1;
	s22 =	simm.s32 $0x1E710  }
0x450: {  	[hbm4b:s20+s7] =	stream.linear.scatter [tilespmem:s22], [sflag:$0x5], $0x40, $0x38;
	[tilespmem:$0x1FB50] =	vst v63  }
0x451: {  	s9 =	sadd.s32 $0x186A0, s1;
	s10 =	simm.s32 $0x1E750  }
0x452: {  	[hbm4b:s9+s7] =	stream.linear.scatter [tilespmem:s10], [sflag:$0x5], $0x40, $0x38;
	[tilespmem:$0x1FB50] =	vst v63  }
0x453: {  	s11 =	sadd.s32 $0x19F0A, s1;
	s12 =	simm.s32 $0x1E790  }
0x454: {  	[hbm4b:s11+s7] =	stream.linear.scatter [tilespmem:s12], [sflag:$0x5], $0x40, $0x38;
	[tilespmem:$0x1FB50] =	vst v63  }
0x455: {  	s18 =	sadd.s32 $0x1B774, s1;
	s19 =	simm.s32 $0x1E7D0  }
0x456: {  	[hbm4b:s18+s7] =	stream.linear.scatter [tilespmem:s19], [sflag:$0x5], $0x40, $0x38;
	[tilespmem:$0x1FB50] =	vst v63  }
0x457: {  	s20 =	sadd.s32 $0x1CFDE, s1;
	s22 =	simm.s32 $0x1E810  }
0x458: {  	[hbm4b:s20+s7] =	stream.linear.scatter [tilespmem:s22], [sflag:$0x5], $0x40, $0x38;
	[tilespmem:$0x1FB50] =	vst v63  }
0x459: {  	s9 =	sadd.s32 $0x1E848, s1;
	s10 =	simm.s32 $0x1E850  }
0x45a: {  	[hbm4b:s9+s7] =	stream.linear.scatter [tilespmem:s10], [sflag:$0x5], $0x40, $0x38;
	[tilespmem:$0x1FB50] =	vst v63  }
0x45b: {  	s11 =	sadd.s32 $0x200B2, s1;
	s12 =	simm.s32 $0x1E890  }
0x45c: {  	[hbm4b:s11+s7] =	stream.linear.scatter [tilespmem:s12], [sflag:$0x5], $0x40, $0x38;
	[tilespmem:$0x1FB50] =	vst v63  }
0x45d: {  	s18 =	sadd.s32 $0x2191C, s1;
	s19 =	simm.s32 $0x1E8D0  }
0x45e: {  	[hbm4b:s18+s7] =	stream.linear.scatter [tilespmem:s19], [sflag:$0x5], $0x40, $0x38;
	[tilespmem:$0x1FB50] =	vst v63  }
0x45f: {  	s20 =	sadd.s32 $0x23186, s1;
	s22 =	simm.s32 $0x1E910  }
0x460: {  	[hbm4b:s20+s7] =	stream.linear.scatter [tilespmem:s22], [sflag:$0x5], $0x40, $0x38;
	[tilespmem:$0x1FB50] =	vst v63  }
0x461: {  	s9 =	sadd.s32 $0x249F0, s1;
	s10 =	simm.s32 $0x1E950  }
0x462: {  	[hbm4b:s9+s7] =	stream.linear.scatter [tilespmem:s10], [sflag:$0x5], $0x40, $0x38;
	[tilespmem:$0x1FB50] =	vst v63  }
0x463: {  	s11 =	sadd.s32 $0x2625A, s1;
	s12 =	simm.s32 $0x1E990  }
0x464: {  	[hbm4b:s11+s7] =	stream.linear.scatter [tilespmem:s12], [sflag:$0x5], $0x40, $0x38;
	[tilespmem:$0x1FB50] =	vst v63  }
0x465: {  	s18 =	sadd.s32 $0x27AC4, s1;
	s19 =	simm.s32 $0x1E9D0  }
0x466: {  	[hbm4b:s18+s7] =	stream.linear.scatter [tilespmem:s19], [sflag:$0x5], $0x40, $0x38;
	[tilespmem:$0x1FB50] =	vst v63  }
0x467: {  	s20 =	sadd.s32 $0x2932E, s1;
	s22 =	simm.s32 $0x1EA10  }
0x468: {  	[hbm4b:s20+s7] =	stream.linear.scatter [tilespmem:s22], [sflag:$0x5], $0x40, $0x38;
	[tilespmem:$0x1FB50] =	vst v63  }
0x469: {  	s9 =	sadd.s32 $0x2AB98, s1;
	s10 =	simm.s32 $0x1EA50  }
0x46a: {  	[hbm4b:s9+s7] =	stream.linear.scatter [tilespmem:s10], [sflag:$0x5], $0x40, $0x38;
	[tilespmem:$0x1FB50] =	vst v63  }
0x46b: {  	s11 =	sadd.s32 $0x2C402, s1;
	s12 =	simm.s32 $0x1EA90  }
0x46c: {  	[hbm4b:s11+s7] =	stream.linear.scatter [tilespmem:s12], [sflag:$0x5], $0x40, $0x38;
	[tilespmem:$0x1FB50] =	vst v63  }
0x46d: {  	s18 =	sadd.s32 $0x2DC6C, s1;
	s19 =	simm.s32 $0x1EAD0  }
0x46e: {  	[hbm4b:s18+s7] =	stream.linear.scatter [tilespmem:s19], [sflag:$0x5], $0x40, $0x38;
	[tilespmem:$0x1FB50] =	vst v63  }
0x46f: {  	s20 =	sadd.s32 $0x2F4D6, s1;
	s22 =	simm.s32 $0x1EB10  }
0x470: {  	[hbm4b:s20+s7] =	stream.linear.scatter [tilespmem:s22], [sflag:$0x5], $0x40, $0x38;
	[tilespmem:$0x1FB50] =	vst v63  }
.LBB2_41:
.Ltmp24:
0x471: {  	(pc) =	sbr.rel @!p0 .LBB2_43-.Ltmp24, $1  }
0x472: {  	_ =	sdelay $0x3  }
0x473: {  	s5 =	simm.s32 $0x1EB50  }
0x474: {  	[hbm4b:s1+s7] =	stream.linear.scatter [tilespmem:s5], [sflag:$0x4], $0x40, $0x38;
	[tilespmem:$0x1FB50] =	vst v63  }
0x475: {  	s22 =	simm.s32 $0x1EB90  }
0x476: {  	[hbm4b:s2+s7] =	stream.linear.scatter [tilespmem:s22], [sflag:$0x4], $0x40, $0x38;
	[tilespmem:$0x1FB50] =	vst v63  }
0x477: {  	s5 =	simm.s32 $0x1EBD0  }
0x478: {  	[hbm4b:s3+s7] =	stream.linear.scatter [tilespmem:s5], [sflag:$0x4], $0x40, $0x38;
	[tilespmem:$0x1FB50] =	vst v63  }
0x479: {  	s9 =	sadd.s32 $0x493E, s1;
	s10 =	simm.s32 $0x1EC10  }
0x47a: {  	[hbm4b:s9+s7] =	stream.linear.scatter [tilespmem:s10], [sflag:$0x4], $0x40, $0x38;
	[tilespmem:$0x1FB50] =	vst v63  }
0x47b: {  	s11 =	sadd.s32 $0x61A8, s1;
	s12 =	simm.s32 $0x1EC50  }
0x47c: {  	[hbm4b:s11+s7] =	stream.linear.scatter [tilespmem:s12], [sflag:$0x4], $0x40, $0x38;
	[tilespmem:$0x1FB50] =	vst v63  }
0x47d: {  	s18 =	sadd.s32 $0x7A12, s1;
	s19 =	simm.s32 $0x1EC90  }
0x47e: {  	[hbm4b:s18+s7] =	stream.linear.scatter [tilespmem:s19], [sflag:$0x4], $0x40, $0x38;
	[tilespmem:$0x1FB50] =	vst v63  }
0x47f: {  	s20 =	sadd.s32 $0x927C, s1;
	s22 =	simm.s32 $0x1ECD0  }
0x480: {  	[hbm4b:s20+s7] =	stream.linear.scatter [tilespmem:s22], [sflag:$0x4], $0x40, $0x38;
	[tilespmem:$0x1FB50] =	vst v63  }
0x481: {  	s3 =	sadd.s32 $0xAAE6, s1;
	s5 =	simm.s32 $0x1ED10  }
0x482: {  	[hbm4b:s3+s7] =	stream.linear.scatter [tilespmem:s5], [sflag:$0x4], $0x40, $0x38;
	[tilespmem:$0x1FB50] =	vst v63  }
0x483: {  	s9 =	sadd.s32 $0xC350, s1;
	s10 =	simm.s32 $0x1ED50  }
0x484: {  	[hbm4b:s9+s7] =	stream.linear.scatter [tilespmem:s10], [sflag:$0x4], $0x40, $0x38;
	[tilespmem:$0x1FB50] =	vst v63  }
0x485: {  	s11 =	sadd.s32 $0xDBBA, s1;
	s12 =	simm.s32 $0x1ED90  }
0x486: {  	[hbm4b:s11+s7] =	stream.linear.scatter [tilespmem:s12], [sflag:$0x4], $0x40, $0x38;
	[tilespmem:$0x1FB50] =	vst v63  }
0x487: {  	s18 =	sadd.s32 $0xF424, s1;
	s19 =	simm.s32 $0x1EDD0  }
0x488: {  	[hbm4b:s18+s7] =	stream.linear.scatter [tilespmem:s19], [sflag:$0x4], $0x40, $0x38;
	[tilespmem:$0x1FB50] =	vst v63  }
0x489: {  	s20 =	sadd.s32 $0x10C8E, s1;
	s22 =	simm.s32 $0x1EE10  }
0x48a: {  	[hbm4b:s20+s7] =	stream.linear.scatter [tilespmem:s22], [sflag:$0x4], $0x40, $0x38;
	[tilespmem:$0x1FB50] =	vst v63  }
0x48b: {  	s3 =	sadd.s32 $0x124F8, s1;
	s5 =	simm.s32 $0x1EE50  }
0x48c: {  	[hbm4b:s3+s7] =	stream.linear.scatter [tilespmem:s5], [sflag:$0x4], $0x40, $0x38;
	[tilespmem:$0x1FB50] =	vst v63  }
0x48d: {  	s9 =	sadd.s32 $0x13D62, s1;
	s10 =	simm.s32 $0x1EE90  }
0x48e: {  	[hbm4b:s9+s7] =	stream.linear.scatter [tilespmem:s10], [sflag:$0x4], $0x40, $0x38;
	[tilespmem:$0x1FB50] =	vst v63  }
0x48f: {  	s11 =	sadd.s32 $0x155CC, s1;
	s12 =	simm.s32 $0x1EED0  }
0x490: {  	[hbm4b:s11+s7] =	stream.linear.scatter [tilespmem:s12], [sflag:$0x4], $0x40, $0x38;
	[tilespmem:$0x1FB50] =	vst v63  }
0x491: {  	s18 =	sadd.s32 $0x16E36, s1;
	s19 =	simm.s32 $0x1EF10  }
0x492: {  	[hbm4b:s18+s7] =	stream.linear.scatter [tilespmem:s19], [sflag:$0x4], $0x40, $0x38;
	[tilespmem:$0x1FB50] =	vst v63  }
0x493: {  	s20 =	sadd.s32 $0x186A0, s1;
	s22 =	simm.s32 $0x1EF50  }
0x494: {  	[hbm4b:s20+s7] =	stream.linear.scatter [tilespmem:s22], [sflag:$0x4], $0x40, $0x38;
	[tilespmem:$0x1FB50] =	vst v63  }
0x495: {  	s3 =	sadd.s32 $0x19F0A, s1;
	s5 =	simm.s32 $0x1EF90  }
0x496: {  	[hbm4b:s3+s7] =	stream.linear.scatter [tilespmem:s5], [sflag:$0x4], $0x40, $0x38;
	[tilespmem:$0x1FB50] =	vst v63  }
0x497: {  	s9 =	sadd.s32 $0x1B774, s1;
	s10 =	simm.s32 $0x1EFD0  }
0x498: {  	[hbm4b:s9+s7] =	stream.linear.scatter [tilespmem:s10], [sflag:$0x4], $0x40, $0x38;
	[tilespmem:$0x1FB50] =	vst v63  }
0x499: {  	s11 =	sadd.s32 $0x1CFDE, s1;
	s12 =	simm.s32 $0x1F010  }
0x49a: {  	[hbm4b:s11+s7] =	stream.linear.scatter [tilespmem:s12], [sflag:$0x4], $0x40, $0x38;
	[tilespmem:$0x1FB50] =	vst v63  }
0x49b: {  	s18 =	sadd.s32 $0x1E848, s1;
	s19 =	simm.s32 $0x1F050  }
0x49c: {  	[hbm4b:s18+s7] =	stream.linear.scatter [tilespmem:s19], [sflag:$0x4], $0x40, $0x38;
	[tilespmem:$0x1FB50] =	vst v63  }
0x49d: {  	s20 =	sadd.s32 $0x200B2, s1;
	s22 =	simm.s32 $0x1F090  }
0x49e: {  	[hbm4b:s20+s7] =	stream.linear.scatter [tilespmem:s22], [sflag:$0x4], $0x40, $0x38;
	[tilespmem:$0x1FB50] =	vst v63  }
0x49f: {  	s3 =	sadd.s32 $0x2191C, s1;
	s5 =	simm.s32 $0x1F0D0  }
0x4a0: {  	[hbm4b:s3+s7] =	stream.linear.scatter [tilespmem:s5], [sflag:$0x4], $0x40, $0x38;
	[tilespmem:$0x1FB50] =	vst v63  }
0x4a1: {  	s9 =	sadd.s32 $0x23186, s1;
	s10 =	simm.s32 $0x1F110  }
0x4a2: {  	[hbm4b:s9+s7] =	stream.linear.scatter [tilespmem:s10], [sflag:$0x4], $0x40, $0x38;
	[tilespmem:$0x1FB50] =	vst v63  }
0x4a3: {  	s11 =	sadd.s32 $0x249F0, s1;
	s12 =	simm.s32 $0x1F150  }
0x4a4: {  	[hbm4b:s11+s7] =	stream.linear.scatter [tilespmem:s12], [sflag:$0x4], $0x40, $0x38;
	[tilespmem:$0x1FB50] =	vst v63  }
0x4a5: {  	s18 =	sadd.s32 $0x2625A, s1;
	s19 =	simm.s32 $0x1F190  }
0x4a6: {  	[hbm4b:s18+s7] =	stream.linear.scatter [tilespmem:s19], [sflag:$0x4], $0x40, $0x38;
	[tilespmem:$0x1FB50] =	vst v63  }
0x4a7: {  	s20 =	sadd.s32 $0x27AC4, s1;
	s22 =	simm.s32 $0x1F1D0  }
0x4a8: {  	[hbm4b:s20+s7] =	stream.linear.scatter [tilespmem:s22], [sflag:$0x4], $0x40, $0x38;
	[tilespmem:$0x1FB50] =	vst v63  }
0x4a9: {  	s3 =	sadd.s32 $0x2932E, s1;
	s5 =	simm.s32 $0x1F210  }
0x4aa: {  	[hbm4b:s3+s7] =	stream.linear.scatter [tilespmem:s5], [sflag:$0x4], $0x40, $0x38;
	[tilespmem:$0x1FB50] =	vst v63  }
0x4ab: {  	s9 =	sadd.s32 $0x2AB98, s1;
	s10 =	simm.s32 $0x1F250  }
0x4ac: {  	[hbm4b:s9+s7] =	stream.linear.scatter [tilespmem:s10], [sflag:$0x4], $0x40, $0x38;
	[tilespmem:$0x1FB50] =	vst v63  }
0x4ad: {  	s11 =	sadd.s32 $0x2C402, s1;
	s12 =	simm.s32 $0x1F290  }
0x4ae: {  	[hbm4b:s11+s7] =	stream.linear.scatter [tilespmem:s12], [sflag:$0x4], $0x40, $0x38;
	[tilespmem:$0x1FB50] =	vst v63  }
.Ltmp25:
0x4af: {  	_ = 	snop;
	(pc) =	sbr.rel .LBB2_43-.Ltmp25, $4  }
0x4b0: {  	s18 =	sadd.s32 $0x2DC6C, s1;
	s19 =	simm.s32 $0x1F2D0  }
0x4b1: {  	[hbm4b:s18+s7] =	stream.linear.scatter [tilespmem:s19], [sflag:$0x4], $0x40, $0x38;
	[tilespmem:$0x1FB50] =	vst v63  }
0x4b2: {  	s20 =	sadd.s32 $0x2F4D6, s1;
	s22 =	simm.s32 $0x1F310  }
0x4b3: {  	[hbm4b:s20+s7] =	stream.linear.scatter [tilespmem:s22], [sflag:$0x4], $0x40, $0x38;
	[tilespmem:$0x1FB50] =	vst v63  }
.LBB2_45:
0x4b4: {  	_ =	sfence.sel $0x180000  }
0x4b5: {  	[bflag:$0x0] =	sbarrier.arrive $0xFFFF  }
0x4b6: {  	_ =	strace $0x90000047  }
0x4b7: {  	s0 =	stileid.u32;
	[bflag:$0x2] =	sbarrier.arrive $0xFFFF  }
0x4b8: {  	p0 =	sne.s32 s0, $0x0;
	s0 =	rddreg [dreg:$0x6]  }
0x4b9: {  	s0 =	sadd.s32 @!p0 $0x100000, s0  }
0x4ba: {  	[sflag:s0] =	ssyncadd.tile.s32 @!p0 $0x1;
	_ =	shalt  }
.Lfunc_end2:
_tile_overlayer_lowered:
.L_overlay_start_2:
0x4bb: {  	(tag) =	ssettag $0x2  }
0x4bc: {  	s0 =	rddreg [dreg:$0x0];
	s2 =	stileid.u32  }
0x4bd: {  	s1 =	rddreg [dreg:$0x1];
	p0 =	sne.s32 s2, $0x0  }
0x4be: {  	s3 =	rddreg [dreg:$0x2];
	[bflag:$0x3] =	sbarrier.arrive $0xFFFF;
	s2 =	simm.s32 @!p0 $0x1C06  }
0x4bf: {  	[timem:s3], [sflag:s2] =	dma.local @!p0 [hbm:s0], s1  }
0x4c0: {  	s0 =	simm.s32 @!p0 $0x6  }
0x4c1: {  	_ =	swait.ge @!p0 [sflag:s0], s1  }
0x4c2: {  	s1 =	ssub.s32 @!p0 $0x0, s1;
	[sflag:s0] =	ssyncset.done @!p0 $0x0  }
0x4c3: {  	[sflag:s0] =	ssyncadd.s32 @!p0 s1  }
0x4c4: {  	[bflag:$0x3] =	sbarrier.arrive $0xFFFF  }
0x4c5: {  	_ =	shalt  }

</sc_bundles>
